<compile_context>
chip_gen: v7x
topology: tpu7x:2x2x1
jax: 0.10.2.dev20260603
libtpu: 0.0.44.dev20260713+nightly
codegen_flags: <defaults>
</compile_context>

<pallas_src>
import jax
import jax.numpy as jnp
from jax import lax
from jax.experimental import pallas as pl
from jax.experimental.pallas import tpu as pltpu
from jax.experimental.pallas import tpu_sc as plsc

N = 10000
E = 320000
D_IN = 128
D_H = 32
D_OUT = 128

NUM_CORES = 2
NUM_SUBCORES = 16
NTILES = NUM_CORES * NUM_SUBCORES
CHUNK = 128
NCK = E // CHUNK
CPT = NCK // NTILES
XTRA = NCK - NTILES * CPT
CPT1 = CPT + 1
TBL = 10240
RPT = TBL // NUM_SUBCORES
DEG_W = 8
ROWS_TC = 5000
GRID = N // ROWS_TC

_mesh = plsc.VectorSubcoreMesh(core_axis_name="c", subcore_axis_name="s")
_sc_params = pltpu.CompilerParams(use_tc_tiling_on_sc=False)



def _deg_body(edges_hbm, ones_hbm, zeros_hbm, out_hbm, dst_v, ones_v, z_v,
              table, ssem):
    c = lax.axis_index("c")
    s = lax.axis_index("s")
    wid = c * NUM_SUBCORES + s
    r0 = s * RPT
    base = wid * CPT + jnp.minimum(wid, XTRA)
    cnt = jnp.where(wid < XTRA, CPT1, CPT)
    pltpu.sync_copy(ones_hbm, ones_v)
    pltpu.sync_copy(zeros_hbm, z_v)
    for k in range(RPT // CHUNK):
        pltpu.sync_copy(z_v, table.at[pl.ds(r0 + k * CHUNK, CHUNK)])
    pltpu.sync_copy(edges_hbm.at[1, pl.ds(base, CPT)], dst_v.at[pl.ds(0, CPT)])

    @pl.when(wid < XTRA)
    def _():
        pltpu.sync_copy(edges_hbm.at[1, pl.ds(base + CPT, 1)],
                        dst_v.at[pl.ds(CPT, 1)])

    plsc.subcore_barrier()

    def body(j, carry):
        pltpu.async_copy(ones_v, table.at[dst_v.at[j]], ssem, add=True)
        return carry

    lax.fori_loop(0, cnt, body, 0)

    def wbody(j, carry):
        pltpu.make_async_copy(ones_v, table.at[dst_v.at[0]], ssem).wait()
        return carry

    lax.fori_loop(0, cnt, wbody, 0)
    plsc.subcore_barrier()
    pltpu.sync_copy(table.at[pl.ds(r0, RPT)], out_hbm.at[c, pl.ds(r0, RPT)])


_deg_call = pl.kernel(
    _deg_body,
    mesh=_mesh,
    compiler_params=_sc_params,
    out_type=jax.ShapeDtypeStruct((NUM_CORES, TBL, DEG_W), jnp.float32),
    scratch_types=[
        pltpu.VMEM((CPT1, CHUNK), jnp.int32),
        pltpu.VMEM((CHUNK, DEG_W), jnp.float32),
        pltpu.VMEM((CHUNK, DEG_W), jnp.float32),
        pltpu.VMEM_SHARED((TBL, DEG_W), jnp.float32),
        pltpu.SemaphoreType.DMA,
    ],
)


NBUF = 6


def _agg_body(tbl_hbm, edges_hbm, zeros_hbm, out_hbm,
              src_v, dst_v, rows_bufs, z_v, table, tblsh, gsems, ssems):
    c = lax.axis_index("c")
    s = lax.axis_index("s")
    wid = c * NUM_SUBCORES + s
    r0 = s * RPT
    base = wid * CPT + jnp.minimum(wid, XTRA)
    cnt = jnp.where(wid < XTRA, CPT1, CPT)
    pltpu.sync_copy(tbl_hbm.at[pl.ds(r0, RPT)], tblsh.at[pl.ds(r0, RPT)])
    pltpu.sync_copy(zeros_hbm, z_v)
    for k in range(RPT // CHUNK):
        pltpu.sync_copy(z_v, table.at[pl.ds(r0 + k * CHUNK, CHUNK)])
    pltpu.sync_copy(edges_hbm.at[0, pl.ds(base, CPT)], src_v.at[pl.ds(0, CPT)])
    pltpu.sync_copy(edges_hbm.at[1, pl.ds(base, CPT)], dst_v.at[pl.ds(0, CPT)])

    @pl.when(wid < XTRA)
    def _():
        pltpu.sync_copy(edges_hbm.at[0, pl.ds(base + CPT, 1)],
                        src_v.at[pl.ds(CPT, 1)])
        pltpu.sync_copy(edges_hbm.at[1, pl.ds(base + CPT, 1)],
                        dst_v.at[pl.ds(CPT, 1)])

    plsc.subcore_barrier()

    def gather(chunk, rows, sem):
        return pltpu.async_copy(tblsh.at[src_v.at[chunk]], rows, sem)

    def gather_wait(rows, sem):
        pltpu.make_async_copy(tblsh.at[src_v.at[0]], rows, sem).wait()

    def scatter(chunk, rows, sem):
        return pltpu.async_copy(rows, table.at[dst_v.at[chunk]], sem, add=True)

    for b in range(NBUF):
        gather(b, rows_bufs[b], gsems[b])
    last = cnt - 1

    def body(j, carry):
        c0 = NBUF * j
        handles = []
        for b in range(NBUF):
            gather_wait(rows_bufs[b], gsems[b])
            handles.append(scatter(c0 + b, rows_bufs[b], ssems[b]))
        for b in range(NBUF):
            handles[b].wait()
            gather(jnp.minimum(c0 + b + NBUF, last), rows_bufs[b], gsems[b])
        return carry

    lax.fori_loop(0, CPT // NBUF, body, 0)
    gather_wait(rows_bufs[0], gsems[0])

    @pl.when(wid < XTRA)
    def _():
        scatter(CPT, rows_bufs[0], ssems[0]).wait()

    for b in range(1, NBUF):
        gather_wait(rows_bufs[b], gsems[b])
    plsc.subcore_barrier()
    pltpu.sync_copy(table.at[pl.ds(r0, RPT)], out_hbm.at[c, pl.ds(r0, RPT)])


_agg_call = pl.kernel(
    _agg_body,
    mesh=_mesh,
    compiler_params=_sc_params,
    out_type=jax.ShapeDtypeStruct((NUM_CORES, TBL, D_H), jnp.float32),
    scratch_types=[
        pltpu.VMEM((CPT1, CHUNK), jnp.int32),
        pltpu.VMEM((CPT1, CHUNK), jnp.int32),
        [pltpu.VMEM((CHUNK, D_H), jnp.float32) for _ in range(NBUF)],
        pltpu.VMEM((CHUNK, D_H), jnp.float32),
        pltpu.VMEM_SHARED((TBL, D_H), jnp.float32),
        pltpu.VMEM_SHARED((TBL, D_H), jnp.float32),
        [pltpu.SemaphoreType.DMA for _ in range(NBUF)],
        [pltpu.SemaphoreType.DMA for _ in range(NBUF)],
    ],
)



def _k1_body(x_ref, w1_ref, degp_ref, hs_ref, dinv_ref):
    deg = degp_ref[0] + degp_ref[1] + 1.0
    dinv = lax.rsqrt(deg[:, 0:1])
    h1 = jnp.dot(x_ref[...], w1_ref[...], preferred_element_type=jnp.float32)
    hs_ref[...] = h1 * dinv
    dinv_ref[...] = dinv


def _k2_body(aggp_ref, hs_ref, dinv_ref, b1_ref, g_ref):
    p = aggp_ref[0] + aggp_ref[1] + hs_ref[...]
    dinv = dinv_ref[...]
    z = jnp.maximum(dinv * p + b1_ref[...], 0.0)
    g_ref[...] = z * dinv


def _k3_body(aggp_ref, g_ref, dinv_ref, w2_ref, b2_ref, out_ref):
    a = dinv_ref[...] * (aggp_ref[0] + aggp_ref[1] + g_ref[...])
    out_ref[...] = (
        jnp.dot(a, w2_ref[...], preferred_element_type=jnp.float32) + b2_ref[...]
    )


_k1_call = pl.pallas_call(
    _k1_body,
    grid=(GRID,),
    in_specs=[
        pl.BlockSpec((ROWS_TC, D_IN), lambda i: (i, 0)),
        pl.BlockSpec((D_IN, D_H), lambda i: (0, 0)),
        pl.BlockSpec((NUM_CORES, ROWS_TC, DEG_W), lambda i: (0, i, 0)),
    ],
    out_specs=[
        pl.BlockSpec((ROWS_TC, D_H), lambda i: (i, 0)),
        pl.BlockSpec((ROWS_TC, 1), lambda i: (i, 0)),
    ],
    out_shape=[
        jax.ShapeDtypeStruct((TBL, D_H), jnp.float32),
        jax.ShapeDtypeStruct((N, 1), jnp.float32),
    ],
)

_k2_call = pl.pallas_call(
    _k2_body,
    grid=(GRID,),
    in_specs=[
        pl.BlockSpec((NUM_CORES, ROWS_TC, D_H), lambda i: (0, i, 0)),
        pl.BlockSpec((ROWS_TC, D_H), lambda i: (i, 0)),
        pl.BlockSpec((ROWS_TC, 1), lambda i: (i, 0)),
        pl.BlockSpec((1, D_H), lambda i: (0, 0)),
    ],
    out_specs=pl.BlockSpec((ROWS_TC, D_H), lambda i: (i, 0)),
    out_shape=jax.ShapeDtypeStruct((TBL, D_H), jnp.float32),
)

_k3_call = pl.pallas_call(
    _k3_body,
    grid=(GRID,),
    in_specs=[
        pl.BlockSpec((NUM_CORES, ROWS_TC, D_H), lambda i: (0, i, 0)),
        pl.BlockSpec((ROWS_TC, D_H), lambda i: (i, 0)),
        pl.BlockSpec((ROWS_TC, 1), lambda i: (i, 0)),
        pl.BlockSpec((D_H, D_OUT), lambda i: (0, 0)),
        pl.BlockSpec((1, D_OUT), lambda i: (0, 0)),
    ],
    out_specs=pl.BlockSpec((ROWS_TC, D_OUT), lambda i: (i, 0)),
    out_shape=jax.ShapeDtypeStruct((N, D_OUT), jnp.float32),
)



def kernel(x, edge_index, W1, b1, W2, b2):
    edges = edge_index.astype(jnp.int32).reshape(2, NCK, CHUNK)
    ones8 = jnp.ones((CHUNK, DEG_W), jnp.float32)
    zeros8 = jnp.zeros((CHUNK, DEG_W), jnp.float32)
    zeros32 = jnp.zeros((CHUNK, D_H), jnp.float32)

    degp = _deg_call(edges, ones8, zeros8)
    hs, dinv = _k1_call(x, W1, degp)
    agg1p = _agg_call(hs, edges, zeros32)
    g = _k2_call(agg1p, hs, dinv, b1.reshape(1, D_H))
    agg2p = _agg_call(g, edges, zeros32)
    return _k3_call(agg2p, g, dinv, W2, b2.reshape(1, D_OUT))

# --- scband reference (transcript-rebuilt; emitter-appended) ---
"""Pipeline reference for scband-gaeconv-12025908429198 (READ-ONLY COPY).

The authoritative reference and input builder live on the scoring server;
editing this copy changes nothing except your own understanding.
"""

import jax, jax.numpy as jnp
import numpy as np

N_NODES = 10000
N_EDGES = 320000
D_IN = 128
D_HIDDEN = 32
D_OUT = 128


def setup_inputs(seed: int = 0) -> dict:
    key = jax.random.key(seed)
    k1, k2, k3, k4, k5, k6 = jax.random.split(key, 6)
    x = jax.random.normal(k1, (N_NODES, D_IN), dtype=jnp.float32)
    edge_index = jax.random.randint(k2, (2, N_EDGES), 0, N_NODES, dtype=jnp.int64)
    W1 = jax.random.normal(k3, (D_IN, D_HIDDEN), dtype=jnp.float32) * (1.0 / np.sqrt(D_IN))
    b1 = jnp.zeros((D_HIDDEN,), dtype=jnp.float32)
    W2 = jax.random.normal(k4, (D_HIDDEN, D_OUT), dtype=jnp.float32) * (1.0 / np.sqrt(D_HIDDEN))
    b2 = jnp.zeros((D_OUT,), dtype=jnp.float32)
    return {"x": x, "edge_index": edge_index, "W1": W1, "b1": b1, "W2": W2, "b2": b2}


def _gcn_layer(x, src, dst, norm, W, b):
    # GCNConv: linear transform, then normalized scatter-add aggregation, then bias
    h = x @ W
    msg = h[src] * norm[:, None]
    out = jax.ops.segment_sum(msg, dst, num_segments=x.shape[0])
    return out + b


def reference(x, edge_index, W1, b1, W2, b2):
    N = x.shape[0]
    # add self loops
    loops = jnp.arange(N, dtype=edge_index.dtype)
    src = jnp.concatenate([edge_index[0], loops])
    dst = jnp.concatenate([edge_index[1], loops])
    # symmetric normalization D^{-1/2} (A+I) D^{-1/2}
    deg = jax.ops.segment_sum(jnp.ones(src.shape[0], dtype=x.dtype), dst, num_segments=N)
    dinv = jnp.where(deg > 0, jax.lax.rsqrt(jnp.maximum(deg, 1e-12)), 0.0)
    norm = dinv[src] * dinv[dst]
    h = jax.nn.relu(_gcn_layer(x, src, dst, norm, W1, b1))
    return _gcn_layer(h, src, dst, norm, W2, b2)

if __name__ == "__main__":
    import jax
    _d = setup_inputs()
    print(jax.jit(kernel)(*tuple(_d.values())))

</pallas_src>

<mosaic_0001>
#map = affine_map<(d0, d1) -> (0, 0, 0)>
#map1 = affine_map<(d0, d1) -> (0, 0)>
module attributes {stable_mosaic.version = 14 : i64} {
  func.func @_deg_body(%arg0: i32, %arg1: i32, %arg2: memref<2x2500x128xi32, #tpu.memory_space<hbm>>, %arg3: memref<128x8xf32, #tpu.memory_space<hbm>>, %arg4: memref<128x8xf32, #tpu.memory_space<hbm>>, %arg5: memref<2x10240x8xf32, #tpu.memory_space<hbm>>, %arg6: memref<79x128xi32, #tpu.memory_space<vmem>>, %arg7: memref<128x8xf32, #tpu.memory_space<vmem>>, %arg8: memref<128x8xf32, #tpu.memory_space<vmem>>, %arg9: memref<10240x8xf32, #tpu.memory_space<vmem_shared>>, %arg10: memref<!tpu.dma_semaphore, #tpu.memory_space<semaphore_mem>>) attributes {dimension_semantics = [#tpu.dimension_semantics<core_parallel>, #tpu.dimension_semantics<subcore_parallel>], iteration_bounds = array<i64: 2, 16>, scalar_prefetch = 0 : i64, scratch_operands = 5 : i64, tpu.core_type = #tpu.core_type<sc_vector_subcore>, window_params = [{transform_indices = #map}, {transform_indices = #map1}, {transform_indices = #map1}, {transform_indices = #map}]} {
    %mul3A = arith.constant 16 : i32
    %mul3A_0 = arith.muli %arg0, %mul3A : i32
    %add3A = arith.addi %mul3A_0, %arg1 : i32
    %mul3A_1 = arith.constant 640 : i32
    %mul3A_2 = arith.muli %arg1, %mul3A_1 : i32
    %mul3A_3 = arith.constant 78 : i32
    %mul3A_4 = arith.muli %add3A, %mul3A_3 : i32
    %min3A = arith.constant 4 : i32
    %min3A_5 = arith.minsi %add3A, %min3A : i32
    %add3A_6 = arith.addi %mul3A_4, %min3A_5 : i32
    %lt3A = arith.constant 4 : i32
    %lt3A_7 = arith.cmpi slt, %add3A, %lt3A : i32
    %jit3A = arith.constant 79 : i32
    %jit3A_8 = arith.constant 78 : i32
    %select_n3A = arith.select %lt3A_7, %jit3A, %jit3A_8 : i32
    "tpu.region"() ({
      %run_scoped3A_42 = tpu.sem_alloc : memref<!tpu.dma_semaphore, #tpu.memory_space<semaphore_mem>>
      tpu.enqueue_dma source(%arg3 : memref<128x8xf32, #tpu.memory_space<hbm>>) target(%arg7 : memref<128x8xf32, #tpu.memory_space<vmem>>) target_semaphore(%run_scoped3A_42 : memref<!tpu.dma_semaphore, #tpu.memory_space<semaphore_mem>>)
      tpu.wait_dma2 semaphore(%run_scoped3A_42 : memref<!tpu.dma_semaphore, #tpu.memory_space<semaphore_mem>>) src(%arg3 : memref<128x8xf32, #tpu.memory_space<hbm>>) dst(%arg7 : memref<128x8xf32, #tpu.memory_space<vmem>>)
      tpu.yield
    }) : () -> ()
    "tpu.region"() ({
      %run_scoped3A_42 = tpu.sem_alloc : memref<!tpu.dma_semaphore, #tpu.memory_space<semaphore_mem>>
      tpu.enqueue_dma source(%arg4 : memref<128x8xf32, #tpu.memory_space<hbm>>) target(%arg8 : memref<128x8xf32, #tpu.memory_space<vmem>>) target_semaphore(%run_scoped3A_42 : memref<!tpu.dma_semaphore, #tpu.memory_space<semaphore_mem>>)
      tpu.wait_dma2 semaphore(%run_scoped3A_42 : memref<!tpu.dma_semaphore, #tpu.memory_space<semaphore_mem>>) src(%arg4 : memref<128x8xf32, #tpu.memory_space<hbm>>) dst(%arg8 : memref<128x8xf32, #tpu.memory_space<vmem>>)
      tpu.yield
    }) : () -> ()
    %add3A_9 = arith.constant 0 : i32
    %add3A_10 = arith.addi %mul3A_2, %add3A_9 : i32
    "tpu.region"() ({
      %run_scoped3A_42 = tpu.sem_alloc : memref<!tpu.dma_semaphore, #tpu.memory_space<semaphore_mem>>
      %dma_start3A = arith.constant 0 : i32
      %dma_start3A_43 = tpu.memref_slice %arg9[%add3A_10, %dma_start3A] : memref<10240x8xf32, #tpu.memory_space<vmem_shared>> -> memref<128x8xf32, #tpu.memory_space<vmem_shared>>
      %dma_start3A_44 = arith.constant 0 : i32
      %dma_start3A_45 = tpu.memref_slice %arg9[%add3A_10, %dma_start3A_44] : memref<10240x8xf32, #tpu.memory_space<vmem_shared>> -> memref<128x8xf32, #tpu.memory_space<vmem_shared>>
      tpu.enqueue_dma source(%arg8 : memref<128x8xf32, #tpu.memory_space<vmem>>) target(%dma_start3A_45 : memref<128x8xf32, #tpu.memory_space<vmem_shared>>) target_semaphore(%run_scoped3A_42 : memref<!tpu.dma_semaphore, #tpu.memory_space<semaphore_mem>>)
      %dma_wait3A = arith.constant 0 : i32
      %dma_wait3A_46 = tpu.memref_slice %arg9[%add3A_10, %dma_wait3A] : memref<10240x8xf32, #tpu.memory_space<vmem_shared>> -> memref<128x8xf32, #tpu.memory_space<vmem_shared>>
      %dma_wait3A_47 = arith.constant 0 : i32
      %dma_wait3A_48 = tpu.memref_slice %arg9[%add3A_10, %dma_wait3A_47] : memref<10240x8xf32, #tpu.memory_space<vmem_shared>> -> memref<128x8xf32, #tpu.memory_space<vmem_shared>>
      tpu.wait_dma2 semaphore(%run_scoped3A_42 : memref<!tpu.dma_semaphore, #tpu.memory_space<semaphore_mem>>) src(%arg8 : memref<128x8xf32, #tpu.memory_space<vmem>>) dst(%dma_wait3A_48 : memref<128x8xf32, #tpu.memory_space<vmem_shared>>)
      tpu.yield
    }) : () -> ()
    %add3A_11 = arith.constant 128 : i32
    %add3A_12 = arith.addi %mul3A_2, %add3A_11 : i32
    "tpu.region"() ({
      %run_scoped3A_42 = tpu.sem_alloc : memref<!tpu.dma_semaphore, #tpu.memory_space<semaphore_mem>>
      %dma_start3A = arith.constant 0 : i32
      %dma_start3A_43 = tpu.memref_slice %arg9[%add3A_12, %dma_start3A] : memref<10240x8xf32, #tpu.memory_space<vmem_shared>> -> memref<128x8xf32, #tpu.memory_space<vmem_shared>>
      %dma_start3A_44 = arith.constant 0 : i32
      %dma_start3A_45 = tpu.memref_slice %arg9[%add3A_12, %dma_start3A_44] : memref<10240x8xf32, #tpu.memory_space<vmem_shared>> -> memref<128x8xf32, #tpu.memory_space<vmem_shared>>
      tpu.enqueue_dma source(%arg8 : memref<128x8xf32, #tpu.memory_space<vmem>>) target(%dma_start3A_45 : memref<128x8xf32, #tpu.memory_space<vmem_shared>>) target_semaphore(%run_scoped3A_42 : memref<!tpu.dma_semaphore, #tpu.memory_space<semaphore_mem>>)
      %dma_wait3A = arith.constant 0 : i32
      %dma_wait3A_46 = tpu.memref_slice %arg9[%add3A_12, %dma_wait3A] : memref<10240x8xf32, #tpu.memory_space<vmem_shared>> -> memref<128x8xf32, #tpu.memory_space<vmem_shared>>
      %dma_wait3A_47 = arith.constant 0 : i32
      %dma_wait3A_48 = tpu.memref_slice %arg9[%add3A_12, %dma_wait3A_47] : memref<10240x8xf32, #tpu.memory_space<vmem_shared>> -> memref<128x8xf32, #tpu.memory_space<vmem_shared>>
      tpu.wait_dma2 semaphore(%run_scoped3A_42 : memref<!tpu.dma_semaphore, #tpu.memory_space<semaphore_mem>>) src(%arg8 : memref<128x8xf32, #tpu.memory_space<vmem>>) dst(%dma_wait3A_48 : memref<128x8xf32, #tpu.memory_space<vmem_shared>>)
      tpu.yield
    }) : () -> ()
    %add3A_13 = arith.constant 256 : i32
    %add3A_14 = arith.addi %mul3A_2, %add3A_13 : i32
    "tpu.region"() ({
      %run_scoped3A_42 = tpu.sem_alloc : memref<!tpu.dma_semaphore, #tpu.memory_space<semaphore_mem>>
      %dma_start3A = arith.constant 0 : i32
      %dma_start3A_43 = tpu.memref_slice %arg9[%add3A_14, %dma_start3A] : memref<10240x8xf32, #tpu.memory_space<vmem_shared>> -> memref<128x8xf32, #tpu.memory_space<vmem_shared>>
      %dma_start3A_44 = arith.constant 0 : i32
      %dma_start3A_45 = tpu.memref_slice %arg9[%add3A_14, %dma_start3A_44] : memref<10240x8xf32, #tpu.memory_space<vmem_shared>> -> memref<128x8xf32, #tpu.memory_space<vmem_shared>>
      tpu.enqueue_dma source(%arg8 : memref<128x8xf32, #tpu.memory_space<vmem>>) target(%dma_start3A_45 : memref<128x8xf32, #tpu.memory_space<vmem_shared>>) target_semaphore(%run_scoped3A_42 : memref<!tpu.dma_semaphore, #tpu.memory_space<semaphore_mem>>)
      %dma_wait3A = arith.constant 0 : i32
      %dma_wait3A_46 = tpu.memref_slice %arg9[%add3A_14, %dma_wait3A] : memref<10240x8xf32, #tpu.memory_space<vmem_shared>> -> memref<128x8xf32, #tpu.memory_space<vmem_shared>>
      %dma_wait3A_47 = arith.constant 0 : i32
      %dma_wait3A_48 = tpu.memref_slice %arg9[%add3A_14, %dma_wait3A_47] : memref<10240x8xf32, #tpu.memory_space<vmem_shared>> -> memref<128x8xf32, #tpu.memory_space<vmem_shared>>
      tpu.wait_dma2 semaphore(%run_scoped3A_42 : memref<!tpu.dma_semaphore, #tpu.memory_space<semaphore_mem>>) src(%arg8 : memref<128x8xf32, #tpu.memory_space<vmem>>) dst(%dma_wait3A_48 : memref<128x8xf32, #tpu.memory_space<vmem_shared>>)
      tpu.yield
    }) : () -> ()
    %add3A_15 = arith.constant 384 : i32
    %add3A_16 = arith.addi %mul3A_2, %add3A_15 : i32
    "tpu.region"() ({
      %run_scoped3A_42 = tpu.sem_alloc : memref<!tpu.dma_semaphore, #tpu.memory_space<semaphore_mem>>
      %dma_start3A = arith.constant 0 : i32
      %dma_start3A_43 = tpu.memref_slice %arg9[%add3A_16, %dma_start3A] : memref<10240x8xf32, #tpu.memory_space<vmem_shared>> -> memref<128x8xf32, #tpu.memory_space<vmem_shared>>
      %dma_start3A_44 = arith.constant 0 : i32
      %dma_start3A_45 = tpu.memref_slice %arg9[%add3A_16, %dma_start3A_44] : memref<10240x8xf32, #tpu.memory_space<vmem_shared>> -> memref<128x8xf32, #tpu.memory_space<vmem_shared>>
      tpu.enqueue_dma source(%arg8 : memref<128x8xf32, #tpu.memory_space<vmem>>) target(%dma_start3A_45 : memref<128x8xf32, #tpu.memory_space<vmem_shared>>) target_semaphore(%run_scoped3A_42 : memref<!tpu.dma_semaphore, #tpu.memory_space<semaphore_mem>>)
      %dma_wait3A = arith.constant 0 : i32
      %dma_wait3A_46 = tpu.memref_slice %arg9[%add3A_16, %dma_wait3A] : memref<10240x8xf32, #tpu.memory_space<vmem_shared>> -> memref<128x8xf32, #tpu.memory_space<vmem_shared>>
      %dma_wait3A_47 = arith.constant 0 : i32
      %dma_wait3A_48 = tpu.memref_slice %arg9[%add3A_16, %dma_wait3A_47] : memref<10240x8xf32, #tpu.memory_space<vmem_shared>> -> memref<128x8xf32, #tpu.memory_space<vmem_shared>>
      tpu.wait_dma2 semaphore(%run_scoped3A_42 : memref<!tpu.dma_semaphore, #tpu.memory_space<semaphore_mem>>) src(%arg8 : memref<128x8xf32, #tpu.memory_space<vmem>>) dst(%dma_wait3A_48 : memref<128x8xf32, #tpu.memory_space<vmem_shared>>)
      tpu.yield
    }) : () -> ()
    %add3A_17 = arith.constant 512 : i32
    %add3A_18 = arith.addi %mul3A_2, %add3A_17 : i32
    "tpu.region"() ({
      %run_scoped3A_42 = tpu.sem_alloc : memref<!tpu.dma_semaphore, #tpu.memory_space<semaphore_mem>>
      %dma_start3A = arith.constant 0 : i32
      %dma_start3A_43 = tpu.memref_slice %arg9[%add3A_18, %dma_start3A] : memref<10240x8xf32, #tpu.memory_space<vmem_shared>> -> memref<128x8xf32, #tpu.memory_space<vmem_shared>>
      %dma_start3A_44 = arith.constant 0 : i32
      %dma_start3A_45 = tpu.memref_slice %arg9[%add3A_18, %dma_start3A_44] : memref<10240x8xf32, #tpu.memory_space<vmem_shared>> -> memref<128x8xf32, #tpu.memory_space<vmem_shared>>
      tpu.enqueue_dma source(%arg8 : memref<128x8xf32, #tpu.memory_space<vmem>>) target(%dma_start3A_45 : memref<128x8xf32, #tpu.memory_space<vmem_shared>>) target_semaphore(%run_scoped3A_42 : memref<!tpu.dma_semaphore, #tpu.memory_space<semaphore_mem>>)
      %dma_wait3A = arith.constant 0 : i32
      %dma_wait3A_46 = tpu.memref_slice %arg9[%add3A_18, %dma_wait3A] : memref<10240x8xf32, #tpu.memory_space<vmem_shared>> -> memref<128x8xf32, #tpu.memory_space<vmem_shared>>
      %dma_wait3A_47 = arith.constant 0 : i32
      %dma_wait3A_48 = tpu.memref_slice %arg9[%add3A_18, %dma_wait3A_47] : memref<10240x8xf32, #tpu.memory_space<vmem_shared>> -> memref<128x8xf32, #tpu.memory_space<vmem_shared>>
      tpu.wait_dma2 semaphore(%run_scoped3A_42 : memref<!tpu.dma_semaphore, #tpu.memory_space<semaphore_mem>>) src(%arg8 : memref<128x8xf32, #tpu.memory_space<vmem>>) dst(%dma_wait3A_48 : memref<128x8xf32, #tpu.memory_space<vmem_shared>>)
      tpu.yield
    }) : () -> ()
    %run_scoped3A = arith.constant 1 : i32
    "tpu.region"() ({
      %run_scoped3A_42 = tpu.sem_alloc : memref<!tpu.dma_semaphore, #tpu.memory_space<semaphore_mem>>
      %dma_start3A = arith.constant 0 : i32
      %dma_start3A_43 = arith.constant 0 : i32
      %dma_start3A_44 = tpu.memref_slice %arg6[%dma_start3A, %dma_start3A_43] : memref<79x128xi32, #tpu.memory_space<vmem>> -> memref<78x128xi32, #tpu.memory_space<vmem>>
      %dma_start3A_45 = arith.constant 0 : i32
      %dma_start3A_46 = tpu.memref_slice %arg2[%run_scoped3A, %add3A_6, %dma_start3A_45] : memref<2x2500x128xi32, #tpu.memory_space<hbm>> -> memref<1x78x128xi32, #tpu.memory_space<hbm>>
      %dma_start3A_47 = tpu.memref_squeeze %dma_start3A_46 : memref<1x78x128xi32, #tpu.memory_space<hbm>> -> memref<78x128xi32, #tpu.memory_space<hbm>>
      %dma_start3A_48 = arith.constant 0 : i32
      %dma_start3A_49 = arith.constant 0 : i32
      %dma_start3A_50 = tpu.memref_slice %arg6[%dma_start3A_48, %dma_start3A_49] : memref<79x128xi32, #tpu.memory_space<vmem>> -> memref<78x128xi32, #tpu.memory_space<vmem>>
      %dma_start3A_51 = arith.constant 0 : i32
      %dma_start3A_52 = tpu.memref_slice %arg2[%run_scoped3A, %add3A_6, %dma_start3A_51] : memref<2x2500x128xi32, #tpu.memory_space<hbm>> -> memref<1x78x128xi32, #tpu.memory_space<hbm>>
      %dma_start3A_53 = tpu.memref_squeeze %dma_start3A_52 : memref<1x78x128xi32, #tpu.memory_space<hbm>> -> memref<78x128xi32, #tpu.memory_space<hbm>>
      tpu.enqueue_dma source(%dma_start3A_53 : memref<78x128xi32, #tpu.memory_space<hbm>>) target(%dma_start3A_50 : memref<78x128xi32, #tpu.memory_space<vmem>>) target_semaphore(%run_scoped3A_42 : memref<!tpu.dma_semaphore, #tpu.memory_space<semaphore_mem>>)
      %dma_wait3A = arith.constant 0 : i32
      %dma_wait3A_54 = arith.constant 0 : i32
      %dma_wait3A_55 = tpu.memref_slice %arg6[%dma_wait3A, %dma_wait3A_54] : memref<79x128xi32, #tpu.memory_space<vmem>> -> memref<78x128xi32, #tpu.memory_space<vmem>>
      %dma_wait3A_56 = arith.constant 0 : i32
      %dma_wait3A_57 = tpu.memref_slice %arg2[%run_scoped3A, %add3A_6, %dma_wait3A_56] : memref<2x2500x128xi32, #tpu.memory_space<hbm>> -> memref<1x78x128xi32, #tpu.memory_space<hbm>>
      %dma_wait3A_58 = tpu.memref_squeeze %dma_wait3A_57 : memref<1x78x128xi32, #tpu.memory_space<hbm>> -> memref<78x128xi32, #tpu.memory_space<hbm>>
      %dma_wait3A_59 = arith.constant 0 : i32
      %dma_wait3A_60 = arith.constant 0 : i32
      %dma_wait3A_61 = tpu.memref_slice %arg6[%dma_wait3A_59, %dma_wait3A_60] : memref<79x128xi32, #tpu.memory_space<vmem>> -> memref<78x128xi32, #tpu.memory_space<vmem>>
      %dma_wait3A_62 = arith.constant 0 : i32
      %dma_wait3A_63 = tpu.memref_slice %arg2[%run_scoped3A, %add3A_6, %dma_wait3A_62] : memref<2x2500x128xi32, #tpu.memory_space<hbm>> -> memref<1x78x128xi32, #tpu.memory_space<hbm>>
      %dma_wait3A_64 = tpu.memref_squeeze %dma_wait3A_63 : memref<1x78x128xi32, #tpu.memory_space<hbm>> -> memref<78x128xi32, #tpu.memory_space<hbm>>
      tpu.wait_dma2 semaphore(%run_scoped3A_42 : memref<!tpu.dma_semaphore, #tpu.memory_space<semaphore_mem>>) src(%dma_wait3A_64 : memref<78x128xi32, #tpu.memory_space<hbm>>) dst(%dma_wait3A_61 : memref<78x128xi32, #tpu.memory_space<vmem>>)
      tpu.yield
    }) : () -> ()
    %lt3A_19 = arith.constant 4 : i32
    %lt3A_20 = arith.cmpi slt, %add3A, %lt3A_19 : i32
    %convert_element_type3A = arith.extui %lt3A_20 : i1 to i32
    %cond3A = arith.constant 0 : i32
    %cond3A_21 = arith.cmpi ne, %convert_element_type3A, %cond3A : i32
    scf.if %cond3A_21 {
      %add3A_42 = arith.constant 78 : i32
      %add3A_43 = arith.addi %add3A_6, %add3A_42 : i32
      %run_scoped3A_44 = arith.constant 1 : i32
      "tpu.region"() ({
        %run_scoped3A_45 = tpu.sem_alloc : memref<!tpu.dma_semaphore, #tpu.memory_space<semaphore_mem>>
        %dma_start3A = arith.constant 78 : i32
        %dma_start3A_46 = arith.constant 0 : i32
        %dma_start3A_47 = tpu.memref_slice %arg6[%dma_start3A, %dma_start3A_46] : memref<79x128xi32, #tpu.memory_space<vmem>> -> memref<1x128xi32, #tpu.memory_space<vmem>>
        %dma_start3A_48 = arith.constant 0 : i32
        %dma_start3A_49 = tpu.memref_slice %arg2[%run_scoped3A_44, %add3A_43, %dma_start3A_48] : memref<2x2500x128xi32, #tpu.memory_space<hbm>> -> memref<1x1x128xi32, #tpu.memory_space<hbm>>
        %dma_start3A_50 = tpu.memref_squeeze %dma_start3A_49 : memref<1x1x128xi32, #tpu.memory_space<hbm>> -> memref<1x128xi32, #tpu.memory_space<hbm>>
        %dma_start3A_51 = arith.constant 78 : i32
        %dma_start3A_52 = arith.constant 0 : i32
        %dma_start3A_53 = tpu.memref_slice %arg6[%dma_start3A_51, %dma_start3A_52] : memref<79x128xi32, #tpu.memory_space<vmem>> -> memref<1x128xi32, #tpu.memory_space<vmem>>
        %dma_start3A_54 = arith.constant 0 : i32
        %dma_start3A_55 = tpu.memref_slice %arg2[%run_scoped3A_44, %add3A_43, %dma_start3A_54] : memref<2x2500x128xi32, #tpu.memory_space<hbm>> -> memref<1x1x128xi32, #tpu.memory_space<hbm>>
        %dma_start3A_56 = tpu.memref_squeeze %dma_start3A_55 : memref<1x1x128xi32, #tpu.memory_space<hbm>> -> memref<1x128xi32, #tpu.memory_space<hbm>>
        tpu.enqueue_dma source(%dma_start3A_56 : memref<1x128xi32, #tpu.memory_space<hbm>>) target(%dma_start3A_53 : memref<1x128xi32, #tpu.memory_space<vmem>>) target_semaphore(%run_scoped3A_45 : memref<!tpu.dma_semaphore, #tpu.memory_space<semaphore_mem>>)
        %dma_wait3A = arith.constant 78 : i32
        %dma_wait3A_57 = arith.constant 0 : i32
        %dma_wait3A_58 = tpu.memref_slice %arg6[%dma_wait3A, %dma_wait3A_57] : memref<79x128xi32, #tpu.memory_space<vmem>> -> memref<1x128xi32, #tpu.memory_space<vmem>>
        %dma_wait3A_59 = arith.constant 0 : i32
        %dma_wait3A_60 = tpu.memref_slice %arg2[%run_scoped3A_44, %add3A_43, %dma_wait3A_59] : memref<2x2500x128xi32, #tpu.memory_space<hbm>> -> memref<1x1x128xi32, #tpu.memory_space<hbm>>
        %dma_wait3A_61 = tpu.memref_squeeze %dma_wait3A_60 : memref<1x1x128xi32, #tpu.memory_space<hbm>> -> memref<1x128xi32, #tpu.memory_space<hbm>>
        %dma_wait3A_62 = arith.constant 78 : i32
        %dma_wait3A_63 = arith.constant 0 : i32
        %dma_wait3A_64 = tpu.memref_slice %arg6[%dma_wait3A_62, %dma_wait3A_63] : memref<79x128xi32, #tpu.memory_space<vmem>> -> memref<1x128xi32, #tpu.memory_space<vmem>>
        %dma_wait3A_65 = arith.constant 0 : i32
        %dma_wait3A_66 = tpu.memref_slice %arg2[%run_scoped3A_44, %add3A_43, %dma_wait3A_65] : memref<2x2500x128xi32, #tpu.memory_space<hbm>> -> memref<1x1x128xi32, #tpu.memory_space<hbm>>
        %dma_wait3A_67 = tpu.memref_squeeze %dma_wait3A_66 : memref<1x1x128xi32, #tpu.memory_space<hbm>> -> memref<1x128xi32, #tpu.memory_space<hbm>>
        tpu.wait_dma2 semaphore(%run_scoped3A_45 : memref<!tpu.dma_semaphore, #tpu.memory_space<semaphore_mem>>) src(%dma_wait3A_67 : memref<1x128xi32, #tpu.memory_space<hbm>>) dst(%dma_wait3A_64 : memref<1x128xi32, #tpu.memory_space<vmem>>)
        tpu.yield
      }) : () -> ()
    } else {
    }
    %barrier3A = arith.constant 0 : index
    tpu.barrier barrier_id(%barrier3A)
    %while3A = arith.constant 0 : i32
    %while3A_22 = arith.constant 0 : i32
    %while3A_23 = arith.subi %select_n3A, %while3A_22 : i32
    %while3A_24 = arith.addi %while3A_22, %while3A_23 : i32
    %while3A_25 = arith.constant 1 : i32
    %while3A_26 = arith.divsi %while3A_23, %while3A_25 : i32
    %while3A_27 = arith.muli %while3A_26, %while3A_25 : i32
    %while3A_28 = arith.addi %while3A_22, %while3A_27 : i32
    %while3A_29 = arith.constant 1 : i32
    scf.for %while3A_42 = %while3A_22 to %while3A_28 step %while3A_29  : i32 {
      %dma_start3A = arith.constant 0 : i32
      %dma_start3A_43 = tpu.memref_slice %arg6[%while3A_42, %dma_start3A] : memref<79x128xi32, #tpu.memory_space<vmem>> -> memref<1x128xi32, #tpu.memory_space<vmem>>
      %dma_start3A_44 = tpu.memref_squeeze %dma_start3A_43 : memref<1x128xi32, #tpu.memory_space<vmem>> -> memref<128xi32, #tpu.memory_space<vmem>>
      %dma_start3A_45 = arith.constant 0 : i32
      %dma_start3A_46 = arith.constant 0 : i32
      %dma_start3A_47 = tpu.memref_slice %arg9[%dma_start3A_45, %dma_start3A_46] : memref<10240x8xf32, #tpu.memory_space<vmem_shared>> -> memref<10240x8xf32, #tpu.memory_space<vmem_shared>>
      tpu.enqueue_indirect_dma source(%arg7 : memref<128x8xf32, #tpu.memory_space<vmem>>) target(%dma_start3A_47 : memref<10240x8xf32, #tpu.memory_space<vmem_shared>>) offsets(%dma_start3A_44 : memref<128xi32, #tpu.memory_space<vmem>>) semaphore(%arg10 : memref<!tpu.dma_semaphore, #tpu.memory_space<semaphore_mem>>) {add = true}
    }
    %while3A_30 = arith.constant 1 : i32
    scf.for %while3A_42 = %while3A_28 to %while3A_24 step %while3A_30  : i32 {
      %dma_start3A = arith.constant 0 : i32
      %dma_start3A_43 = tpu.memref_slice %arg6[%while3A_42, %dma_start3A] : memref<79x128xi32, #tpu.memory_space<vmem>> -> memref<1x128xi32, #tpu.memory_space<vmem>>
      %dma_start3A_44 = tpu.memref_squeeze %dma_start3A_43 : memref<1x128xi32, #tpu.memory_space<vmem>> -> memref<128xi32, #tpu.memory_space<vmem>>
      %dma_start3A_45 = arith.constant 0 : i32
      %dma_start3A_46 = arith.constant 0 : i32
      %dma_start3A_47 = tpu.memref_slice %arg9[%dma_start3A_45, %dma_start3A_46] : memref<10240x8xf32, #tpu.memory_space<vmem_shared>> -> memref<10240x8xf32, #tpu.memory_space<vmem_shared>>
      tpu.enqueue_indirect_dma source(%arg7 : memref<128x8xf32, #tpu.memory_space<vmem>>) target(%dma_start3A_47 : memref<10240x8xf32, #tpu.memory_space<vmem_shared>>) offsets(%dma_start3A_44 : memref<128xi32, #tpu.memory_space<vmem>>) semaphore(%arg10 : memref<!tpu.dma_semaphore, #tpu.memory_space<semaphore_mem>>) {add = true}
    }
    %while3A_31 = arith.constant 0 : i32
    %while3A_32 = arith.constant 0 : i32
    %while3A_33 = arith.subi %select_n3A, %while3A_32 : i32
    %while3A_34 = arith.addi %while3A_32, %while3A_33 : i32
    %while3A_35 = arith.constant 1 : i32
    %while3A_36 = arith.divsi %while3A_33, %while3A_35 : i32
    %while3A_37 = arith.muli %while3A_36, %while3A_35 : i32
    %while3A_38 = arith.addi %while3A_32, %while3A_37 : i32
    %while3A_39 = arith.constant 1 : i32
    scf.for %while3A_42 = %while3A_32 to %while3A_38 step %while3A_39  : i32 {
      %dma_wait3A = arith.constant 0 : i32
      %dma_wait3A_43 = arith.constant 0 : i32
      %dma_wait3A_44 = tpu.memref_slice %arg6[%dma_wait3A, %dma_wait3A_43] : memref<79x128xi32, #tpu.memory_space<vmem>> -> memref<1x128xi32, #tpu.memory_space<vmem>>
      %dma_wait3A_45 = tpu.memref_squeeze %dma_wait3A_44 : memref<1x128xi32, #tpu.memory_space<vmem>> -> memref<128xi32, #tpu.memory_space<vmem>>
      %dma_wait3A_46 = arith.constant 0 : i32
      %dma_wait3A_47 = arith.constant 0 : i32
      %dma_wait3A_48 = tpu.memref_slice %arg9[%dma_wait3A_46, %dma_wait3A_47] : memref<10240x8xf32, #tpu.memory_space<vmem_shared>> -> memref<10240x8xf32, #tpu.memory_space<vmem_shared>>
      tpu.wait_indirect_dma semaphore(%arg10 : memref<!tpu.dma_semaphore, #tpu.memory_space<semaphore_mem>>) src(%arg7 : memref<128x8xf32, #tpu.memory_space<vmem>>) dst(%dma_wait3A_48 : memref<10240x8xf32, #tpu.memory_space<vmem_shared>>)
    }
    %while3A_40 = arith.constant 1 : i32
    scf.for %while3A_42 = %while3A_38 to %while3A_34 step %while3A_40  : i32 {
      %dma_wait3A = arith.constant 0 : i32
      %dma_wait3A_43 = arith.constant 0 : i32
      %dma_wait3A_44 = tpu.memref_slice %arg6[%dma_wait3A, %dma_wait3A_43] : memref<79x128xi32, #tpu.memory_space<vmem>> -> memref<1x128xi32, #tpu.memory_space<vmem>>
      %dma_wait3A_45 = tpu.memref_squeeze %dma_wait3A_44 : memref<1x128xi32, #tpu.memory_space<vmem>> -> memref<128xi32, #tpu.memory_space<vmem>>
      %dma_wait3A_46 = arith.constant 0 : i32
      %dma_wait3A_47 = arith.constant 0 : i32
      %dma_wait3A_48 = tpu.memref_slice %arg9[%dma_wait3A_46, %dma_wait3A_47] : memref<10240x8xf32, #tpu.memory_space<vmem_shared>> -> memref<10240x8xf32, #tpu.memory_space<vmem_shared>>
      tpu.wait_indirect_dma semaphore(%arg10 : memref<!tpu.dma_semaphore, #tpu.memory_space<semaphore_mem>>) src(%arg7 : memref<128x8xf32, #tpu.memory_space<vmem>>) dst(%dma_wait3A_48 : memref<10240x8xf32, #tpu.memory_space<vmem_shared>>)
    }
    %barrier3A_41 = arith.constant 0 : index
    tpu.barrier barrier_id(%barrier3A_41)
    "tpu.region"() ({
      %run_scoped3A_42 = tpu.sem_alloc : memref<!tpu.dma_semaphore, #tpu.memory_space<semaphore_mem>>
      %dma_start3A = arith.constant 0 : i32
      %dma_start3A_43 = tpu.memref_slice %arg5[%arg0, %mul3A_2, %dma_start3A] : memref<2x10240x8xf32, #tpu.memory_space<hbm>> -> memref<1x640x8xf32, #tpu.memory_space<hbm>>
      %dma_start3A_44 = tpu.memref_squeeze %dma_start3A_43 : memref<1x640x8xf32, #tpu.memory_space<hbm>> -> memref<640x8xf32, #tpu.memory_space<hbm>>
      %dma_start3A_45 = arith.constant 0 : i32
      %dma_start3A_46 = tpu.memref_slice %arg9[%mul3A_2, %dma_start3A_45] : memref<10240x8xf32, #tpu.memory_space<vmem_shared>> -> memref<640x8xf32, #tpu.memory_space<vmem_shared>>
      tpu.enqueue_dma source(%dma_start3A_46 : memref<640x8xf32, #tpu.memory_space<vmem_shared>>) target(%dma_start3A_44 : memref<640x8xf32, #tpu.memory_space<hbm>>) target_semaphore(%run_scoped3A_42 : memref<!tpu.dma_semaphore, #tpu.memory_space<semaphore_mem>>)
      %dma_wait3A = arith.constant 0 : i32
      %dma_wait3A_47 = tpu.memref_slice %arg5[%arg0, %mul3A_2, %dma_wait3A] : memref<2x10240x8xf32, #tpu.memory_space<hbm>> -> memref<1x640x8xf32, #tpu.memory_space<hbm>>
      %dma_wait3A_48 = tpu.memref_squeeze %dma_wait3A_47 : memref<1x640x8xf32, #tpu.memory_space<hbm>> -> memref<640x8xf32, #tpu.memory_space<hbm>>
      %dma_wait3A_49 = arith.constant 0 : i32
      %dma_wait3A_50 = tpu.memref_slice %arg9[%mul3A_2, %dma_wait3A_49] : memref<10240x8xf32, #tpu.memory_space<vmem_shared>> -> memref<640x8xf32, #tpu.memory_space<vmem_shared>>
      tpu.wait_dma2 semaphore(%run_scoped3A_42 : memref<!tpu.dma_semaphore, #tpu.memory_space<semaphore_mem>>) src(%dma_wait3A_50 : memref<640x8xf32, #tpu.memory_space<vmem_shared>>) dst(%dma_wait3A_48 : memref<640x8xf32, #tpu.memory_space<hbm>>)
      tpu.yield
    }) : () -> ()
    return
  }
}

#map = affine_map<(d0, d1) -> (0, 0)>
#map1 = affine_map<(d0, d1) -> (0, 0, 0)>
module attributes {stable_mosaic.version = 14 : i64} {
  func.func @_agg_body(%arg0: i32, %arg1: i32, %arg2: memref<10240x32xf32, #tpu.memory_space<hbm>>, %arg3: memref<2x2500x128xi32, #tpu.memory_space<hbm>>, %arg4: memref<128x32xf32, #tpu.memory_space<hbm>>, %arg5: memref<2x10240x32xf32, #tpu.memory_space<hbm>>, %arg6: memref<79x128xi32, #tpu.memory_space<vmem>>, %arg7: memref<79x128xi32, #tpu.memory_space<vmem>>, %arg8: memref<128x32xf32, #tpu.memory_space<vmem>>, %arg9: memref<128x32xf32, #tpu.memory_space<vmem>>, %arg10: memref<128x32xf32, #tpu.memory_space<vmem>>, %arg11: memref<128x32xf32, #tpu.memory_space<vmem>>, %arg12: memref<128x32xf32, #tpu.memory_space<vmem>>, %arg13: memref<128x32xf32, #tpu.memory_space<vmem>>, %arg14: memref<128x32xf32, #tpu.memory_space<vmem>>, %arg15: memref<10240x32xf32, #tpu.memory_space<vmem_shared>>, %arg16: memref<10240x32xf32, #tpu.memory_space<vmem_shared>>, %arg17: memref<!tpu.dma_semaphore, #tpu.memory_space<semaphore_mem>>, %arg18: memref<!tpu.dma_semaphore, #tpu.memory_space<semaphore_mem>>, %arg19: memref<!tpu.dma_semaphore, #tpu.memory_space<semaphore_mem>>, %arg20: memref<!tpu.dma_semaphore, #tpu.memory_space<semaphore_mem>>, %arg21: memref<!tpu.dma_semaphore, #tpu.memory_space<semaphore_mem>>, %arg22: memref<!tpu.dma_semaphore, #tpu.memory_space<semaphore_mem>>, %arg23: memref<!tpu.dma_semaphore, #tpu.memory_space<semaphore_mem>>, %arg24: memref<!tpu.dma_semaphore, #tpu.memory_space<semaphore_mem>>, %arg25: memref<!tpu.dma_semaphore, #tpu.memory_space<semaphore_mem>>, %arg26: memref<!tpu.dma_semaphore, #tpu.memory_space<semaphore_mem>>, %arg27: memref<!tpu.dma_semaphore, #tpu.memory_space<semaphore_mem>>, %arg28: memref<!tpu.dma_semaphore, #tpu.memory_space<semaphore_mem>>) attributes {dimension_semantics = [#tpu.dimension_semantics<core_parallel>, #tpu.dimension_semantics<subcore_parallel>], iteration_bounds = array<i64: 2, 16>, scalar_prefetch = 0 : i64, scratch_operands = 23 : i64, tpu.core_type = #tpu.core_type<sc_vector_subcore>, window_params = [{transform_indices = #map}, {transform_indices = #map1}, {transform_indices = #map}, {transform_indices = #map1}]} {
    %mul3A = arith.constant 16 : i32
    %mul3A_0 = arith.muli %arg0, %mul3A : i32
    %add3A = arith.addi %mul3A_0, %arg1 : i32
    %mul3A_1 = arith.constant 640 : i32
    %mul3A_2 = arith.muli %arg1, %mul3A_1 : i32
    %mul3A_3 = arith.constant 78 : i32
    %mul3A_4 = arith.muli %add3A, %mul3A_3 : i32
    %min3A = arith.constant 4 : i32
    %min3A_5 = arith.minsi %add3A, %min3A : i32
    %add3A_6 = arith.addi %mul3A_4, %min3A_5 : i32
    %lt3A = arith.constant 4 : i32
    %lt3A_7 = arith.cmpi slt, %add3A, %lt3A : i32
    %jit3A = arith.constant 79 : i32
    %jit3A_8 = arith.constant 78 : i32
    %select_n3A = arith.select %lt3A_7, %jit3A, %jit3A_8 : i32
    "tpu.region"() ({
      %run_scoped3A_117 = tpu.sem_alloc : memref<!tpu.dma_semaphore, #tpu.memory_space<semaphore_mem>>
      %dma_start3A_118 = arith.constant 0 : i32
      %dma_start3A_119 = tpu.memref_slice %arg16[%mul3A_2, %dma_start3A_118] : memref<10240x32xf32, #tpu.memory_space<vmem_shared>> -> memref<640x32xf32, #tpu.memory_space<vmem_shared>>
      %dma_start3A_120 = arith.constant 0 : i32
      %dma_start3A_121 = tpu.memref_slice %arg2[%mul3A_2, %dma_start3A_120] : memref<10240x32xf32, #tpu.memory_space<hbm>> -> memref<640x32xf32, #tpu.memory_space<hbm>>
      tpu.enqueue_dma source(%dma_start3A_121 : memref<640x32xf32, #tpu.memory_space<hbm>>) target(%dma_start3A_119 : memref<640x32xf32, #tpu.memory_space<vmem_shared>>) target_semaphore(%run_scoped3A_117 : memref<!tpu.dma_semaphore, #tpu.memory_space<semaphore_mem>>)
      %dma_wait3A_122 = arith.constant 0 : i32
      %dma_wait3A_123 = tpu.memref_slice %arg16[%mul3A_2, %dma_wait3A_122] : memref<10240x32xf32, #tpu.memory_space<vmem_shared>> -> memref<640x32xf32, #tpu.memory_space<vmem_shared>>
      %dma_wait3A_124 = arith.constant 0 : i32
      %dma_wait3A_125 = tpu.memref_slice %arg2[%mul3A_2, %dma_wait3A_124] : memref<10240x32xf32, #tpu.memory_space<hbm>> -> memref<640x32xf32, #tpu.memory_space<hbm>>
      tpu.wait_dma2 semaphore(%run_scoped3A_117 : memref<!tpu.dma_semaphore, #tpu.memory_space<semaphore_mem>>) src(%dma_wait3A_125 : memref<640x32xf32, #tpu.memory_space<hbm>>) dst(%dma_wait3A_123 : memref<640x32xf32, #tpu.memory_space<vmem_shared>>)
      tpu.yield
    }) : () -> ()
    "tpu.region"() ({
      %run_scoped3A_117 = tpu.sem_alloc : memref<!tpu.dma_semaphore, #tpu.memory_space<semaphore_mem>>
      tpu.enqueue_dma source(%arg4 : memref<128x32xf32, #tpu.memory_space<hbm>>) target(%arg14 : memref<128x32xf32, #tpu.memory_space<vmem>>) target_semaphore(%run_scoped3A_117 : memref<!tpu.dma_semaphore, #tpu.memory_space<semaphore_mem>>)
      tpu.wait_dma2 semaphore(%run_scoped3A_117 : memref<!tpu.dma_semaphore, #tpu.memory_space<semaphore_mem>>) src(%arg4 : memref<128x32xf32, #tpu.memory_space<hbm>>) dst(%arg14 : memref<128x32xf32, #tpu.memory_space<vmem>>)
      tpu.yield
    }) : () -> ()
    %add3A_9 = arith.constant 0 : i32
    %add3A_10 = arith.addi %mul3A_2, %add3A_9 : i32
    "tpu.region"() ({
      %run_scoped3A_117 = tpu.sem_alloc : memref<!tpu.dma_semaphore, #tpu.memory_space<semaphore_mem>>
      %dma_start3A_118 = arith.constant 0 : i32
      %dma_start3A_119 = tpu.memref_slice %arg15[%add3A_10, %dma_start3A_118] : memref<10240x32xf32, #tpu.memory_space<vmem_shared>> -> memref<128x32xf32, #tpu.memory_space<vmem_shared>>
      %dma_start3A_120 = arith.constant 0 : i32
      %dma_start3A_121 = tpu.memref_slice %arg15[%add3A_10, %dma_start3A_120] : memref<10240x32xf32, #tpu.memory_space<vmem_shared>> -> memref<128x32xf32, #tpu.memory_space<vmem_shared>>
      tpu.enqueue_dma source(%arg14 : memref<128x32xf32, #tpu.memory_space<vmem>>) target(%dma_start3A_121 : memref<128x32xf32, #tpu.memory_space<vmem_shared>>) target_semaphore(%run_scoped3A_117 : memref<!tpu.dma_semaphore, #tpu.memory_space<semaphore_mem>>)
      %dma_wait3A_122 = arith.constant 0 : i32
      %dma_wait3A_123 = tpu.memref_slice %arg15[%add3A_10, %dma_wait3A_122] : memref<10240x32xf32, #tpu.memory_space<vmem_shared>> -> memref<128x32xf32, #tpu.memory_space<vmem_shared>>
      %dma_wait3A_124 = arith.constant 0 : i32
      %dma_wait3A_125 = tpu.memref_slice %arg15[%add3A_10, %dma_wait3A_124] : memref<10240x32xf32, #tpu.memory_space<vmem_shared>> -> memref<128x32xf32, #tpu.memory_space<vmem_shared>>
      tpu.wait_dma2 semaphore(%run_scoped3A_117 : memref<!tpu.dma_semaphore, #tpu.memory_space<semaphore_mem>>) src(%arg14 : memref<128x32xf32, #tpu.memory_space<vmem>>) dst(%dma_wait3A_125 : memref<128x32xf32, #tpu.memory_space<vmem_shared>>)
      tpu.yield
    }) : () -> ()
    %add3A_11 = arith.constant 128 : i32
    %add3A_12 = arith.addi %mul3A_2, %add3A_11 : i32
    "tpu.region"() ({
      %run_scoped3A_117 = tpu.sem_alloc : memref<!tpu.dma_semaphore, #tpu.memory_space<semaphore_mem>>
      %dma_start3A_118 = arith.constant 0 : i32
      %dma_start3A_119 = tpu.memref_slice %arg15[%add3A_12, %dma_start3A_118] : memref<10240x32xf32, #tpu.memory_space<vmem_shared>> -> memref<128x32xf32, #tpu.memory_space<vmem_shared>>
      %dma_start3A_120 = arith.constant 0 : i32
      %dma_start3A_121 = tpu.memref_slice %arg15[%add3A_12, %dma_start3A_120] : memref<10240x32xf32, #tpu.memory_space<vmem_shared>> -> memref<128x32xf32, #tpu.memory_space<vmem_shared>>
      tpu.enqueue_dma source(%arg14 : memref<128x32xf32, #tpu.memory_space<vmem>>) target(%dma_start3A_121 : memref<128x32xf32, #tpu.memory_space<vmem_shared>>) target_semaphore(%run_scoped3A_117 : memref<!tpu.dma_semaphore, #tpu.memory_space<semaphore_mem>>)
      %dma_wait3A_122 = arith.constant 0 : i32
      %dma_wait3A_123 = tpu.memref_slice %arg15[%add3A_12, %dma_wait3A_122] : memref<10240x32xf32, #tpu.memory_space<vmem_shared>> -> memref<128x32xf32, #tpu.memory_space<vmem_shared>>
      %dma_wait3A_124 = arith.constant 0 : i32
      %dma_wait3A_125 = tpu.memref_slice %arg15[%add3A_12, %dma_wait3A_124] : memref<10240x32xf32, #tpu.memory_space<vmem_shared>> -> memref<128x32xf32, #tpu.memory_space<vmem_shared>>
      tpu.wait_dma2 semaphore(%run_scoped3A_117 : memref<!tpu.dma_semaphore, #tpu.memory_space<semaphore_mem>>) src(%arg14 : memref<128x32xf32, #tpu.memory_space<vmem>>) dst(%dma_wait3A_125 : memref<128x32xf32, #tpu.memory_space<vmem_shared>>)
      tpu.yield
    }) : () -> ()
    %add3A_13 = arith.constant 256 : i32
    %add3A_14 = arith.addi %mul3A_2, %add3A_13 : i32
    "tpu.region"() ({
      %run_scoped3A_117 = tpu.sem_alloc : memref<!tpu.dma_semaphore, #tpu.memory_space<semaphore_mem>>
      %dma_start3A_118 = arith.constant 0 : i32
      %dma_start3A_119 = tpu.memref_slice %arg15[%add3A_14, %dma_start3A_118] : memref<10240x32xf32, #tpu.memory_space<vmem_shared>> -> memref<128x32xf32, #tpu.memory_space<vmem_shared>>
      %dma_start3A_120 = arith.constant 0 : i32
      %dma_start3A_121 = tpu.memref_slice %arg15[%add3A_14, %dma_start3A_120] : memref<10240x32xf32, #tpu.memory_space<vmem_shared>> -> memref<128x32xf32, #tpu.memory_space<vmem_shared>>
      tpu.enqueue_dma source(%arg14 : memref<128x32xf32, #tpu.memory_space<vmem>>) target(%dma_start3A_121 : memref<128x32xf32, #tpu.memory_space<vmem_shared>>) target_semaphore(%run_scoped3A_117 : memref<!tpu.dma_semaphore, #tpu.memory_space<semaphore_mem>>)
      %dma_wait3A_122 = arith.constant 0 : i32
      %dma_wait3A_123 = tpu.memref_slice %arg15[%add3A_14, %dma_wait3A_122] : memref<10240x32xf32, #tpu.memory_space<vmem_shared>> -> memref<128x32xf32, #tpu.memory_space<vmem_shared>>
      %dma_wait3A_124 = arith.constant 0 : i32
      %dma_wait3A_125 = tpu.memref_slice %arg15[%add3A_14, %dma_wait3A_124] : memref<10240x32xf32, #tpu.memory_space<vmem_shared>> -> memref<128x32xf32, #tpu.memory_space<vmem_shared>>
      tpu.wait_dma2 semaphore(%run_scoped3A_117 : memref<!tpu.dma_semaphore, #tpu.memory_space<semaphore_mem>>) src(%arg14 : memref<128x32xf32, #tpu.memory_space<vmem>>) dst(%dma_wait3A_125 : memref<128x32xf32, #tpu.memory_space<vmem_shared>>)
      tpu.yield
    }) : () -> ()
    %add3A_15 = arith.constant 384 : i32
    %add3A_16 = arith.addi %mul3A_2, %add3A_15 : i32
    "tpu.region"() ({
      %run_scoped3A_117 = tpu.sem_alloc : memref<!tpu.dma_semaphore, #tpu.memory_space<semaphore_mem>>
      %dma_start3A_118 = arith.constant 0 : i32
      %dma_start3A_119 = tpu.memref_slice %arg15[%add3A_16, %dma_start3A_118] : memref<10240x32xf32, #tpu.memory_space<vmem_shared>> -> memref<128x32xf32, #tpu.memory_space<vmem_shared>>
      %dma_start3A_120 = arith.constant 0 : i32
      %dma_start3A_121 = tpu.memref_slice %arg15[%add3A_16, %dma_start3A_120] : memref<10240x32xf32, #tpu.memory_space<vmem_shared>> -> memref<128x32xf32, #tpu.memory_space<vmem_shared>>
      tpu.enqueue_dma source(%arg14 : memref<128x32xf32, #tpu.memory_space<vmem>>) target(%dma_start3A_121 : memref<128x32xf32, #tpu.memory_space<vmem_shared>>) target_semaphore(%run_scoped3A_117 : memref<!tpu.dma_semaphore, #tpu.memory_space<semaphore_mem>>)
      %dma_wait3A_122 = arith.constant 0 : i32
      %dma_wait3A_123 = tpu.memref_slice %arg15[%add3A_16, %dma_wait3A_122] : memref<10240x32xf32, #tpu.memory_space<vmem_shared>> -> memref<128x32xf32, #tpu.memory_space<vmem_shared>>
      %dma_wait3A_124 = arith.constant 0 : i32
      %dma_wait3A_125 = tpu.memref_slice %arg15[%add3A_16, %dma_wait3A_124] : memref<10240x32xf32, #tpu.memory_space<vmem_shared>> -> memref<128x32xf32, #tpu.memory_space<vmem_shared>>
      tpu.wait_dma2 semaphore(%run_scoped3A_117 : memref<!tpu.dma_semaphore, #tpu.memory_space<semaphore_mem>>) src(%arg14 : memref<128x32xf32, #tpu.memory_space<vmem>>) dst(%dma_wait3A_125 : memref<128x32xf32, #tpu.memory_space<vmem_shared>>)
      tpu.yield
    }) : () -> ()
    %add3A_17 = arith.constant 512 : i32
    %add3A_18 = arith.addi %mul3A_2, %add3A_17 : i32
    "tpu.region"() ({
      %run_scoped3A_117 = tpu.sem_alloc : memref<!tpu.dma_semaphore, #tpu.memory_space<semaphore_mem>>
      %dma_start3A_118 = arith.constant 0 : i32
      %dma_start3A_119 = tpu.memref_slice %arg15[%add3A_18, %dma_start3A_118] : memref<10240x32xf32, #tpu.memory_space<vmem_shared>> -> memref<128x32xf32, #tpu.memory_space<vmem_shared>>
      %dma_start3A_120 = arith.constant 0 : i32
      %dma_start3A_121 = tpu.memref_slice %arg15[%add3A_18, %dma_start3A_120] : memref<10240x32xf32, #tpu.memory_space<vmem_shared>> -> memref<128x32xf32, #tpu.memory_space<vmem_shared>>
      tpu.enqueue_dma source(%arg14 : memref<128x32xf32, #tpu.memory_space<vmem>>) target(%dma_start3A_121 : memref<128x32xf32, #tpu.memory_space<vmem_shared>>) target_semaphore(%run_scoped3A_117 : memref<!tpu.dma_semaphore, #tpu.memory_space<semaphore_mem>>)
      %dma_wait3A_122 = arith.constant 0 : i32
      %dma_wait3A_123 = tpu.memref_slice %arg15[%add3A_18, %dma_wait3A_122] : memref<10240x32xf32, #tpu.memory_space<vmem_shared>> -> memref<128x32xf32, #tpu.memory_space<vmem_shared>>
      %dma_wait3A_124 = arith.constant 0 : i32
      %dma_wait3A_125 = tpu.memref_slice %arg15[%add3A_18, %dma_wait3A_124] : memref<10240x32xf32, #tpu.memory_space<vmem_shared>> -> memref<128x32xf32, #tpu.memory_space<vmem_shared>>
      tpu.wait_dma2 semaphore(%run_scoped3A_117 : memref<!tpu.dma_semaphore, #tpu.memory_space<semaphore_mem>>) src(%arg14 : memref<128x32xf32, #tpu.memory_space<vmem>>) dst(%dma_wait3A_125 : memref<128x32xf32, #tpu.memory_space<vmem_shared>>)
      tpu.yield
    }) : () -> ()
    %run_scoped3A = arith.constant 0 : i32
    "tpu.region"() ({
      %run_scoped3A_117 = tpu.sem_alloc : memref<!tpu.dma_semaphore, #tpu.memory_space<semaphore_mem>>
      %dma_start3A_118 = arith.constant 0 : i32
      %dma_start3A_119 = arith.constant 0 : i32
      %dma_start3A_120 = tpu.memref_slice %arg6[%dma_start3A_118, %dma_start3A_119] : memref<79x128xi32, #tpu.memory_space<vmem>> -> memref<78x128xi32, #tpu.memory_space<vmem>>
      %dma_start3A_121 = arith.constant 0 : i32
      %dma_start3A_122 = tpu.memref_slice %arg3[%run_scoped3A, %add3A_6, %dma_start3A_121] : memref<2x2500x128xi32, #tpu.memory_space<hbm>> -> memref<1x78x128xi32, #tpu.memory_space<hbm>>
      %dma_start3A_123 = tpu.memref_squeeze %dma_start3A_122 : memref<1x78x128xi32, #tpu.memory_space<hbm>> -> memref<78x128xi32, #tpu.memory_space<hbm>>
      %dma_start3A_124 = arith.constant 0 : i32
      %dma_start3A_125 = arith.constant 0 : i32
      %dma_start3A_126 = tpu.memref_slice %arg6[%dma_start3A_124, %dma_start3A_125] : memref<79x128xi32, #tpu.memory_space<vmem>> -> memref<78x128xi32, #tpu.memory_space<vmem>>
      %dma_start3A_127 = arith.constant 0 : i32
      %dma_start3A_128 = tpu.memref_slice %arg3[%run_scoped3A, %add3A_6, %dma_start3A_127] : memref<2x2500x128xi32, #tpu.memory_space<hbm>> -> memref<1x78x128xi32, #tpu.memory_space<hbm>>
      %dma_start3A_129 = tpu.memref_squeeze %dma_start3A_128 : memref<1x78x128xi32, #tpu.memory_space<hbm>> -> memref<78x128xi32, #tpu.memory_space<hbm>>
      tpu.enqueue_dma source(%dma_start3A_129 : memref<78x128xi32, #tpu.memory_space<hbm>>) target(%dma_start3A_126 : memref<78x128xi32, #tpu.memory_space<vmem>>) target_semaphore(%run_scoped3A_117 : memref<!tpu.dma_semaphore, #tpu.memory_space<semaphore_mem>>)
      %dma_wait3A_130 = arith.constant 0 : i32
      %dma_wait3A_131 = arith.constant 0 : i32
      %dma_wait3A_132 = tpu.memref_slice %arg6[%dma_wait3A_130, %dma_wait3A_131] : memref<79x128xi32, #tpu.memory_space<vmem>> -> memref<78x128xi32, #tpu.memory_space<vmem>>
      %dma_wait3A_133 = arith.constant 0 : i32
      %dma_wait3A_134 = tpu.memref_slice %arg3[%run_scoped3A, %add3A_6, %dma_wait3A_133] : memref<2x2500x128xi32, #tpu.memory_space<hbm>> -> memref<1x78x128xi32, #tpu.memory_space<hbm>>
      %dma_wait3A_135 = tpu.memref_squeeze %dma_wait3A_134 : memref<1x78x128xi32, #tpu.memory_space<hbm>> -> memref<78x128xi32, #tpu.memory_space<hbm>>
      %dma_wait3A_136 = arith.constant 0 : i32
      %dma_wait3A_137 = arith.constant 0 : i32
      %dma_wait3A_138 = tpu.memref_slice %arg6[%dma_wait3A_136, %dma_wait3A_137] : memref<79x128xi32, #tpu.memory_space<vmem>> -> memref<78x128xi32, #tpu.memory_space<vmem>>
      %dma_wait3A_139 = arith.constant 0 : i32
      %dma_wait3A_140 = tpu.memref_slice %arg3[%run_scoped3A, %add3A_6, %dma_wait3A_139] : memref<2x2500x128xi32, #tpu.memory_space<hbm>> -> memref<1x78x128xi32, #tpu.memory_space<hbm>>
      %dma_wait3A_141 = tpu.memref_squeeze %dma_wait3A_140 : memref<1x78x128xi32, #tpu.memory_space<hbm>> -> memref<78x128xi32, #tpu.memory_space<hbm>>
      tpu.wait_dma2 semaphore(%run_scoped3A_117 : memref<!tpu.dma_semaphore, #tpu.memory_space<semaphore_mem>>) src(%dma_wait3A_141 : memref<78x128xi32, #tpu.memory_space<hbm>>) dst(%dma_wait3A_138 : memref<78x128xi32, #tpu.memory_space<vmem>>)
      tpu.yield
    }) : () -> ()
    %run_scoped3A_19 = arith.constant 1 : i32
    "tpu.region"() ({
      %run_scoped3A_117 = tpu.sem_alloc : memref<!tpu.dma_semaphore, #tpu.memory_space<semaphore_mem>>
      %dma_start3A_118 = arith.constant 0 : i32
      %dma_start3A_119 = arith.constant 0 : i32
      %dma_start3A_120 = tpu.memref_slice %arg7[%dma_start3A_118, %dma_start3A_119] : memref<79x128xi32, #tpu.memory_space<vmem>> -> memref<78x128xi32, #tpu.memory_space<vmem>>
      %dma_start3A_121 = arith.constant 0 : i32
      %dma_start3A_122 = tpu.memref_slice %arg3[%run_scoped3A_19, %add3A_6, %dma_start3A_121] : memref<2x2500x128xi32, #tpu.memory_space<hbm>> -> memref<1x78x128xi32, #tpu.memory_space<hbm>>
      %dma_start3A_123 = tpu.memref_squeeze %dma_start3A_122 : memref<1x78x128xi32, #tpu.memory_space<hbm>> -> memref<78x128xi32, #tpu.memory_space<hbm>>
      %dma_start3A_124 = arith.constant 0 : i32
      %dma_start3A_125 = arith.constant 0 : i32
      %dma_start3A_126 = tpu.memref_slice %arg7[%dma_start3A_124, %dma_start3A_125] : memref<79x128xi32, #tpu.memory_space<vmem>> -> memref<78x128xi32, #tpu.memory_space<vmem>>
      %dma_start3A_127 = arith.constant 0 : i32
      %dma_start3A_128 = tpu.memref_slice %arg3[%run_scoped3A_19, %add3A_6, %dma_start3A_127] : memref<2x2500x128xi32, #tpu.memory_space<hbm>> -> memref<1x78x128xi32, #tpu.memory_space<hbm>>
      %dma_start3A_129 = tpu.memref_squeeze %dma_start3A_128 : memref<1x78x128xi32, #tpu.memory_space<hbm>> -> memref<78x128xi32, #tpu.memory_space<hbm>>
      tpu.enqueue_dma source(%dma_start3A_129 : memref<78x128xi32, #tpu.memory_space<hbm>>) target(%dma_start3A_126 : memref<78x128xi32, #tpu.memory_space<vmem>>) target_semaphore(%run_scoped3A_117 : memref<!tpu.dma_semaphore, #tpu.memory_space<semaphore_mem>>)
      %dma_wait3A_130 = arith.constant 0 : i32
      %dma_wait3A_131 = arith.constant 0 : i32
      %dma_wait3A_132 = tpu.memref_slice %arg7[%dma_wait3A_130, %dma_wait3A_131] : memref<79x128xi32, #tpu.memory_space<vmem>> -> memref<78x128xi32, #tpu.memory_space<vmem>>
      %dma_wait3A_133 = arith.constant 0 : i32
      %dma_wait3A_134 = tpu.memref_slice %arg3[%run_scoped3A_19, %add3A_6, %dma_wait3A_133] : memref<2x2500x128xi32, #tpu.memory_space<hbm>> -> memref<1x78x128xi32, #tpu.memory_space<hbm>>
      %dma_wait3A_135 = tpu.memref_squeeze %dma_wait3A_134 : memref<1x78x128xi32, #tpu.memory_space<hbm>> -> memref<78x128xi32, #tpu.memory_space<hbm>>
      %dma_wait3A_136 = arith.constant 0 : i32
      %dma_wait3A_137 = arith.constant 0 : i32
      %dma_wait3A_138 = tpu.memref_slice %arg7[%dma_wait3A_136, %dma_wait3A_137] : memref<79x128xi32, #tpu.memory_space<vmem>> -> memref<78x128xi32, #tpu.memory_space<vmem>>
      %dma_wait3A_139 = arith.constant 0 : i32
      %dma_wait3A_140 = tpu.memref_slice %arg3[%run_scoped3A_19, %add3A_6, %dma_wait3A_139] : memref<2x2500x128xi32, #tpu.memory_space<hbm>> -> memref<1x78x128xi32, #tpu.memory_space<hbm>>
      %dma_wait3A_141 = tpu.memref_squeeze %dma_wait3A_140 : memref<1x78x128xi32, #tpu.memory_space<hbm>> -> memref<78x128xi32, #tpu.memory_space<hbm>>
      tpu.wait_dma2 semaphore(%run_scoped3A_117 : memref<!tpu.dma_semaphore, #tpu.memory_space<semaphore_mem>>) src(%dma_wait3A_141 : memref<78x128xi32, #tpu.memory_space<hbm>>) dst(%dma_wait3A_138 : memref<78x128xi32, #tpu.memory_space<vmem>>)
      tpu.yield
    }) : () -> ()
    %lt3A_20 = arith.constant 4 : i32
    %lt3A_21 = arith.cmpi slt, %add3A, %lt3A_20 : i32
    %convert_element_type3A = arith.extui %lt3A_21 : i1 to i32
    %cond3A = arith.constant 0 : i32
    %cond3A_22 = arith.cmpi ne, %convert_element_type3A, %cond3A : i32
    scf.if %cond3A_22 {
      %add3A_117 = arith.constant 78 : i32
      %add3A_118 = arith.addi %add3A_6, %add3A_117 : i32
      %run_scoped3A_119 = arith.constant 0 : i32
      "tpu.region"() ({
        %run_scoped3A_123 = tpu.sem_alloc : memref<!tpu.dma_semaphore, #tpu.memory_space<semaphore_mem>>
        %dma_start3A_124 = arith.constant 78 : i32
        %dma_start3A_125 = arith.constant 0 : i32
        %dma_start3A_126 = tpu.memref_slice %arg6[%dma_start3A_124, %dma_start3A_125] : memref<79x128xi32, #tpu.memory_space<vmem>> -> memref<1x128xi32, #tpu.memory_space<vmem>>
        %dma_start3A_127 = arith.constant 0 : i32
        %dma_start3A_128 = tpu.memref_slice %arg3[%run_scoped3A_119, %add3A_118, %dma_start3A_127] : memref<2x2500x128xi32, #tpu.memory_space<hbm>> -> memref<1x1x128xi32, #tpu.memory_space<hbm>>
        %dma_start3A_129 = tpu.memref_squeeze %dma_start3A_128 : memref<1x1x128xi32, #tpu.memory_space<hbm>> -> memref<1x128xi32, #tpu.memory_space<hbm>>
        %dma_start3A_130 = arith.constant 78 : i32
        %dma_start3A_131 = arith.constant 0 : i32
        %dma_start3A_132 = tpu.memref_slice %arg6[%dma_start3A_130, %dma_start3A_131] : memref<79x128xi32, #tpu.memory_space<vmem>> -> memref<1x128xi32, #tpu.memory_space<vmem>>
        %dma_start3A_133 = arith.constant 0 : i32
        %dma_start3A_134 = tpu.memref_slice %arg3[%run_scoped3A_119, %add3A_118, %dma_start3A_133] : memref<2x2500x128xi32, #tpu.memory_space<hbm>> -> memref<1x1x128xi32, #tpu.memory_space<hbm>>
        %dma_start3A_135 = tpu.memref_squeeze %dma_start3A_134 : memref<1x1x128xi32, #tpu.memory_space<hbm>> -> memref<1x128xi32, #tpu.memory_space<hbm>>
        tpu.enqueue_dma source(%dma_start3A_135 : memref<1x128xi32, #tpu.memory_space<hbm>>) target(%dma_start3A_132 : memref<1x128xi32, #tpu.memory_space<vmem>>) target_semaphore(%run_scoped3A_123 : memref<!tpu.dma_semaphore, #tpu.memory_space<semaphore_mem>>)
        %dma_wait3A_136 = arith.constant 78 : i32
        %dma_wait3A_137 = arith.constant 0 : i32
        %dma_wait3A_138 = tpu.memref_slice %arg6[%dma_wait3A_136, %dma_wait3A_137] : memref<79x128xi32, #tpu.memory_space<vmem>> -> memref<1x128xi32, #tpu.memory_space<vmem>>
        %dma_wait3A_139 = arith.constant 0 : i32
        %dma_wait3A_140 = tpu.memref_slice %arg3[%run_scoped3A_119, %add3A_118, %dma_wait3A_139] : memref<2x2500x128xi32, #tpu.memory_space<hbm>> -> memref<1x1x128xi32, #tpu.memory_space<hbm>>
        %dma_wait3A_141 = tpu.memref_squeeze %dma_wait3A_140 : memref<1x1x128xi32, #tpu.memory_space<hbm>> -> memref<1x128xi32, #tpu.memory_space<hbm>>
        %dma_wait3A_142 = arith.constant 78 : i32
        %dma_wait3A_143 = arith.constant 0 : i32
        %dma_wait3A_144 = tpu.memref_slice %arg6[%dma_wait3A_142, %dma_wait3A_143] : memref<79x128xi32, #tpu.memory_space<vmem>> -> memref<1x128xi32, #tpu.memory_space<vmem>>
        %dma_wait3A_145 = arith.constant 0 : i32
        %dma_wait3A_146 = tpu.memref_slice %arg3[%run_scoped3A_119, %add3A_118, %dma_wait3A_145] : memref<2x2500x128xi32, #tpu.memory_space<hbm>> -> memref<1x1x128xi32, #tpu.memory_space<hbm>>
        %dma_wait3A_147 = tpu.memref_squeeze %dma_wait3A_146 : memref<1x1x128xi32, #tpu.memory_space<hbm>> -> memref<1x128xi32, #tpu.memory_space<hbm>>
        tpu.wait_dma2 semaphore(%run_scoped3A_123 : memref<!tpu.dma_semaphore, #tpu.memory_space<semaphore_mem>>) src(%dma_wait3A_147 : memref<1x128xi32, #tpu.memory_space<hbm>>) dst(%dma_wait3A_144 : memref<1x128xi32, #tpu.memory_space<vmem>>)
        tpu.yield
      }) : () -> ()
      %add3A_120 = arith.constant 78 : i32
      %add3A_121 = arith.addi %add3A_6, %add3A_120 : i32
      %run_scoped3A_122 = arith.constant 1 : i32
      "tpu.region"() ({
        %run_scoped3A_123 = tpu.sem_alloc : memref<!tpu.dma_semaphore, #tpu.memory_space<semaphore_mem>>
        %dma_start3A_124 = arith.constant 78 : i32
        %dma_start3A_125 = arith.constant 0 : i32
        %dma_start3A_126 = tpu.memref_slice %arg7[%dma_start3A_124, %dma_start3A_125] : memref<79x128xi32, #tpu.memory_space<vmem>> -> memref<1x128xi32, #tpu.memory_space<vmem>>
        %dma_start3A_127 = arith.constant 0 : i32
        %dma_start3A_128 = tpu.memref_slice %arg3[%run_scoped3A_122, %add3A_121, %dma_start3A_127] : memref<2x2500x128xi32, #tpu.memory_space<hbm>> -> memref<1x1x128xi32, #tpu.memory_space<hbm>>
        %dma_start3A_129 = tpu.memref_squeeze %dma_start3A_128 : memref<1x1x128xi32, #tpu.memory_space<hbm>> -> memref<1x128xi32, #tpu.memory_space<hbm>>
        %dma_start3A_130 = arith.constant 78 : i32
        %dma_start3A_131 = arith.constant 0 : i32
        %dma_start3A_132 = tpu.memref_slice %arg7[%dma_start3A_130, %dma_start3A_131] : memref<79x128xi32, #tpu.memory_space<vmem>> -> memref<1x128xi32, #tpu.memory_space<vmem>>
        %dma_start3A_133 = arith.constant 0 : i32
        %dma_start3A_134 = tpu.memref_slice %arg3[%run_scoped3A_122, %add3A_121, %dma_start3A_133] : memref<2x2500x128xi32, #tpu.memory_space<hbm>> -> memref<1x1x128xi32, #tpu.memory_space<hbm>>
        %dma_start3A_135 = tpu.memref_squeeze %dma_start3A_134 : memref<1x1x128xi32, #tpu.memory_space<hbm>> -> memref<1x128xi32, #tpu.memory_space<hbm>>
        tpu.enqueue_dma source(%dma_start3A_135 : memref<1x128xi32, #tpu.memory_space<hbm>>) target(%dma_start3A_132 : memref<1x128xi32, #tpu.memory_space<vmem>>) target_semaphore(%run_scoped3A_123 : memref<!tpu.dma_semaphore, #tpu.memory_space<semaphore_mem>>)
        %dma_wait3A_136 = arith.constant 78 : i32
        %dma_wait3A_137 = arith.constant 0 : i32
        %dma_wait3A_138 = tpu.memref_slice %arg7[%dma_wait3A_136, %dma_wait3A_137] : memref<79x128xi32, #tpu.memory_space<vmem>> -> memref<1x128xi32, #tpu.memory_space<vmem>>
        %dma_wait3A_139 = arith.constant 0 : i32
        %dma_wait3A_140 = tpu.memref_slice %arg3[%run_scoped3A_122, %add3A_121, %dma_wait3A_139] : memref<2x2500x128xi32, #tpu.memory_space<hbm>> -> memref<1x1x128xi32, #tpu.memory_space<hbm>>
        %dma_wait3A_141 = tpu.memref_squeeze %dma_wait3A_140 : memref<1x1x128xi32, #tpu.memory_space<hbm>> -> memref<1x128xi32, #tpu.memory_space<hbm>>
        %dma_wait3A_142 = arith.constant 78 : i32
        %dma_wait3A_143 = arith.constant 0 : i32
        %dma_wait3A_144 = tpu.memref_slice %arg7[%dma_wait3A_142, %dma_wait3A_143] : memref<79x128xi32, #tpu.memory_space<vmem>> -> memref<1x128xi32, #tpu.memory_space<vmem>>
        %dma_wait3A_145 = arith.constant 0 : i32
        %dma_wait3A_146 = tpu.memref_slice %arg3[%run_scoped3A_122, %add3A_121, %dma_wait3A_145] : memref<2x2500x128xi32, #tpu.memory_space<hbm>> -> memref<1x1x128xi32, #tpu.memory_space<hbm>>
        %dma_wait3A_147 = tpu.memref_squeeze %dma_wait3A_146 : memref<1x1x128xi32, #tpu.memory_space<hbm>> -> memref<1x128xi32, #tpu.memory_space<hbm>>
        tpu.wait_dma2 semaphore(%run_scoped3A_123 : memref<!tpu.dma_semaphore, #tpu.memory_space<semaphore_mem>>) src(%dma_wait3A_147 : memref<1x128xi32, #tpu.memory_space<hbm>>) dst(%dma_wait3A_144 : memref<1x128xi32, #tpu.memory_space<vmem>>)
        tpu.yield
      }) : () -> ()
    } else {
    }
    %barrier3A = arith.constant 0 : index
    tpu.barrier barrier_id(%barrier3A)
    %dma_start3A = arith.constant 0 : i32
    %dma_start3A_23 = arith.constant 0 : i32
    %dma_start3A_24 = tpu.memref_slice %arg6[%dma_start3A, %dma_start3A_23] : memref<79x128xi32, #tpu.memory_space<vmem>> -> memref<1x128xi32, #tpu.memory_space<vmem>>
    %dma_start3A_25 = tpu.memref_squeeze %dma_start3A_24 : memref<1x128xi32, #tpu.memory_space<vmem>> -> memref<128xi32, #tpu.memory_space<vmem>>
    %dma_start3A_26 = arith.constant 0 : i32
    %dma_start3A_27 = arith.constant 0 : i32
    %dma_start3A_28 = tpu.memref_slice %arg16[%dma_start3A_26, %dma_start3A_27] : memref<10240x32xf32, #tpu.memory_space<vmem_shared>> -> memref<10240x32xf32, #tpu.memory_space<vmem_shared>>
    tpu.enqueue_indirect_dma source(%dma_start3A_28 : memref<10240x32xf32, #tpu.memory_space<vmem_shared>>) target(%arg8 : memref<128x32xf32, #tpu.memory_space<vmem>>) offsets(%dma_start3A_25 : memref<128xi32, #tpu.memory_space<vmem>>) semaphore(%arg17 : memref<!tpu.dma_semaphore, #tpu.memory_space<semaphore_mem>>)
    %dma_start3A_29 = arith.constant 1 : i32
    %dma_start3A_30 = arith.constant 0 : i32
    %dma_start3A_31 = tpu.memref_slice %arg6[%dma_start3A_29, %dma_start3A_30] : memref<79x128xi32, #tpu.memory_space<vmem>> -> memref<1x128xi32, #tpu.memory_space<vmem>>
    %dma_start3A_32 = tpu.memref_squeeze %dma_start3A_31 : memref<1x128xi32, #tpu.memory_space<vmem>> -> memref<128xi32, #tpu.memory_space<vmem>>
    %dma_start3A_33 = arith.constant 0 : i32
    %dma_start3A_34 = arith.constant 0 : i32
    %dma_start3A_35 = tpu.memref_slice %arg16[%dma_start3A_33, %dma_start3A_34] : memref<10240x32xf32, #tpu.memory_space<vmem_shared>> -> memref<10240x32xf32, #tpu.memory_space<vmem_shared>>
    tpu.enqueue_indirect_dma source(%dma_start3A_35 : memref<10240x32xf32, #tpu.memory_space<vmem_shared>>) target(%arg9 : memref<128x32xf32, #tpu.memory_space<vmem>>) offsets(%dma_start3A_32 : memref<128xi32, #tpu.memory_space<vmem>>) semaphore(%arg18 : memref<!tpu.dma_semaphore, #tpu.memory_space<semaphore_mem>>)
    %dma_start3A_36 = arith.constant 2 : i32
    %dma_start3A_37 = arith.constant 0 : i32
    %dma_start3A_38 = tpu.memref_slice %arg6[%dma_start3A_36, %dma_start3A_37] : memref<79x128xi32, #tpu.memory_space<vmem>> -> memref<1x128xi32, #tpu.memory_space<vmem>>
    %dma_start3A_39 = tpu.memref_squeeze %dma_start3A_38 : memref<1x128xi32, #tpu.memory_space<vmem>> -> memref<128xi32, #tpu.memory_space<vmem>>
    %dma_start3A_40 = arith.constant 0 : i32
    %dma_start3A_41 = arith.constant 0 : i32
    %dma_start3A_42 = tpu.memref_slice %arg16[%dma_start3A_40, %dma_start3A_41] : memref<10240x32xf32, #tpu.memory_space<vmem_shared>> -> memref<10240x32xf32, #tpu.memory_space<vmem_shared>>
    tpu.enqueue_indirect_dma source(%dma_start3A_42 : memref<10240x32xf32, #tpu.memory_space<vmem_shared>>) target(%arg10 : memref<128x32xf32, #tpu.memory_space<vmem>>) offsets(%dma_start3A_39 : memref<128xi32, #tpu.memory_space<vmem>>) semaphore(%arg19 : memref<!tpu.dma_semaphore, #tpu.memory_space<semaphore_mem>>)
    %dma_start3A_43 = arith.constant 3 : i32
    %dma_start3A_44 = arith.constant 0 : i32
    %dma_start3A_45 = tpu.memref_slice %arg6[%dma_start3A_43, %dma_start3A_44] : memref<79x128xi32, #tpu.memory_space<vmem>> -> memref<1x128xi32, #tpu.memory_space<vmem>>
    %dma_start3A_46 = tpu.memref_squeeze %dma_start3A_45 : memref<1x128xi32, #tpu.memory_space<vmem>> -> memref<128xi32, #tpu.memory_space<vmem>>
    %dma_start3A_47 = arith.constant 0 : i32
    %dma_start3A_48 = arith.constant 0 : i32
    %dma_start3A_49 = tpu.memref_slice %arg16[%dma_start3A_47, %dma_start3A_48] : memref<10240x32xf32, #tpu.memory_space<vmem_shared>> -> memref<10240x32xf32, #tpu.memory_space<vmem_shared>>
    tpu.enqueue_indirect_dma source(%dma_start3A_49 : memref<10240x32xf32, #tpu.memory_space<vmem_shared>>) target(%arg11 : memref<128x32xf32, #tpu.memory_space<vmem>>) offsets(%dma_start3A_46 : memref<128xi32, #tpu.memory_space<vmem>>) semaphore(%arg20 : memref<!tpu.dma_semaphore, #tpu.memory_space<semaphore_mem>>)
    %dma_start3A_50 = arith.constant 4 : i32
    %dma_start3A_51 = arith.constant 0 : i32
    %dma_start3A_52 = tpu.memref_slice %arg6[%dma_start3A_50, %dma_start3A_51] : memref<79x128xi32, #tpu.memory_space<vmem>> -> memref<1x128xi32, #tpu.memory_space<vmem>>
    %dma_start3A_53 = tpu.memref_squeeze %dma_start3A_52 : memref<1x128xi32, #tpu.memory_space<vmem>> -> memref<128xi32, #tpu.memory_space<vmem>>
    %dma_start3A_54 = arith.constant 0 : i32
    %dma_start3A_55 = arith.constant 0 : i32
    %dma_start3A_56 = tpu.memref_slice %arg16[%dma_start3A_54, %dma_start3A_55] : memref<10240x32xf32, #tpu.memory_space<vmem_shared>> -> memref<10240x32xf32, #tpu.memory_space<vmem_shared>>
    tpu.enqueue_indirect_dma source(%dma_start3A_56 : memref<10240x32xf32, #tpu.memory_space<vmem_shared>>) target(%arg12 : memref<128x32xf32, #tpu.memory_space<vmem>>) offsets(%dma_start3A_53 : memref<128xi32, #tpu.memory_space<vmem>>) semaphore(%arg21 : memref<!tpu.dma_semaphore, #tpu.memory_space<semaphore_mem>>)
    %dma_start3A_57 = arith.constant 5 : i32
    %dma_start3A_58 = arith.constant 0 : i32
    %dma_start3A_59 = tpu.memref_slice %arg6[%dma_start3A_57, %dma_start3A_58] : memref<79x128xi32, #tpu.memory_space<vmem>> -> memref<1x128xi32, #tpu.memory_space<vmem>>
    %dma_start3A_60 = tpu.memref_squeeze %dma_start3A_59 : memref<1x128xi32, #tpu.memory_space<vmem>> -> memref<128xi32, #tpu.memory_space<vmem>>
    %dma_start3A_61 = arith.constant 0 : i32
    %dma_start3A_62 = arith.constant 0 : i32
    %dma_start3A_63 = tpu.memref_slice %arg16[%dma_start3A_61, %dma_start3A_62] : memref<10240x32xf32, #tpu.memory_space<vmem_shared>> -> memref<10240x32xf32, #tpu.memory_space<vmem_shared>>
    tpu.enqueue_indirect_dma source(%dma_start3A_63 : memref<10240x32xf32, #tpu.memory_space<vmem_shared>>) target(%arg13 : memref<128x32xf32, #tpu.memory_space<vmem>>) offsets(%dma_start3A_60 : memref<128xi32, #tpu.memory_space<vmem>>) semaphore(%arg22 : memref<!tpu.dma_semaphore, #tpu.memory_space<semaphore_mem>>)
    %sub3A = arith.constant 1 : i32
    %sub3A_64 = arith.subi %select_n3A, %sub3A : i32
    %scan3A = arith.constant 0 : i32
    %scan3A_65 = arith.constant 0 : i32
    %scan3A_66 = arith.constant 13 : i32
    %scan3A_67 = arith.addi %scan3A_65, %scan3A_66 : i32
    %scan3A_68 = arith.constant 1 : i32
    scf.for %scan3A_117 = %scan3A_65 to %scan3A_67 step %scan3A_68  : i32 {
      %mul3A_118 = arith.constant 6 : i32
      %mul3A_119 = arith.muli %mul3A_118, %scan3A_117 : i32
      %dma_wait3A_120 = arith.constant 0 : i32
      %dma_wait3A_121 = arith.constant 0 : i32
      %dma_wait3A_122 = tpu.memref_slice %arg6[%dma_wait3A_120, %dma_wait3A_121] : memref<79x128xi32, #tpu.memory_space<vmem>> -> memref<1x128xi32, #tpu.memory_space<vmem>>
      %dma_wait3A_123 = tpu.memref_squeeze %dma_wait3A_122 : memref<1x128xi32, #tpu.memory_space<vmem>> -> memref<128xi32, #tpu.memory_space<vmem>>
      %dma_wait3A_124 = arith.constant 0 : i32
      %dma_wait3A_125 = arith.constant 0 : i32
      %dma_wait3A_126 = tpu.memref_slice %arg16[%dma_wait3A_124, %dma_wait3A_125] : memref<10240x32xf32, #tpu.memory_space<vmem_shared>> -> memref<10240x32xf32, #tpu.memory_space<vmem_shared>>
      tpu.wait_indirect_dma semaphore(%arg17 : memref<!tpu.dma_semaphore, #tpu.memory_space<semaphore_mem>>) src(%dma_wait3A_126 : memref<10240x32xf32, #tpu.memory_space<vmem_shared>>) dst(%arg8 : memref<128x32xf32, #tpu.memory_space<vmem>>)
      %add3A_127 = arith.constant 0 : i32
      %add3A_128 = arith.addi %mul3A_119, %add3A_127 : i32
      %dma_start3A_129 = arith.constant 0 : i32
      %dma_start3A_130 = tpu.memref_slice %arg7[%add3A_128, %dma_start3A_129] : memref<79x128xi32, #tpu.memory_space<vmem>> -> memref<1x128xi32, #tpu.memory_space<vmem>>
      %dma_start3A_131 = tpu.memref_squeeze %dma_start3A_130 : memref<1x128xi32, #tpu.memory_space<vmem>> -> memref<128xi32, #tpu.memory_space<vmem>>
      %dma_start3A_132 = arith.constant 0 : i32
      %dma_start3A_133 = arith.constant 0 : i32
      %dma_start3A_134 = tpu.memref_slice %arg15[%dma_start3A_132, %dma_start3A_133] : memref<10240x32xf32, #tpu.memory_space<vmem_shared>> -> memref<10240x32xf32, #tpu.memory_space<vmem_shared>>
      tpu.enqueue_indirect_dma source(%arg8 : memref<128x32xf32, #tpu.memory_space<vmem>>) target(%dma_start3A_134 : memref<10240x32xf32, #tpu.memory_space<vmem_shared>>) offsets(%dma_start3A_131 : memref<128xi32, #tpu.memory_space<vmem>>) semaphore(%arg23 : memref<!tpu.dma_semaphore, #tpu.memory_space<semaphore_mem>>) {add = true}
      %dma_wait3A_135 = arith.constant 0 : i32
      %dma_wait3A_136 = arith.constant 0 : i32
      %dma_wait3A_137 = tpu.memref_slice %arg6[%dma_wait3A_135, %dma_wait3A_136] : memref<79x128xi32, #tpu.memory_space<vmem>> -> memref<1x128xi32, #tpu.memory_space<vmem>>
      %dma_wait3A_138 = tpu.memref_squeeze %dma_wait3A_137 : memref<1x128xi32, #tpu.memory_space<vmem>> -> memref<128xi32, #tpu.memory_space<vmem>>
      %dma_wait3A_139 = arith.constant 0 : i32
      %dma_wait3A_140 = arith.constant 0 : i32
      %dma_wait3A_141 = tpu.memref_slice %arg16[%dma_wait3A_139, %dma_wait3A_140] : memref<10240x32xf32, #tpu.memory_space<vmem_shared>> -> memref<10240x32xf32, #tpu.memory_space<vmem_shared>>
      tpu.wait_indirect_dma semaphore(%arg18 : memref<!tpu.dma_semaphore, #tpu.memory_space<semaphore_mem>>) src(%dma_wait3A_141 : memref<10240x32xf32, #tpu.memory_space<vmem_shared>>) dst(%arg9 : memref<128x32xf32, #tpu.memory_space<vmem>>)
      %add3A_142 = arith.constant 1 : i32
      %add3A_143 = arith.addi %mul3A_119, %add3A_142 : i32
      %dma_start3A_144 = arith.constant 0 : i32
      %dma_start3A_145 = tpu.memref_slice %arg7[%add3A_143, %dma_start3A_144] : memref<79x128xi32, #tpu.memory_space<vmem>> -> memref<1x128xi32, #tpu.memory_space<vmem>>
      %dma_start3A_146 = tpu.memref_squeeze %dma_start3A_145 : memref<1x128xi32, #tpu.memory_space<vmem>> -> memref<128xi32, #tpu.memory_space<vmem>>
      %dma_start3A_147 = arith.constant 0 : i32
      %dma_start3A_148 = arith.constant 0 : i32
      %dma_start3A_149 = tpu.memref_slice %arg15[%dma_start3A_147, %dma_start3A_148] : memref<10240x32xf32, #tpu.memory_space<vmem_shared>> -> memref<10240x32xf32, #tpu.memory_space<vmem_shared>>
      tpu.enqueue_indirect_dma source(%arg9 : memref<128x32xf32, #tpu.memory_space<vmem>>) target(%dma_start3A_149 : memref<10240x32xf32, #tpu.memory_space<vmem_shared>>) offsets(%dma_start3A_146 : memref<128xi32, #tpu.memory_space<vmem>>) semaphore(%arg24 : memref<!tpu.dma_semaphore, #tpu.memory_space<semaphore_mem>>) {add = true}
      %dma_wait3A_150 = arith.constant 0 : i32
      %dma_wait3A_151 = arith.constant 0 : i32
      %dma_wait3A_152 = tpu.memref_slice %arg6[%dma_wait3A_150, %dma_wait3A_151] : memref<79x128xi32, #tpu.memory_space<vmem>> -> memref<1x128xi32, #tpu.memory_space<vmem>>
      %dma_wait3A_153 = tpu.memref_squeeze %dma_wait3A_152 : memref<1x128xi32, #tpu.memory_space<vmem>> -> memref<128xi32, #tpu.memory_space<vmem>>
      %dma_wait3A_154 = arith.constant 0 : i32
      %dma_wait3A_155 = arith.constant 0 : i32
      %dma_wait3A_156 = tpu.memref_slice %arg16[%dma_wait3A_154, %dma_wait3A_155] : memref<10240x32xf32, #tpu.memory_space<vmem_shared>> -> memref<10240x32xf32, #tpu.memory_space<vmem_shared>>
      tpu.wait_indirect_dma semaphore(%arg19 : memref<!tpu.dma_semaphore, #tpu.memory_space<semaphore_mem>>) src(%dma_wait3A_156 : memref<10240x32xf32, #tpu.memory_space<vmem_shared>>) dst(%arg10 : memref<128x32xf32, #tpu.memory_space<vmem>>)
      %add3A_157 = arith.constant 2 : i32
      %add3A_158 = arith.addi %mul3A_119, %add3A_157 : i32
      %dma_start3A_159 = arith.constant 0 : i32
      %dma_start3A_160 = tpu.memref_slice %arg7[%add3A_158, %dma_start3A_159] : memref<79x128xi32, #tpu.memory_space<vmem>> -> memref<1x128xi32, #tpu.memory_space<vmem>>
      %dma_start3A_161 = tpu.memref_squeeze %dma_start3A_160 : memref<1x128xi32, #tpu.memory_space<vmem>> -> memref<128xi32, #tpu.memory_space<vmem>>
      %dma_start3A_162 = arith.constant 0 : i32
      %dma_start3A_163 = arith.constant 0 : i32
      %dma_start3A_164 = tpu.memref_slice %arg15[%dma_start3A_162, %dma_start3A_163] : memref<10240x32xf32, #tpu.memory_space<vmem_shared>> -> memref<10240x32xf32, #tpu.memory_space<vmem_shared>>
      tpu.enqueue_indirect_dma source(%arg10 : memref<128x32xf32, #tpu.memory_space<vmem>>) target(%dma_start3A_164 : memref<10240x32xf32, #tpu.memory_space<vmem_shared>>) offsets(%dma_start3A_161 : memref<128xi32, #tpu.memory_space<vmem>>) semaphore(%arg25 : memref<!tpu.dma_semaphore, #tpu.memory_space<semaphore_mem>>) {add = true}
      %dma_wait3A_165 = arith.constant 0 : i32
      %dma_wait3A_166 = arith.constant 0 : i32
      %dma_wait3A_167 = tpu.memref_slice %arg6[%dma_wait3A_165, %dma_wait3A_166] : memref<79x128xi32, #tpu.memory_space<vmem>> -> memref<1x128xi32, #tpu.memory_space<vmem>>
      %dma_wait3A_168 = tpu.memref_squeeze %dma_wait3A_167 : memref<1x128xi32, #tpu.memory_space<vmem>> -> memref<128xi32, #tpu.memory_space<vmem>>
      %dma_wait3A_169 = arith.constant 0 : i32
      %dma_wait3A_170 = arith.constant 0 : i32
      %dma_wait3A_171 = tpu.memref_slice %arg16[%dma_wait3A_169, %dma_wait3A_170] : memref<10240x32xf32, #tpu.memory_space<vmem_shared>> -> memref<10240x32xf32, #tpu.memory_space<vmem_shared>>
      tpu.wait_indirect_dma semaphore(%arg20 : memref<!tpu.dma_semaphore, #tpu.memory_space<semaphore_mem>>) src(%dma_wait3A_171 : memref<10240x32xf32, #tpu.memory_space<vmem_shared>>) dst(%arg11 : memref<128x32xf32, #tpu.memory_space<vmem>>)
      %add3A_172 = arith.constant 3 : i32
      %add3A_173 = arith.addi %mul3A_119, %add3A_172 : i32
      %dma_start3A_174 = arith.constant 0 : i32
      %dma_start3A_175 = tpu.memref_slice %arg7[%add3A_173, %dma_start3A_174] : memref<79x128xi32, #tpu.memory_space<vmem>> -> memref<1x128xi32, #tpu.memory_space<vmem>>
      %dma_start3A_176 = tpu.memref_squeeze %dma_start3A_175 : memref<1x128xi32, #tpu.memory_space<vmem>> -> memref<128xi32, #tpu.memory_space<vmem>>
      %dma_start3A_177 = arith.constant 0 : i32
      %dma_start3A_178 = arith.constant 0 : i32
      %dma_start3A_179 = tpu.memref_slice %arg15[%dma_start3A_177, %dma_start3A_178] : memref<10240x32xf32, #tpu.memory_space<vmem_shared>> -> memref<10240x32xf32, #tpu.memory_space<vmem_shared>>
      tpu.enqueue_indirect_dma source(%arg11 : memref<128x32xf32, #tpu.memory_space<vmem>>) target(%dma_start3A_179 : memref<10240x32xf32, #tpu.memory_space<vmem_shared>>) offsets(%dma_start3A_176 : memref<128xi32, #tpu.memory_space<vmem>>) semaphore(%arg26 : memref<!tpu.dma_semaphore, #tpu.memory_space<semaphore_mem>>) {add = true}
      %dma_wait3A_180 = arith.constant 0 : i32
      %dma_wait3A_181 = arith.constant 0 : i32
      %dma_wait3A_182 = tpu.memref_slice %arg6[%dma_wait3A_180, %dma_wait3A_181] : memref<79x128xi32, #tpu.memory_space<vmem>> -> memref<1x128xi32, #tpu.memory_space<vmem>>
      %dma_wait3A_183 = tpu.memref_squeeze %dma_wait3A_182 : memref<1x128xi32, #tpu.memory_space<vmem>> -> memref<128xi32, #tpu.memory_space<vmem>>
      %dma_wait3A_184 = arith.constant 0 : i32
      %dma_wait3A_185 = arith.constant 0 : i32
      %dma_wait3A_186 = tpu.memref_slice %arg16[%dma_wait3A_184, %dma_wait3A_185] : memref<10240x32xf32, #tpu.memory_space<vmem_shared>> -> memref<10240x32xf32, #tpu.memory_space<vmem_shared>>
      tpu.wait_indirect_dma semaphore(%arg21 : memref<!tpu.dma_semaphore, #tpu.memory_space<semaphore_mem>>) src(%dma_wait3A_186 : memref<10240x32xf32, #tpu.memory_space<vmem_shared>>) dst(%arg12 : memref<128x32xf32, #tpu.memory_space<vmem>>)
      %add3A_187 = arith.constant 4 : i32
      %add3A_188 = arith.addi %mul3A_119, %add3A_187 : i32
      %dma_start3A_189 = arith.constant 0 : i32
      %dma_start3A_190 = tpu.memref_slice %arg7[%add3A_188, %dma_start3A_189] : memref<79x128xi32, #tpu.memory_space<vmem>> -> memref<1x128xi32, #tpu.memory_space<vmem>>
      %dma_start3A_191 = tpu.memref_squeeze %dma_start3A_190 : memref<1x128xi32, #tpu.memory_space<vmem>> -> memref<128xi32, #tpu.memory_space<vmem>>
      %dma_start3A_192 = arith.constant 0 : i32
      %dma_start3A_193 = arith.constant 0 : i32
      %dma_start3A_194 = tpu.memref_slice %arg15[%dma_start3A_192, %dma_start3A_193] : memref<10240x32xf32, #tpu.memory_space<vmem_shared>> -> memref<10240x32xf32, #tpu.memory_space<vmem_shared>>
      tpu.enqueue_indirect_dma source(%arg12 : memref<128x32xf32, #tpu.memory_space<vmem>>) target(%dma_start3A_194 : memref<10240x32xf32, #tpu.memory_space<vmem_shared>>) offsets(%dma_start3A_191 : memref<128xi32, #tpu.memory_space<vmem>>) semaphore(%arg27 : memref<!tpu.dma_semaphore, #tpu.memory_space<semaphore_mem>>) {add = true}
      %dma_wait3A_195 = arith.constant 0 : i32
      %dma_wait3A_196 = arith.constant 0 : i32
      %dma_wait3A_197 = tpu.memref_slice %arg6[%dma_wait3A_195, %dma_wait3A_196] : memref<79x128xi32, #tpu.memory_space<vmem>> -> memref<1x128xi32, #tpu.memory_space<vmem>>
      %dma_wait3A_198 = tpu.memref_squeeze %dma_wait3A_197 : memref<1x128xi32, #tpu.memory_space<vmem>> -> memref<128xi32, #tpu.memory_space<vmem>>
      %dma_wait3A_199 = arith.constant 0 : i32
      %dma_wait3A_200 = arith.constant 0 : i32
      %dma_wait3A_201 = tpu.memref_slice %arg16[%dma_wait3A_199, %dma_wait3A_200] : memref<10240x32xf32, #tpu.memory_space<vmem_shared>> -> memref<10240x32xf32, #tpu.memory_space<vmem_shared>>
      tpu.wait_indirect_dma semaphore(%arg22 : memref<!tpu.dma_semaphore, #tpu.memory_space<semaphore_mem>>) src(%dma_wait3A_201 : memref<10240x32xf32, #tpu.memory_space<vmem_shared>>) dst(%arg13 : memref<128x32xf32, #tpu.memory_space<vmem>>)
      %add3A_202 = arith.constant 5 : i32
      %add3A_203 = arith.addi %mul3A_119, %add3A_202 : i32
      %dma_start3A_204 = arith.constant 0 : i32
      %dma_start3A_205 = tpu.memref_slice %arg7[%add3A_203, %dma_start3A_204] : memref<79x128xi32, #tpu.memory_space<vmem>> -> memref<1x128xi32, #tpu.memory_space<vmem>>
      %dma_start3A_206 = tpu.memref_squeeze %dma_start3A_205 : memref<1x128xi32, #tpu.memory_space<vmem>> -> memref<128xi32, #tpu.memory_space<vmem>>
      %dma_start3A_207 = arith.constant 0 : i32
      %dma_start3A_208 = arith.constant 0 : i32
      %dma_start3A_209 = tpu.memref_slice %arg15[%dma_start3A_207, %dma_start3A_208] : memref<10240x32xf32, #tpu.memory_space<vmem_shared>> -> memref<10240x32xf32, #tpu.memory_space<vmem_shared>>
      tpu.enqueue_indirect_dma source(%arg13 : memref<128x32xf32, #tpu.memory_space<vmem>>) target(%dma_start3A_209 : memref<10240x32xf32, #tpu.memory_space<vmem_shared>>) offsets(%dma_start3A_206 : memref<128xi32, #tpu.memory_space<vmem>>) semaphore(%arg28 : memref<!tpu.dma_semaphore, #tpu.memory_space<semaphore_mem>>) {add = true}
      %dma_wait3A_210 = arith.constant 0 : i32
      %dma_wait3A_211 = tpu.memref_slice %arg7[%add3A_128, %dma_wait3A_210] : memref<79x128xi32, #tpu.memory_space<vmem>> -> memref<1x128xi32, #tpu.memory_space<vmem>>
      %dma_wait3A_212 = tpu.memref_squeeze %dma_wait3A_211 : memref<1x128xi32, #tpu.memory_space<vmem>> -> memref<128xi32, #tpu.memory_space<vmem>>
      %dma_wait3A_213 = arith.constant 0 : i32
      %dma_wait3A_214 = arith.constant 0 : i32
      %dma_wait3A_215 = tpu.memref_slice %arg15[%dma_wait3A_213, %dma_wait3A_214] : memref<10240x32xf32, #tpu.memory_space<vmem_shared>> -> memref<10240x32xf32, #tpu.memory_space<vmem_shared>>
      tpu.wait_indirect_dma semaphore(%arg23 : memref<!tpu.dma_semaphore, #tpu.memory_space<semaphore_mem>>) src(%arg8 : memref<128x32xf32, #tpu.memory_space<vmem>>) dst(%dma_wait3A_215 : memref<10240x32xf32, #tpu.memory_space<vmem_shared>>)
      %add3A_216 = arith.constant 0 : i32
      %add3A_217 = arith.addi %mul3A_119, %add3A_216 : i32
      %add3A_218 = arith.constant 6 : i32
      %add3A_219 = arith.addi %add3A_217, %add3A_218 : i32
      %min3A_220 = arith.minsi %add3A_219, %sub3A_64 : i32
      %dma_start3A_221 = arith.constant 0 : i32
      %dma_start3A_222 = tpu.memref_slice %arg6[%min3A_220, %dma_start3A_221] : memref<79x128xi32, #tpu.memory_space<vmem>> -> memref<1x128xi32, #tpu.memory_space<vmem>>
      %dma_start3A_223 = tpu.memref_squeeze %dma_start3A_222 : memref<1x128xi32, #tpu.memory_space<vmem>> -> memref<128xi32, #tpu.memory_space<vmem>>
      %dma_start3A_224 = arith.constant 0 : i32
      %dma_start3A_225 = arith.constant 0 : i32
      %dma_start3A_226 = tpu.memref_slice %arg16[%dma_start3A_224, %dma_start3A_225] : memref<10240x32xf32, #tpu.memory_space<vmem_shared>> -> memref<10240x32xf32, #tpu.memory_space<vmem_shared>>
      tpu.enqueue_indirect_dma source(%dma_start3A_226 : memref<10240x32xf32, #tpu.memory_space<vmem_shared>>) target(%arg8 : memref<128x32xf32, #tpu.memory_space<vmem>>) offsets(%dma_start3A_223 : memref<128xi32, #tpu.memory_space<vmem>>) semaphore(%arg17 : memref<!tpu.dma_semaphore, #tpu.memory_space<semaphore_mem>>)
      %dma_wait3A_227 = arith.constant 0 : i32
      %dma_wait3A_228 = tpu.memref_slice %arg7[%add3A_143, %dma_wait3A_227] : memref<79x128xi32, #tpu.memory_space<vmem>> -> memref<1x128xi32, #tpu.memory_space<vmem>>
      %dma_wait3A_229 = tpu.memref_squeeze %dma_wait3A_228 : memref<1x128xi32, #tpu.memory_space<vmem>> -> memref<128xi32, #tpu.memory_space<vmem>>
      %dma_wait3A_230 = arith.constant 0 : i32
      %dma_wait3A_231 = arith.constant 0 : i32
      %dma_wait3A_232 = tpu.memref_slice %arg15[%dma_wait3A_230, %dma_wait3A_231] : memref<10240x32xf32, #tpu.memory_space<vmem_shared>> -> memref<10240x32xf32, #tpu.memory_space<vmem_shared>>
      tpu.wait_indirect_dma semaphore(%arg24 : memref<!tpu.dma_semaphore, #tpu.memory_space<semaphore_mem>>) src(%arg9 : memref<128x32xf32, #tpu.memory_space<vmem>>) dst(%dma_wait3A_232 : memref<10240x32xf32, #tpu.memory_space<vmem_shared>>)
      %add3A_233 = arith.constant 1 : i32
      %add3A_234 = arith.addi %mul3A_119, %add3A_233 : i32
      %add3A_235 = arith.constant 6 : i32
      %add3A_236 = arith.addi %add3A_234, %add3A_235 : i32
      %min3A_237 = arith.minsi %add3A_236, %sub3A_64 : i32
      %dma_start3A_238 = arith.constant 0 : i32
      %dma_start3A_239 = tpu.memref_slice %arg6[%min3A_237, %dma_start3A_238] : memref<79x128xi32, #tpu.memory_space<vmem>> -> memref<1x128xi32, #tpu.memory_space<vmem>>
      %dma_start3A_240 = tpu.memref_squeeze %dma_start3A_239 : memref<1x128xi32, #tpu.memory_space<vmem>> -> memref<128xi32, #tpu.memory_space<vmem>>
      %dma_start3A_241 = arith.constant 0 : i32
      %dma_start3A_242 = arith.constant 0 : i32
      %dma_start3A_243 = tpu.memref_slice %arg16[%dma_start3A_241, %dma_start3A_242] : memref<10240x32xf32, #tpu.memory_space<vmem_shared>> -> memref<10240x32xf32, #tpu.memory_space<vmem_shared>>
      tpu.enqueue_indirect_dma source(%dma_start3A_243 : memref<10240x32xf32, #tpu.memory_space<vmem_shared>>) target(%arg9 : memref<128x32xf32, #tpu.memory_space<vmem>>) offsets(%dma_start3A_240 : memref<128xi32, #tpu.memory_space<vmem>>) semaphore(%arg18 : memref<!tpu.dma_semaphore, #tpu.memory_space<semaphore_mem>>)
      %dma_wait3A_244 = arith.constant 0 : i32
      %dma_wait3A_245 = tpu.memref_slice %arg7[%add3A_158, %dma_wait3A_244] : memref<79x128xi32, #tpu.memory_space<vmem>> -> memref<1x128xi32, #tpu.memory_space<vmem>>
      %dma_wait3A_246 = tpu.memref_squeeze %dma_wait3A_245 : memref<1x128xi32, #tpu.memory_space<vmem>> -> memref<128xi32, #tpu.memory_space<vmem>>
      %dma_wait3A_247 = arith.constant 0 : i32
      %dma_wait3A_248 = arith.constant 0 : i32
      %dma_wait3A_249 = tpu.memref_slice %arg15[%dma_wait3A_247, %dma_wait3A_248] : memref<10240x32xf32, #tpu.memory_space<vmem_shared>> -> memref<10240x32xf32, #tpu.memory_space<vmem_shared>>
      tpu.wait_indirect_dma semaphore(%arg25 : memref<!tpu.dma_semaphore, #tpu.memory_space<semaphore_mem>>) src(%arg10 : memref<128x32xf32, #tpu.memory_space<vmem>>) dst(%dma_wait3A_249 : memref<10240x32xf32, #tpu.memory_space<vmem_shared>>)
      %add3A_250 = arith.constant 2 : i32
      %add3A_251 = arith.addi %mul3A_119, %add3A_250 : i32
      %add3A_252 = arith.constant 6 : i32
      %add3A_253 = arith.addi %add3A_251, %add3A_252 : i32
      %min3A_254 = arith.minsi %add3A_253, %sub3A_64 : i32
      %dma_start3A_255 = arith.constant 0 : i32
      %dma_start3A_256 = tpu.memref_slice %arg6[%min3A_254, %dma_start3A_255] : memref<79x128xi32, #tpu.memory_space<vmem>> -> memref<1x128xi32, #tpu.memory_space<vmem>>
      %dma_start3A_257 = tpu.memref_squeeze %dma_start3A_256 : memref<1x128xi32, #tpu.memory_space<vmem>> -> memref<128xi32, #tpu.memory_space<vmem>>
      %dma_start3A_258 = arith.constant 0 : i32
      %dma_start3A_259 = arith.constant 0 : i32
      %dma_start3A_260 = tpu.memref_slice %arg16[%dma_start3A_258, %dma_start3A_259] : memref<10240x32xf32, #tpu.memory_space<vmem_shared>> -> memref<10240x32xf32, #tpu.memory_space<vmem_shared>>
      tpu.enqueue_indirect_dma source(%dma_start3A_260 : memref<10240x32xf32, #tpu.memory_space<vmem_shared>>) target(%arg10 : memref<128x32xf32, #tpu.memory_space<vmem>>) offsets(%dma_start3A_257 : memref<128xi32, #tpu.memory_space<vmem>>) semaphore(%arg19 : memref<!tpu.dma_semaphore, #tpu.memory_space<semaphore_mem>>)
      %dma_wait3A_261 = arith.constant 0 : i32
      %dma_wait3A_262 = tpu.memref_slice %arg7[%add3A_173, %dma_wait3A_261] : memref<79x128xi32, #tpu.memory_space<vmem>> -> memref<1x128xi32, #tpu.memory_space<vmem>>
      %dma_wait3A_263 = tpu.memref_squeeze %dma_wait3A_262 : memref<1x128xi32, #tpu.memory_space<vmem>> -> memref<128xi32, #tpu.memory_space<vmem>>
      %dma_wait3A_264 = arith.constant 0 : i32
      %dma_wait3A_265 = arith.constant 0 : i32
      %dma_wait3A_266 = tpu.memref_slice %arg15[%dma_wait3A_264, %dma_wait3A_265] : memref<10240x32xf32, #tpu.memory_space<vmem_shared>> -> memref<10240x32xf32, #tpu.memory_space<vmem_shared>>
      tpu.wait_indirect_dma semaphore(%arg26 : memref<!tpu.dma_semaphore, #tpu.memory_space<semaphore_mem>>) src(%arg11 : memref<128x32xf32, #tpu.memory_space<vmem>>) dst(%dma_wait3A_266 : memref<10240x32xf32, #tpu.memory_space<vmem_shared>>)
      %add3A_267 = arith.constant 3 : i32
      %add3A_268 = arith.addi %mul3A_119, %add3A_267 : i32
      %add3A_269 = arith.constant 6 : i32
      %add3A_270 = arith.addi %add3A_268, %add3A_269 : i32
      %min3A_271 = arith.minsi %add3A_270, %sub3A_64 : i32
      %dma_start3A_272 = arith.constant 0 : i32
      %dma_start3A_273 = tpu.memref_slice %arg6[%min3A_271, %dma_start3A_272] : memref<79x128xi32, #tpu.memory_space<vmem>> -> memref<1x128xi32, #tpu.memory_space<vmem>>
      %dma_start3A_274 = tpu.memref_squeeze %dma_start3A_273 : memref<1x128xi32, #tpu.memory_space<vmem>> -> memref<128xi32, #tpu.memory_space<vmem>>
      %dma_start3A_275 = arith.constant 0 : i32
      %dma_start3A_276 = arith.constant 0 : i32
      %dma_start3A_277 = tpu.memref_slice %arg16[%dma_start3A_275, %dma_start3A_276] : memref<10240x32xf32, #tpu.memory_space<vmem_shared>> -> memref<10240x32xf32, #tpu.memory_space<vmem_shared>>
      tpu.enqueue_indirect_dma source(%dma_start3A_277 : memref<10240x32xf32, #tpu.memory_space<vmem_shared>>) target(%arg11 : memref<128x32xf32, #tpu.memory_space<vmem>>) offsets(%dma_start3A_274 : memref<128xi32, #tpu.memory_space<vmem>>) semaphore(%arg20 : memref<!tpu.dma_semaphore, #tpu.memory_space<semaphore_mem>>)
      %dma_wait3A_278 = arith.constant 0 : i32
      %dma_wait3A_279 = tpu.memref_slice %arg7[%add3A_188, %dma_wait3A_278] : memref<79x128xi32, #tpu.memory_space<vmem>> -> memref<1x128xi32, #tpu.memory_space<vmem>>
      %dma_wait3A_280 = tpu.memref_squeeze %dma_wait3A_279 : memref<1x128xi32, #tpu.memory_space<vmem>> -> memref<128xi32, #tpu.memory_space<vmem>>
      %dma_wait3A_281 = arith.constant 0 : i32
      %dma_wait3A_282 = arith.constant 0 : i32
      %dma_wait3A_283 = tpu.memref_slice %arg15[%dma_wait3A_281, %dma_wait3A_282] : memref<10240x32xf32, #tpu.memory_space<vmem_shared>> -> memref<10240x32xf32, #tpu.memory_space<vmem_shared>>
      tpu.wait_indirect_dma semaphore(%arg27 : memref<!tpu.dma_semaphore, #tpu.memory_space<semaphore_mem>>) src(%arg12 : memref<128x32xf32, #tpu.memory_space<vmem>>) dst(%dma_wait3A_283 : memref<10240x32xf32, #tpu.memory_space<vmem_shared>>)
      %add3A_284 = arith.constant 4 : i32
      %add3A_285 = arith.addi %mul3A_119, %add3A_284 : i32
      %add3A_286 = arith.constant 6 : i32
      %add3A_287 = arith.addi %add3A_285, %add3A_286 : i32
      %min3A_288 = arith.minsi %add3A_287, %sub3A_64 : i32
      %dma_start3A_289 = arith.constant 0 : i32
      %dma_start3A_290 = tpu.memref_slice %arg6[%min3A_288, %dma_start3A_289] : memref<79x128xi32, #tpu.memory_space<vmem>> -> memref<1x128xi32, #tpu.memory_space<vmem>>
      %dma_start3A_291 = tpu.memref_squeeze %dma_start3A_290 : memref<1x128xi32, #tpu.memory_space<vmem>> -> memref<128xi32, #tpu.memory_space<vmem>>
      %dma_start3A_292 = arith.constant 0 : i32
      %dma_start3A_293 = arith.constant 0 : i32
      %dma_start3A_294 = tpu.memref_slice %arg16[%dma_start3A_292, %dma_start3A_293] : memref<10240x32xf32, #tpu.memory_space<vmem_shared>> -> memref<10240x32xf32, #tpu.memory_space<vmem_shared>>
      tpu.enqueue_indirect_dma source(%dma_start3A_294 : memref<10240x32xf32, #tpu.memory_space<vmem_shared>>) target(%arg12 : memref<128x32xf32, #tpu.memory_space<vmem>>) offsets(%dma_start3A_291 : memref<128xi32, #tpu.memory_space<vmem>>) semaphore(%arg21 : memref<!tpu.dma_semaphore, #tpu.memory_space<semaphore_mem>>)
      %dma_wait3A_295 = arith.constant 0 : i32
      %dma_wait3A_296 = tpu.memref_slice %arg7[%add3A_203, %dma_wait3A_295] : memref<79x128xi32, #tpu.memory_space<vmem>> -> memref<1x128xi32, #tpu.memory_space<vmem>>
      %dma_wait3A_297 = tpu.memref_squeeze %dma_wait3A_296 : memref<1x128xi32, #tpu.memory_space<vmem>> -> memref<128xi32, #tpu.memory_space<vmem>>
      %dma_wait3A_298 = arith.constant 0 : i32
      %dma_wait3A_299 = arith.constant 0 : i32
      %dma_wait3A_300 = tpu.memref_slice %arg15[%dma_wait3A_298, %dma_wait3A_299] : memref<10240x32xf32, #tpu.memory_space<vmem_shared>> -> memref<10240x32xf32, #tpu.memory_space<vmem_shared>>
      tpu.wait_indirect_dma semaphore(%arg28 : memref<!tpu.dma_semaphore, #tpu.memory_space<semaphore_mem>>) src(%arg13 : memref<128x32xf32, #tpu.memory_space<vmem>>) dst(%dma_wait3A_300 : memref<10240x32xf32, #tpu.memory_space<vmem_shared>>)
      %add3A_301 = arith.constant 5 : i32
      %add3A_302 = arith.addi %mul3A_119, %add3A_301 : i32
      %add3A_303 = arith.constant 6 : i32
      %add3A_304 = arith.addi %add3A_302, %add3A_303 : i32
      %min3A_305 = arith.minsi %add3A_304, %sub3A_64 : i32
      %dma_start3A_306 = arith.constant 0 : i32
      %dma_start3A_307 = tpu.memref_slice %arg6[%min3A_305, %dma_start3A_306] : memref<79x128xi32, #tpu.memory_space<vmem>> -> memref<1x128xi32, #tpu.memory_space<vmem>>
      %dma_start3A_308 = tpu.memref_squeeze %dma_start3A_307 : memref<1x128xi32, #tpu.memory_space<vmem>> -> memref<128xi32, #tpu.memory_space<vmem>>
      %dma_start3A_309 = arith.constant 0 : i32
      %dma_start3A_310 = arith.constant 0 : i32
      %dma_start3A_311 = tpu.memref_slice %arg16[%dma_start3A_309, %dma_start3A_310] : memref<10240x32xf32, #tpu.memory_space<vmem_shared>> -> memref<10240x32xf32, #tpu.memory_space<vmem_shared>>
      tpu.enqueue_indirect_dma source(%dma_start3A_311 : memref<10240x32xf32, #tpu.memory_space<vmem_shared>>) target(%arg13 : memref<128x32xf32, #tpu.memory_space<vmem>>) offsets(%dma_start3A_308 : memref<128xi32, #tpu.memory_space<vmem>>) semaphore(%arg22 : memref<!tpu.dma_semaphore, #tpu.memory_space<semaphore_mem>>)
    }
    %scan3A_69 = arith.constant 13 : i32
    %dma_wait3A = arith.constant 0 : i32
    %dma_wait3A_70 = arith.constant 0 : i32
    %dma_wait3A_71 = tpu.memref_slice %arg6[%dma_wait3A, %dma_wait3A_70] : memref<79x128xi32, #tpu.memory_space<vmem>> -> memref<1x128xi32, #tpu.memory_space<vmem>>
    %dma_wait3A_72 = tpu.memref_squeeze %dma_wait3A_71 : memref<1x128xi32, #tpu.memory_space<vmem>> -> memref<128xi32, #tpu.memory_space<vmem>>
    %dma_wait3A_73 = arith.constant 0 : i32
    %dma_wait3A_74 = arith.constant 0 : i32
    %dma_wait3A_75 = tpu.memref_slice %arg16[%dma_wait3A_73, %dma_wait3A_74] : memref<10240x32xf32, #tpu.memory_space<vmem_shared>> -> memref<10240x32xf32, #tpu.memory_space<vmem_shared>>
    tpu.wait_indirect_dma semaphore(%arg17 : memref<!tpu.dma_semaphore, #tpu.memory_space<semaphore_mem>>) src(%dma_wait3A_75 : memref<10240x32xf32, #tpu.memory_space<vmem_shared>>) dst(%arg8 : memref<128x32xf32, #tpu.memory_space<vmem>>)
    %lt3A_76 = arith.constant 4 : i32
    %lt3A_77 = arith.cmpi slt, %add3A, %lt3A_76 : i32
    %convert_element_type3A_78 = arith.extui %lt3A_77 : i1 to i32
    %cond3A_79 = arith.constant 0 : i32
    %cond3A_80 = arith.cmpi ne, %convert_element_type3A_78, %cond3A_79 : i32
    scf.if %cond3A_80 {
      %dma_start3A_117 = arith.constant 78 : i32
      %dma_start3A_118 = arith.constant 0 : i32
      %dma_start3A_119 = tpu.memref_slice %arg7[%dma_start3A_117, %dma_start3A_118] : memref<79x128xi32, #tpu.memory_space<vmem>> -> memref<1x128xi32, #tpu.memory_space<vmem>>
      %dma_start3A_120 = tpu.memref_squeeze %dma_start3A_119 : memref<1x128xi32, #tpu.memory_space<vmem>> -> memref<128xi32, #tpu.memory_space<vmem>>
      %dma_start3A_121 = arith.constant 0 : i32
      %dma_start3A_122 = arith.constant 0 : i32
      %dma_start3A_123 = tpu.memref_slice %arg15[%dma_start3A_121, %dma_start3A_122] : memref<10240x32xf32, #tpu.memory_space<vmem_shared>> -> memref<10240x32xf32, #tpu.memory_space<vmem_shared>>
      tpu.enqueue_indirect_dma source(%arg8 : memref<128x32xf32, #tpu.memory_space<vmem>>) target(%dma_start3A_123 : memref<10240x32xf32, #tpu.memory_space<vmem_shared>>) offsets(%dma_start3A_120 : memref<128xi32, #tpu.memory_space<vmem>>) semaphore(%arg23 : memref<!tpu.dma_semaphore, #tpu.memory_space<semaphore_mem>>) {add = true}
      %dma_wait3A_124 = arith.constant 78 : i32
      %dma_wait3A_125 = arith.constant 0 : i32
      %dma_wait3A_126 = tpu.memref_slice %arg7[%dma_wait3A_124, %dma_wait3A_125] : memref<79x128xi32, #tpu.memory_space<vmem>> -> memref<1x128xi32, #tpu.memory_space<vmem>>
      %dma_wait3A_127 = tpu.memref_squeeze %dma_wait3A_126 : memref<1x128xi32, #tpu.memory_space<vmem>> -> memref<128xi32, #tpu.memory_space<vmem>>
      %dma_wait3A_128 = arith.constant 0 : i32
      %dma_wait3A_129 = arith.constant 0 : i32
      %dma_wait3A_130 = tpu.memref_slice %arg15[%dma_wait3A_128, %dma_wait3A_129] : memref<10240x32xf32, #tpu.memory_space<vmem_shared>> -> memref<10240x32xf32, #tpu.memory_space<vmem_shared>>
      tpu.wait_indirect_dma semaphore(%arg23 : memref<!tpu.dma_semaphore, #tpu.memory_space<semaphore_mem>>) src(%arg8 : memref<128x32xf32, #tpu.memory_space<vmem>>) dst(%dma_wait3A_130 : memref<10240x32xf32, #tpu.memory_space<vmem_shared>>)
    } else {
    }
    %dma_wait3A_81 = arith.constant 0 : i32
    %dma_wait3A_82 = arith.constant 0 : i32
    %dma_wait3A_83 = tpu.memref_slice %arg6[%dma_wait3A_81, %dma_wait3A_82] : memref<79x128xi32, #tpu.memory_space<vmem>> -> memref<1x128xi32, #tpu.memory_space<vmem>>
    %dma_wait3A_84 = tpu.memref_squeeze %dma_wait3A_83 : memref<1x128xi32, #tpu.memory_space<vmem>> -> memref<128xi32, #tpu.memory_space<vmem>>
    %dma_wait3A_85 = arith.constant 0 : i32
    %dma_wait3A_86 = arith.constant 0 : i32
    %dma_wait3A_87 = tpu.memref_slice %arg16[%dma_wait3A_85, %dma_wait3A_86] : memref<10240x32xf32, #tpu.memory_space<vmem_shared>> -> memref<10240x32xf32, #tpu.memory_space<vmem_shared>>
    tpu.wait_indirect_dma semaphore(%arg18 : memref<!tpu.dma_semaphore, #tpu.memory_space<semaphore_mem>>) src(%dma_wait3A_87 : memref<10240x32xf32, #tpu.memory_space<vmem_shared>>) dst(%arg9 : memref<128x32xf32, #tpu.memory_space<vmem>>)
    %dma_wait3A_88 = arith.constant 0 : i32
    %dma_wait3A_89 = arith.constant 0 : i32
    %dma_wait3A_90 = tpu.memref_slice %arg6[%dma_wait3A_88, %dma_wait3A_89] : memref<79x128xi32, #tpu.memory_space<vmem>> -> memref<1x128xi32, #tpu.memory_space<vmem>>
    %dma_wait3A_91 = tpu.memref_squeeze %dma_wait3A_90 : memref<1x128xi32, #tpu.memory_space<vmem>> -> memref<128xi32, #tpu.memory_space<vmem>>
    %dma_wait3A_92 = arith.constant 0 : i32
    %dma_wait3A_93 = arith.constant 0 : i32
    %dma_wait3A_94 = tpu.memref_slice %arg16[%dma_wait3A_92, %dma_wait3A_93] : memref<10240x32xf32, #tpu.memory_space<vmem_shared>> -> memref<10240x32xf32, #tpu.memory_space<vmem_shared>>
    tpu.wait_indirect_dma semaphore(%arg19 : memref<!tpu.dma_semaphore, #tpu.memory_space<semaphore_mem>>) src(%dma_wait3A_94 : memref<10240x32xf32, #tpu.memory_space<vmem_shared>>) dst(%arg10 : memref<128x32xf32, #tpu.memory_space<vmem>>)
    %dma_wait3A_95 = arith.constant 0 : i32
    %dma_wait3A_96 = arith.constant 0 : i32
    %dma_wait3A_97 = tpu.memref_slice %arg6[%dma_wait3A_95, %dma_wait3A_96] : memref<79x128xi32, #tpu.memory_space<vmem>> -> memref<1x128xi32, #tpu.memory_space<vmem>>
    %dma_wait3A_98 = tpu.memref_squeeze %dma_wait3A_97 : memref<1x128xi32, #tpu.memory_space<vmem>> -> memref<128xi32, #tpu.memory_space<vmem>>
    %dma_wait3A_99 = arith.constant 0 : i32
    %dma_wait3A_100 = arith.constant 0 : i32
    %dma_wait3A_101 = tpu.memref_slice %arg16[%dma_wait3A_99, %dma_wait3A_100] : memref<10240x32xf32, #tpu.memory_space<vmem_shared>> -> memref<10240x32xf32, #tpu.memory_space<vmem_shared>>
    tpu.wait_indirect_dma semaphore(%arg20 : memref<!tpu.dma_semaphore, #tpu.memory_space<semaphore_mem>>) src(%dma_wait3A_101 : memref<10240x32xf32, #tpu.memory_space<vmem_shared>>) dst(%arg11 : memref<128x32xf32, #tpu.memory_space<vmem>>)
    %dma_wait3A_102 = arith.constant 0 : i32
    %dma_wait3A_103 = arith.constant 0 : i32
    %dma_wait3A_104 = tpu.memref_slice %arg6[%dma_wait3A_102, %dma_wait3A_103] : memref<79x128xi32, #tpu.memory_space<vmem>> -> memref<1x128xi32, #tpu.memory_space<vmem>>
    %dma_wait3A_105 = tpu.memref_squeeze %dma_wait3A_104 : memref<1x128xi32, #tpu.memory_space<vmem>> -> memref<128xi32, #tpu.memory_space<vmem>>
    %dma_wait3A_106 = arith.constant 0 : i32
    %dma_wait3A_107 = arith.constant 0 : i32
    %dma_wait3A_108 = tpu.memref_slice %arg16[%dma_wait3A_106, %dma_wait3A_107] : memref<10240x32xf32, #tpu.memory_space<vmem_shared>> -> memref<10240x32xf32, #tpu.memory_space<vmem_shared>>
    tpu.wait_indirect_dma semaphore(%arg21 : memref<!tpu.dma_semaphore, #tpu.memory_space<semaphore_mem>>) src(%dma_wait3A_108 : memref<10240x32xf32, #tpu.memory_space<vmem_shared>>) dst(%arg12 : memref<128x32xf32, #tpu.memory_space<vmem>>)
    %dma_wait3A_109 = arith.constant 0 : i32
    %dma_wait3A_110 = arith.constant 0 : i32
    %dma_wait3A_111 = tpu.memref_slice %arg6[%dma_wait3A_109, %dma_wait3A_110] : memref<79x128xi32, #tpu.memory_space<vmem>> -> memref<1x128xi32, #tpu.memory_space<vmem>>
    %dma_wait3A_112 = tpu.memref_squeeze %dma_wait3A_111 : memref<1x128xi32, #tpu.memory_space<vmem>> -> memref<128xi32, #tpu.memory_space<vmem>>
    %dma_wait3A_113 = arith.constant 0 : i32
    %dma_wait3A_114 = arith.constant 0 : i32
    %dma_wait3A_115 = tpu.memref_slice %arg16[%dma_wait3A_113, %dma_wait3A_114] : memref<10240x32xf32, #tpu.memory_space<vmem_shared>> -> memref<10240x32xf32, #tpu.memory_space<vmem_shared>>
    tpu.wait_indirect_dma semaphore(%arg22 : memref<!tpu.dma_semaphore, #tpu.memory_space<semaphore_mem>>) src(%dma_wait3A_115 : memref<10240x32xf32, #tpu.memory_space<vmem_shared>>) dst(%arg13 : memref<128x32xf32, #tpu.memory_space<vmem>>)
    %barrier3A_116 = arith.constant 0 : index
    tpu.barrier barrier_id(%barrier3A_116)
    "tpu.region"() ({
      %run_scoped3A_117 = tpu.sem_alloc : memref<!tpu.dma_semaphore, #tpu.memory_space<semaphore_mem>>
      %dma_start3A_118 = arith.constant 0 : i32
      %dma_start3A_119 = tpu.memref_slice %arg5[%arg0, %mul3A_2, %dma_start3A_118] : memref<2x10240x32xf32, #tpu.memory_space<hbm>> -> memref<1x640x32xf32, #tpu.memory_space<hbm>>
      %dma_start3A_120 = tpu.memref_squeeze %dma_start3A_119 : memref<1x640x32xf32, #tpu.memory_space<hbm>> -> memref<640x32xf32, #tpu.memory_space<hbm>>
      %dma_start3A_121 = arith.constant 0 : i32
      %dma_start3A_122 = tpu.memref_slice %arg15[%mul3A_2, %dma_start3A_121] : memref<10240x32xf32, #tpu.memory_space<vmem_shared>> -> memref<640x32xf32, #tpu.memory_space<vmem_shared>>
      tpu.enqueue_dma source(%dma_start3A_122 : memref<640x32xf32, #tpu.memory_space<vmem_shared>>) target(%dma_start3A_120 : memref<640x32xf32, #tpu.memory_space<hbm>>) target_semaphore(%run_scoped3A_117 : memref<!tpu.dma_semaphore, #tpu.memory_space<semaphore_mem>>)
      %dma_wait3A_123 = arith.constant 0 : i32
      %dma_wait3A_124 = tpu.memref_slice %arg5[%arg0, %mul3A_2, %dma_wait3A_123] : memref<2x10240x32xf32, #tpu.memory_space<hbm>> -> memref<1x640x32xf32, #tpu.memory_space<hbm>>
      %dma_wait3A_125 = tpu.memref_squeeze %dma_wait3A_124 : memref<1x640x32xf32, #tpu.memory_space<hbm>> -> memref<640x32xf32, #tpu.memory_space<hbm>>
      %dma_wait3A_126 = arith.constant 0 : i32
      %dma_wait3A_127 = tpu.memref_slice %arg15[%mul3A_2, %dma_wait3A_126] : memref<10240x32xf32, #tpu.memory_space<vmem_shared>> -> memref<640x32xf32, #tpu.memory_space<vmem_shared>>
      tpu.wait_dma2 semaphore(%run_scoped3A_117 : memref<!tpu.dma_semaphore, #tpu.memory_space<semaphore_mem>>) src(%dma_wait3A_127 : memref<640x32xf32, #tpu.memory_space<vmem_shared>>) dst(%dma_wait3A_125 : memref<640x32xf32, #tpu.memory_space<hbm>>)
      tpu.yield
    }) : () -> ()
    return
  }
}

#map = affine_map<(d0, d1) -> (0, 0)>
#map1 = affine_map<(d0, d1) -> (0, 0, 0)>
module attributes {stable_mosaic.version = 14 : i64} {
  func.func @_agg_body(%arg0: i32, %arg1: i32, %arg2: memref<10240x32xf32, #tpu.memory_space<hbm>>, %arg3: memref<2x2500x128xi32, #tpu.memory_space<hbm>>, %arg4: memref<128x32xf32, #tpu.memory_space<hbm>>, %arg5: memref<2x10240x32xf32, #tpu.memory_space<hbm>>, %arg6: memref<79x128xi32, #tpu.memory_space<vmem>>, %arg7: memref<79x128xi32, #tpu.memory_space<vmem>>, %arg8: memref<128x32xf32, #tpu.memory_space<vmem>>, %arg9: memref<128x32xf32, #tpu.memory_space<vmem>>, %arg10: memref<128x32xf32, #tpu.memory_space<vmem>>, %arg11: memref<128x32xf32, #tpu.memory_space<vmem>>, %arg12: memref<128x32xf32, #tpu.memory_space<vmem>>, %arg13: memref<128x32xf32, #tpu.memory_space<vmem>>, %arg14: memref<128x32xf32, #tpu.memory_space<vmem>>, %arg15: memref<10240x32xf32, #tpu.memory_space<vmem_shared>>, %arg16: memref<10240x32xf32, #tpu.memory_space<vmem_shared>>, %arg17: memref<!tpu.dma_semaphore, #tpu.memory_space<semaphore_mem>>, %arg18: memref<!tpu.dma_semaphore, #tpu.memory_space<semaphore_mem>>, %arg19: memref<!tpu.dma_semaphore, #tpu.memory_space<semaphore_mem>>, %arg20: memref<!tpu.dma_semaphore, #tpu.memory_space<semaphore_mem>>, %arg21: memref<!tpu.dma_semaphore, #tpu.memory_space<semaphore_mem>>, %arg22: memref<!tpu.dma_semaphore, #tpu.memory_space<semaphore_mem>>, %arg23: memref<!tpu.dma_semaphore, #tpu.memory_space<semaphore_mem>>, %arg24: memref<!tpu.dma_semaphore, #tpu.memory_space<semaphore_mem>>, %arg25: memref<!tpu.dma_semaphore, #tpu.memory_space<semaphore_mem>>, %arg26: memref<!tpu.dma_semaphore, #tpu.memory_space<semaphore_mem>>, %arg27: memref<!tpu.dma_semaphore, #tpu.memory_space<semaphore_mem>>, %arg28: memref<!tpu.dma_semaphore, #tpu.memory_space<semaphore_mem>>) attributes {dimension_semantics = [#tpu.dimension_semantics<core_parallel>, #tpu.dimension_semantics<subcore_parallel>], iteration_bounds = array<i64: 2, 16>, scalar_prefetch = 0 : i64, scratch_operands = 23 : i64, tpu.core_type = #tpu.core_type<sc_vector_subcore>, window_params = [{transform_indices = #map}, {transform_indices = #map1}, {transform_indices = #map}, {transform_indices = #map1}]} {
    %mul3A = arith.constant 16 : i32
    %mul3A_0 = arith.muli %arg0, %mul3A : i32
    %add3A = arith.addi %mul3A_0, %arg1 : i32
    %mul3A_1 = arith.constant 640 : i32
    %mul3A_2 = arith.muli %arg1, %mul3A_1 : i32
    %mul3A_3 = arith.constant 78 : i32
    %mul3A_4 = arith.muli %add3A, %mul3A_3 : i32
    %min3A = arith.constant 4 : i32
    %min3A_5 = arith.minsi %add3A, %min3A : i32
    %add3A_6 = arith.addi %mul3A_4, %min3A_5 : i32
    %lt3A = arith.constant 4 : i32
    %lt3A_7 = arith.cmpi slt, %add3A, %lt3A : i32
    %jit3A = arith.constant 79 : i32
    %jit3A_8 = arith.constant 78 : i32
    %select_n3A = arith.select %lt3A_7, %jit3A, %jit3A_8 : i32
    "tpu.region"() ({
      %run_scoped3A_117 = tpu.sem_alloc : memref<!tpu.dma_semaphore, #tpu.memory_space<semaphore_mem>>
      %dma_start3A_118 = arith.constant 0 : i32
      %dma_start3A_119 = tpu.memref_slice %arg16[%mul3A_2, %dma_start3A_118] : memref<10240x32xf32, #tpu.memory_space<vmem_shared>> -> memref<640x32xf32, #tpu.memory_space<vmem_shared>>
      %dma_start3A_120 = arith.constant 0 : i32
      %dma_start3A_121 = tpu.memref_slice %arg2[%mul3A_2, %dma_start3A_120] : memref<10240x32xf32, #tpu.memory_space<hbm>> -> memref<640x32xf32, #tpu.memory_space<hbm>>
      tpu.enqueue_dma source(%dma_start3A_121 : memref<640x32xf32, #tpu.memory_space<hbm>>) target(%dma_start3A_119 : memref<640x32xf32, #tpu.memory_space<vmem_shared>>) target_semaphore(%run_scoped3A_117 : memref<!tpu.dma_semaphore, #tpu.memory_space<semaphore_mem>>)
      %dma_wait3A_122 = arith.constant 0 : i32
      %dma_wait3A_123 = tpu.memref_slice %arg16[%mul3A_2, %dma_wait3A_122] : memref<10240x32xf32, #tpu.memory_space<vmem_shared>> -> memref<640x32xf32, #tpu.memory_space<vmem_shared>>
      %dma_wait3A_124 = arith.constant 0 : i32
      %dma_wait3A_125 = tpu.memref_slice %arg2[%mul3A_2, %dma_wait3A_124] : memref<10240x32xf32, #tpu.memory_space<hbm>> -> memref<640x32xf32, #tpu.memory_space<hbm>>
      tpu.wait_dma2 semaphore(%run_scoped3A_117 : memref<!tpu.dma_semaphore, #tpu.memory_space<semaphore_mem>>) src(%dma_wait3A_125 : memref<640x32xf32, #tpu.memory_space<hbm>>) dst(%dma_wait3A_123 : memref<640x32xf32, #tpu.memory_space<vmem_shared>>)
      tpu.yield
    }) : () -> ()
    "tpu.region"() ({
      %run_scoped3A_117 = tpu.sem_alloc : memref<!tpu.dma_semaphore, #tpu.memory_space<semaphore_mem>>
      tpu.enqueue_dma source(%arg4 : memref<128x32xf32, #tpu.memory_space<hbm>>) target(%arg14 : memref<128x32xf32, #tpu.memory_space<vmem>>) target_semaphore(%run_scoped3A_117 : memref<!tpu.dma_semaphore, #tpu.memory_space<semaphore_mem>>)
      tpu.wait_dma2 semaphore(%run_scoped3A_117 : memref<!tpu.dma_semaphore, #tpu.memory_space<semaphore_mem>>) src(%arg4 : memref<128x32xf32, #tpu.memory_space<hbm>>) dst(%arg14 : memref<128x32xf32, #tpu.memory_space<vmem>>)
      tpu.yield
    }) : () -> ()
    %add3A_9 = arith.constant 0 : i32
    %add3A_10 = arith.addi %mul3A_2, %add3A_9 : i32
    "tpu.region"() ({
      %run_scoped3A_117 = tpu.sem_alloc : memref<!tpu.dma_semaphore, #tpu.memory_space<semaphore_mem>>
      %dma_start3A_118 = arith.constant 0 : i32
      %dma_start3A_119 = tpu.memref_slice %arg15[%add3A_10, %dma_start3A_118] : memref<10240x32xf32, #tpu.memory_space<vmem_shared>> -> memref<128x32xf32, #tpu.memory_space<vmem_shared>>
      %dma_start3A_120 = arith.constant 0 : i32
      %dma_start3A_121 = tpu.memref_slice %arg15[%add3A_10, %dma_start3A_120] : memref<10240x32xf32, #tpu.memory_space<vmem_shared>> -> memref<128x32xf32, #tpu.memory_space<vmem_shared>>
      tpu.enqueue_dma source(%arg14 : memref<128x32xf32, #tpu.memory_space<vmem>>) target(%dma_start3A_121 : memref<128x32xf32, #tpu.memory_space<vmem_shared>>) target_semaphore(%run_scoped3A_117 : memref<!tpu.dma_semaphore, #tpu.memory_space<semaphore_mem>>)
      %dma_wait3A_122 = arith.constant 0 : i32
      %dma_wait3A_123 = tpu.memref_slice %arg15[%add3A_10, %dma_wait3A_122] : memref<10240x32xf32, #tpu.memory_space<vmem_shared>> -> memref<128x32xf32, #tpu.memory_space<vmem_shared>>
      %dma_wait3A_124 = arith.constant 0 : i32
      %dma_wait3A_125 = tpu.memref_slice %arg15[%add3A_10, %dma_wait3A_124] : memref<10240x32xf32, #tpu.memory_space<vmem_shared>> -> memref<128x32xf32, #tpu.memory_space<vmem_shared>>
      tpu.wait_dma2 semaphore(%run_scoped3A_117 : memref<!tpu.dma_semaphore, #tpu.memory_space<semaphore_mem>>) src(%arg14 : memref<128x32xf32, #tpu.memory_space<vmem>>) dst(%dma_wait3A_125 : memref<128x32xf32, #tpu.memory_space<vmem_shared>>)
      tpu.yield
    }) : () -> ()
    %add3A_11 = arith.constant 128 : i32
    %add3A_12 = arith.addi %mul3A_2, %add3A_11 : i32
    "tpu.region"() ({
      %run_scoped3A_117 = tpu.sem_alloc : memref<!tpu.dma_semaphore, #tpu.memory_space<semaphore_mem>>
      %dma_start3A_118 = arith.constant 0 : i32
      %dma_start3A_119 = tpu.memref_slice %arg15[%add3A_12, %dma_start3A_118] : memref<10240x32xf32, #tpu.memory_space<vmem_shared>> -> memref<128x32xf32, #tpu.memory_space<vmem_shared>>
      %dma_start3A_120 = arith.constant 0 : i32
      %dma_start3A_121 = tpu.memref_slice %arg15[%add3A_12, %dma_start3A_120] : memref<10240x32xf32, #tpu.memory_space<vmem_shared>> -> memref<128x32xf32, #tpu.memory_space<vmem_shared>>
      tpu.enqueue_dma source(%arg14 : memref<128x32xf32, #tpu.memory_space<vmem>>) target(%dma_start3A_121 : memref<128x32xf32, #tpu.memory_space<vmem_shared>>) target_semaphore(%run_scoped3A_117 : memref<!tpu.dma_semaphore, #tpu.memory_space<semaphore_mem>>)
      %dma_wait3A_122 = arith.constant 0 : i32
      %dma_wait3A_123 = tpu.memref_slice %arg15[%add3A_12, %dma_wait3A_122] : memref<10240x32xf32, #tpu.memory_space<vmem_shared>> -> memref<128x32xf32, #tpu.memory_space<vmem_shared>>
      %dma_wait3A_124 = arith.constant 0 : i32
      %dma_wait3A_125 = tpu.memref_slice %arg15[%add3A_12, %dma_wait3A_124] : memref<10240x32xf32, #tpu.memory_space<vmem_shared>> -> memref<128x32xf32, #tpu.memory_space<vmem_shared>>
      tpu.wait_dma2 semaphore(%run_scoped3A_117 : memref<!tpu.dma_semaphore, #tpu.memory_space<semaphore_mem>>) src(%arg14 : memref<128x32xf32, #tpu.memory_space<vmem>>) dst(%dma_wait3A_125 : memref<128x32xf32, #tpu.memory_space<vmem_shared>>)
      tpu.yield
    }) : () -> ()
    %add3A_13 = arith.constant 256 : i32
    %add3A_14 = arith.addi %mul3A_2, %add3A_13 : i32
    "tpu.region"() ({
      %run_scoped3A_117 = tpu.sem_alloc : memref<!tpu.dma_semaphore, #tpu.memory_space<semaphore_mem>>
      %dma_start3A_118 = arith.constant 0 : i32
      %dma_start3A_119 = tpu.memref_slice %arg15[%add3A_14, %dma_start3A_118] : memref<10240x32xf32, #tpu.memory_space<vmem_shared>> -> memref<128x32xf32, #tpu.memory_space<vmem_shared>>
      %dma_start3A_120 = arith.constant 0 : i32
      %dma_start3A_121 = tpu.memref_slice %arg15[%add3A_14, %dma_start3A_120] : memref<10240x32xf32, #tpu.memory_space<vmem_shared>> -> memref<128x32xf32, #tpu.memory_space<vmem_shared>>
      tpu.enqueue_dma source(%arg14 : memref<128x32xf32, #tpu.memory_space<vmem>>) target(%dma_start3A_121 : memref<128x32xf32, #tpu.memory_space<vmem_shared>>) target_semaphore(%run_scoped3A_117 : memref<!tpu.dma_semaphore, #tpu.memory_space<semaphore_mem>>)
      %dma_wait3A_122 = arith.constant 0 : i32
      %dma_wait3A_123 = tpu.memref_slice %arg15[%add3A_14, %dma_wait3A_122] : memref<10240x32xf32, #tpu.memory_space<vmem_shared>> -> memref<128x32xf32, #tpu.memory_space<vmem_shared>>
      %dma_wait3A_124 = arith.constant 0 : i32
      %dma_wait3A_125 = tpu.memref_slice %arg15[%add3A_14, %dma_wait3A_124] : memref<10240x32xf32, #tpu.memory_space<vmem_shared>> -> memref<128x32xf32, #tpu.memory_space<vmem_shared>>
      tpu.wait_dma2 semaphore(%run_scoped3A_117 : memref<!tpu.dma_semaphore, #tpu.memory_space<semaphore_mem>>) src(%arg14 : memref<128x32xf32, #tpu.memory_space<vmem>>) dst(%dma_wait3A_125 : memref<128x32xf32, #tpu.memory_space<vmem_shared>>)
      tpu.yield
    }) : () -> ()
    %add3A_15 = arith.constant 384 : i32
    %add3A_16 = arith.addi %mul3A_2, %add3A_15 : i32
    "tpu.region"() ({
      %run_scoped3A_117 = tpu.sem_alloc : memref<!tpu.dma_semaphore, #tpu.memory_space<semaphore_mem>>
      %dma_start3A_118 = arith.constant 0 : i32
      %dma_start3A_119 = tpu.memref_slice %arg15[%add3A_16, %dma_start3A_118] : memref<10240x32xf32, #tpu.memory_space<vmem_shared>> -> memref<128x32xf32, #tpu.memory_space<vmem_shared>>
      %dma_start3A_120 = arith.constant 0 : i32
      %dma_start3A_121 = tpu.memref_slice %arg15[%add3A_16, %dma_start3A_120] : memref<10240x32xf32, #tpu.memory_space<vmem_shared>> -> memref<128x32xf32, #tpu.memory_space<vmem_shared>>
      tpu.enqueue_dma source(%arg14 : memref<128x32xf32, #tpu.memory_space<vmem>>) target(%dma_start3A_121 : memref<128x32xf32, #tpu.memory_space<vmem_shared>>) target_semaphore(%run_scoped3A_117 : memref<!tpu.dma_semaphore, #tpu.memory_space<semaphore_mem>>)
      %dma_wait3A_122 = arith.constant 0 : i32
      %dma_wait3A_123 = tpu.memref_slice %arg15[%add3A_16, %dma_wait3A_122] : memref<10240x32xf32, #tpu.memory_space<vmem_shared>> -> memref<128x32xf32, #tpu.memory_space<vmem_shared>>
      %dma_wait3A_124 = arith.constant 0 : i32
      %dma_wait3A_125 = tpu.memref_slice %arg15[%add3A_16, %dma_wait3A_124] : memref<10240x32xf32, #tpu.memory_space<vmem_shared>> -> memref<128x32xf32, #tpu.memory_space<vmem_shared>>
      tpu.wait_dma2 semaphore(%run_scoped3A_117 : memref<!tpu.dma_semaphore, #tpu.memory_space<semaphore_mem>>) src(%arg14 : memref<128x32xf32, #tpu.memory_space<vmem>>) dst(%dma_wait3A_125 : memref<128x32xf32, #tpu.memory_space<vmem_shared>>)
      tpu.yield
    }) : () -> ()
    %add3A_17 = arith.constant 512 : i32
    %add3A_18 = arith.addi %mul3A_2, %add3A_17 : i32
    "tpu.region"() ({
      %run_scoped3A_117 = tpu.sem_alloc : memref<!tpu.dma_semaphore, #tpu.memory_space<semaphore_mem>>
      %dma_start3A_118 = arith.constant 0 : i32
      %dma_start3A_119 = tpu.memref_slice %arg15[%add3A_18, %dma_start3A_118] : memref<10240x32xf32, #tpu.memory_space<vmem_shared>> -> memref<128x32xf32, #tpu.memory_space<vmem_shared>>
      %dma_start3A_120 = arith.constant 0 : i32
      %dma_start3A_121 = tpu.memref_slice %arg15[%add3A_18, %dma_start3A_120] : memref<10240x32xf32, #tpu.memory_space<vmem_shared>> -> memref<128x32xf32, #tpu.memory_space<vmem_shared>>
      tpu.enqueue_dma source(%arg14 : memref<128x32xf32, #tpu.memory_space<vmem>>) target(%dma_start3A_121 : memref<128x32xf32, #tpu.memory_space<vmem_shared>>) target_semaphore(%run_scoped3A_117 : memref<!tpu.dma_semaphore, #tpu.memory_space<semaphore_mem>>)
      %dma_wait3A_122 = arith.constant 0 : i32
      %dma_wait3A_123 = tpu.memref_slice %arg15[%add3A_18, %dma_wait3A_122] : memref<10240x32xf32, #tpu.memory_space<vmem_shared>> -> memref<128x32xf32, #tpu.memory_space<vmem_shared>>
      %dma_wait3A_124 = arith.constant 0 : i32
      %dma_wait3A_125 = tpu.memref_slice %arg15[%add3A_18, %dma_wait3A_124] : memref<10240x32xf32, #tpu.memory_space<vmem_shared>> -> memref<128x32xf32, #tpu.memory_space<vmem_shared>>
      tpu.wait_dma2 semaphore(%run_scoped3A_117 : memref<!tpu.dma_semaphore, #tpu.memory_space<semaphore_mem>>) src(%arg14 : memref<128x32xf32, #tpu.memory_space<vmem>>) dst(%dma_wait3A_125 : memref<128x32xf32, #tpu.memory_space<vmem_shared>>)
      tpu.yield
    }) : () -> ()
    %run_scoped3A = arith.constant 0 : i32
    "tpu.region"() ({
      %run_scoped3A_117 = tpu.sem_alloc : memref<!tpu.dma_semaphore, #tpu.memory_space<semaphore_mem>>
      %dma_start3A_118 = arith.constant 0 : i32
      %dma_start3A_119 = arith.constant 0 : i32
      %dma_start3A_120 = tpu.memref_slice %arg6[%dma_start3A_118, %dma_start3A_119] : memref<79x128xi32, #tpu.memory_space<vmem>> -> memref<78x128xi32, #tpu.memory_space<vmem>>
      %dma_start3A_121 = arith.constant 0 : i32
      %dma_start3A_122 = tpu.memref_slice %arg3[%run_scoped3A, %add3A_6, %dma_start3A_121] : memref<2x2500x128xi32, #tpu.memory_space<hbm>> -> memref<1x78x128xi32, #tpu.memory_space<hbm>>
      %dma_start3A_123 = tpu.memref_squeeze %dma_start3A_122 : memref<1x78x128xi32, #tpu.memory_space<hbm>> -> memref<78x128xi32, #tpu.memory_space<hbm>>
      %dma_start3A_124 = arith.constant 0 : i32
      %dma_start3A_125 = arith.constant 0 : i32
      %dma_start3A_126 = tpu.memref_slice %arg6[%dma_start3A_124, %dma_start3A_125] : memref<79x128xi32, #tpu.memory_space<vmem>> -> memref<78x128xi32, #tpu.memory_space<vmem>>
      %dma_start3A_127 = arith.constant 0 : i32
      %dma_start3A_128 = tpu.memref_slice %arg3[%run_scoped3A, %add3A_6, %dma_start3A_127] : memref<2x2500x128xi32, #tpu.memory_space<hbm>> -> memref<1x78x128xi32, #tpu.memory_space<hbm>>
      %dma_start3A_129 = tpu.memref_squeeze %dma_start3A_128 : memref<1x78x128xi32, #tpu.memory_space<hbm>> -> memref<78x128xi32, #tpu.memory_space<hbm>>
      tpu.enqueue_dma source(%dma_start3A_129 : memref<78x128xi32, #tpu.memory_space<hbm>>) target(%dma_start3A_126 : memref<78x128xi32, #tpu.memory_space<vmem>>) target_semaphore(%run_scoped3A_117 : memref<!tpu.dma_semaphore, #tpu.memory_space<semaphore_mem>>)
      %dma_wait3A_130 = arith.constant 0 : i32
      %dma_wait3A_131 = arith.constant 0 : i32
      %dma_wait3A_132 = tpu.memref_slice %arg6[%dma_wait3A_130, %dma_wait3A_131] : memref<79x128xi32, #tpu.memory_space<vmem>> -> memref<78x128xi32, #tpu.memory_space<vmem>>
      %dma_wait3A_133 = arith.constant 0 : i32
      %dma_wait3A_134 = tpu.memref_slice %arg3[%run_scoped3A, %add3A_6, %dma_wait3A_133] : memref<2x2500x128xi32, #tpu.memory_space<hbm>> -> memref<1x78x128xi32, #tpu.memory_space<hbm>>
      %dma_wait3A_135 = tpu.memref_squeeze %dma_wait3A_134 : memref<1x78x128xi32, #tpu.memory_space<hbm>> -> memref<78x128xi32, #tpu.memory_space<hbm>>
      %dma_wait3A_136 = arith.constant 0 : i32
      %dma_wait3A_137 = arith.constant 0 : i32
      %dma_wait3A_138 = tpu.memref_slice %arg6[%dma_wait3A_136, %dma_wait3A_137] : memref<79x128xi32, #tpu.memory_space<vmem>> -> memref<78x128xi32, #tpu.memory_space<vmem>>
      %dma_wait3A_139 = arith.constant 0 : i32
      %dma_wait3A_140 = tpu.memref_slice %arg3[%run_scoped3A, %add3A_6, %dma_wait3A_139] : memref<2x2500x128xi32, #tpu.memory_space<hbm>> -> memref<1x78x128xi32, #tpu.memory_space<hbm>>
      %dma_wait3A_141 = tpu.memref_squeeze %dma_wait3A_140 : memref<1x78x128xi32, #tpu.memory_space<hbm>> -> memref<78x128xi32, #tpu.memory_space<hbm>>
      tpu.wait_dma2 semaphore(%run_scoped3A_117 : memref<!tpu.dma_semaphore, #tpu.memory_space<semaphore_mem>>) src(%dma_wait3A_141 : memref<78x128xi32, #tpu.memory_space<hbm>>) dst(%dma_wait3A_138 : memref<78x128xi32, #tpu.memory_space<vmem>>)
      tpu.yield
    }) : () -> ()
    %run_scoped3A_19 = arith.constant 1 : i32
    "tpu.region"() ({
      %run_scoped3A_117 = tpu.sem_alloc : memref<!tpu.dma_semaphore, #tpu.memory_space<semaphore_mem>>
      %dma_start3A_118 = arith.constant 0 : i32
      %dma_start3A_119 = arith.constant 0 : i32
      %dma_start3A_120 = tpu.memref_slice %arg7[%dma_start3A_118, %dma_start3A_119] : memref<79x128xi32, #tpu.memory_space<vmem>> -> memref<78x128xi32, #tpu.memory_space<vmem>>
      %dma_start3A_121 = arith.constant 0 : i32
      %dma_start3A_122 = tpu.memref_slice %arg3[%run_scoped3A_19, %add3A_6, %dma_start3A_121] : memref<2x2500x128xi32, #tpu.memory_space<hbm>> -> memref<1x78x128xi32, #tpu.memory_space<hbm>>
      %dma_start3A_123 = tpu.memref_squeeze %dma_start3A_122 : memref<1x78x128xi32, #tpu.memory_space<hbm>> -> memref<78x128xi32, #tpu.memory_space<hbm>>
      %dma_start3A_124 = arith.constant 0 : i32
      %dma_start3A_125 = arith.constant 0 : i32
      %dma_start3A_126 = tpu.memref_slice %arg7[%dma_start3A_124, %dma_start3A_125] : memref<79x128xi32, #tpu.memory_space<vmem>> -> memref<78x128xi32, #tpu.memory_space<vmem>>
      %dma_start3A_127 = arith.constant 0 : i32
      %dma_start3A_128 = tpu.memref_slice %arg3[%run_scoped3A_19, %add3A_6, %dma_start3A_127] : memref<2x2500x128xi32, #tpu.memory_space<hbm>> -> memref<1x78x128xi32, #tpu.memory_space<hbm>>
      %dma_start3A_129 = tpu.memref_squeeze %dma_start3A_128 : memref<1x78x128xi32, #tpu.memory_space<hbm>> -> memref<78x128xi32, #tpu.memory_space<hbm>>
      tpu.enqueue_dma source(%dma_start3A_129 : memref<78x128xi32, #tpu.memory_space<hbm>>) target(%dma_start3A_126 : memref<78x128xi32, #tpu.memory_space<vmem>>) target_semaphore(%run_scoped3A_117 : memref<!tpu.dma_semaphore, #tpu.memory_space<semaphore_mem>>)
      %dma_wait3A_130 = arith.constant 0 : i32
      %dma_wait3A_131 = arith.constant 0 : i32
      %dma_wait3A_132 = tpu.memref_slice %arg7[%dma_wait3A_130, %dma_wait3A_131] : memref<79x128xi32, #tpu.memory_space<vmem>> -> memref<78x128xi32, #tpu.memory_space<vmem>>
      %dma_wait3A_133 = arith.constant 0 : i32
      %dma_wait3A_134 = tpu.memref_slice %arg3[%run_scoped3A_19, %add3A_6, %dma_wait3A_133] : memref<2x2500x128xi32, #tpu.memory_space<hbm>> -> memref<1x78x128xi32, #tpu.memory_space<hbm>>
      %dma_wait3A_135 = tpu.memref_squeeze %dma_wait3A_134 : memref<1x78x128xi32, #tpu.memory_space<hbm>> -> memref<78x128xi32, #tpu.memory_space<hbm>>
      %dma_wait3A_136 = arith.constant 0 : i32
      %dma_wait3A_137 = arith.constant 0 : i32
      %dma_wait3A_138 = tpu.memref_slice %arg7[%dma_wait3A_136, %dma_wait3A_137] : memref<79x128xi32, #tpu.memory_space<vmem>> -> memref<78x128xi32, #tpu.memory_space<vmem>>
      %dma_wait3A_139 = arith.constant 0 : i32
      %dma_wait3A_140 = tpu.memref_slice %arg3[%run_scoped3A_19, %add3A_6, %dma_wait3A_139] : memref<2x2500x128xi32, #tpu.memory_space<hbm>> -> memref<1x78x128xi32, #tpu.memory_space<hbm>>
      %dma_wait3A_141 = tpu.memref_squeeze %dma_wait3A_140 : memref<1x78x128xi32, #tpu.memory_space<hbm>> -> memref<78x128xi32, #tpu.memory_space<hbm>>
      tpu.wait_dma2 semaphore(%run_scoped3A_117 : memref<!tpu.dma_semaphore, #tpu.memory_space<semaphore_mem>>) src(%dma_wait3A_141 : memref<78x128xi32, #tpu.memory_space<hbm>>) dst(%dma_wait3A_138 : memref<78x128xi32, #tpu.memory_space<vmem>>)
      tpu.yield
    }) : () -> ()
    %lt3A_20 = arith.constant 4 : i32
    %lt3A_21 = arith.cmpi slt, %add3A, %lt3A_20 : i32
    %convert_element_type3A = arith.extui %lt3A_21 : i1 to i32
    %cond3A = arith.constant 0 : i32
    %cond3A_22 = arith.cmpi ne, %convert_element_type3A, %cond3A : i32
    scf.if %cond3A_22 {
      %add3A_117 = arith.constant 78 : i32
      %add3A_118 = arith.addi %add3A_6, %add3A_117 : i32
      %run_scoped3A_119 = arith.constant 0 : i32
      "tpu.region"() ({
        %run_scoped3A_123 = tpu.sem_alloc : memref<!tpu.dma_semaphore, #tpu.memory_space<semaphore_mem>>
        %dma_start3A_124 = arith.constant 78 : i32
        %dma_start3A_125 = arith.constant 0 : i32
        %dma_start3A_126 = tpu.memref_slice %arg6[%dma_start3A_124, %dma_start3A_125] : memref<79x128xi32, #tpu.memory_space<vmem>> -> memref<1x128xi32, #tpu.memory_space<vmem>>
        %dma_start3A_127 = arith.constant 0 : i32
        %dma_start3A_128 = tpu.memref_slice %arg3[%run_scoped3A_119, %add3A_118, %dma_start3A_127] : memref<2x2500x128xi32, #tpu.memory_space<hbm>> -> memref<1x1x128xi32, #tpu.memory_space<hbm>>
        %dma_start3A_129 = tpu.memref_squeeze %dma_start3A_128 : memref<1x1x128xi32, #tpu.memory_space<hbm>> -> memref<1x128xi32, #tpu.memory_space<hbm>>
        %dma_start3A_130 = arith.constant 78 : i32
        %dma_start3A_131 = arith.constant 0 : i32
        %dma_start3A_132 = tpu.memref_slice %arg6[%dma_start3A_130, %dma_start3A_131] : memref<79x128xi32, #tpu.memory_space<vmem>> -> memref<1x128xi32, #tpu.memory_space<vmem>>
        %dma_start3A_133 = arith.constant 0 : i32
        %dma_start3A_134 = tpu.memref_slice %arg3[%run_scoped3A_119, %add3A_118, %dma_start3A_133] : memref<2x2500x128xi32, #tpu.memory_space<hbm>> -> memref<1x1x128xi32, #tpu.memory_space<hbm>>
        %dma_start3A_135 = tpu.memref_squeeze %dma_start3A_134 : memref<1x1x128xi32, #tpu.memory_space<hbm>> -> memref<1x128xi32, #tpu.memory_space<hbm>>
        tpu.enqueue_dma source(%dma_start3A_135 : memref<1x128xi32, #tpu.memory_space<hbm>>) target(%dma_start3A_132 : memref<1x128xi32, #tpu.memory_space<vmem>>) target_semaphore(%run_scoped3A_123 : memref<!tpu.dma_semaphore, #tpu.memory_space<semaphore_mem>>)
        %dma_wait3A_136 = arith.constant 78 : i32
        %dma_wait3A_137 = arith.constant 0 : i32
        %dma_wait3A_138 = tpu.memref_slice %arg6[%dma_wait3A_136, %dma_wait3A_137] : memref<79x128xi32, #tpu.memory_space<vmem>> -> memref<1x128xi32, #tpu.memory_space<vmem>>
        %dma_wait3A_139 = arith.constant 0 : i32
        %dma_wait3A_140 = tpu.memref_slice %arg3[%run_scoped3A_119, %add3A_118, %dma_wait3A_139] : memref<2x2500x128xi32, #tpu.memory_space<hbm>> -> memref<1x1x128xi32, #tpu.memory_space<hbm>>
        %dma_wait3A_141 = tpu.memref_squeeze %dma_wait3A_140 : memref<1x1x128xi32, #tpu.memory_space<hbm>> -> memref<1x128xi32, #tpu.memory_space<hbm>>
        %dma_wait3A_142 = arith.constant 78 : i32
        %dma_wait3A_143 = arith.constant 0 : i32
        %dma_wait3A_144 = tpu.memref_slice %arg6[%dma_wait3A_142, %dma_wait3A_143] : memref<79x128xi32, #tpu.memory_space<vmem>> -> memref<1x128xi32, #tpu.memory_space<vmem>>
        %dma_wait3A_145 = arith.constant 0 : i32
        %dma_wait3A_146 = tpu.memref_slice %arg3[%run_scoped3A_119, %add3A_118, %dma_wait3A_145] : memref<2x2500x128xi32, #tpu.memory_space<hbm>> -> memref<1x1x128xi32, #tpu.memory_space<hbm>>
        %dma_wait3A_147 = tpu.memref_squeeze %dma_wait3A_146 : memref<1x1x128xi32, #tpu.memory_space<hbm>> -> memref<1x128xi32, #tpu.memory_space<hbm>>
        tpu.wait_dma2 semaphore(%run_scoped3A_123 : memref<!tpu.dma_semaphore, #tpu.memory_space<semaphore_mem>>) src(%dma_wait3A_147 : memref<1x128xi32, #tpu.memory_space<hbm>>) dst(%dma_wait3A_144 : memref<1x128xi32, #tpu.memory_space<vmem>>)
        tpu.yield
      }) : () -> ()
      %add3A_120 = arith.constant 78 : i32
      %add3A_121 = arith.addi %add3A_6, %add3A_120 : i32
      %run_scoped3A_122 = arith.constant 1 : i32
      "tpu.region"() ({
        %run_scoped3A_123 = tpu.sem_alloc : memref<!tpu.dma_semaphore, #tpu.memory_space<semaphore_mem>>
        %dma_start3A_124 = arith.constant 78 : i32
        %dma_start3A_125 = arith.constant 0 : i32
        %dma_start3A_126 = tpu.memref_slice %arg7[%dma_start3A_124, %dma_start3A_125] : memref<79x128xi32, #tpu.memory_space<vmem>> -> memref<1x128xi32, #tpu.memory_space<vmem>>
        %dma_start3A_127 = arith.constant 0 : i32
        %dma_start3A_128 = tpu.memref_slice %arg3[%run_scoped3A_122, %add3A_121, %dma_start3A_127] : memref<2x2500x128xi32, #tpu.memory_space<hbm>> -> memref<1x1x128xi32, #tpu.memory_space<hbm>>
        %dma_start3A_129 = tpu.memref_squeeze %dma_start3A_128 : memref<1x1x128xi32, #tpu.memory_space<hbm>> -> memref<1x128xi32, #tpu.memory_space<hbm>>
        %dma_start3A_130 = arith.constant 78 : i32
        %dma_start3A_131 = arith.constant 0 : i32
        %dma_start3A_132 = tpu.memref_slice %arg7[%dma_start3A_130, %dma_start3A_131] : memref<79x128xi32, #tpu.memory_space<vmem>> -> memref<1x128xi32, #tpu.memory_space<vmem>>
        %dma_start3A_133 = arith.constant 0 : i32
        %dma_start3A_134 = tpu.memref_slice %arg3[%run_scoped3A_122, %add3A_121, %dma_start3A_133] : memref<2x2500x128xi32, #tpu.memory_space<hbm>> -> memref<1x1x128xi32, #tpu.memory_space<hbm>>
        %dma_start3A_135 = tpu.memref_squeeze %dma_start3A_134 : memref<1x1x128xi32, #tpu.memory_space<hbm>> -> memref<1x128xi32, #tpu.memory_space<hbm>>
        tpu.enqueue_dma source(%dma_start3A_135 : memref<1x128xi32, #tpu.memory_space<hbm>>) target(%dma_start3A_132 : memref<1x128xi32, #tpu.memory_space<vmem>>) target_semaphore(%run_scoped3A_123 : memref<!tpu.dma_semaphore, #tpu.memory_space<semaphore_mem>>)
        %dma_wait3A_136 = arith.constant 78 : i32
        %dma_wait3A_137 = arith.constant 0 : i32
        %dma_wait3A_138 = tpu.memref_slice %arg7[%dma_wait3A_136, %dma_wait3A_137] : memref<79x128xi32, #tpu.memory_space<vmem>> -> memref<1x128xi32, #tpu.memory_space<vmem>>
        %dma_wait3A_139 = arith.constant 0 : i32
        %dma_wait3A_140 = tpu.memref_slice %arg3[%run_scoped3A_122, %add3A_121, %dma_wait3A_139] : memref<2x2500x128xi32, #tpu.memory_space<hbm>> -> memref<1x1x128xi32, #tpu.memory_space<hbm>>
        %dma_wait3A_141 = tpu.memref_squeeze %dma_wait3A_140 : memref<1x1x128xi32, #tpu.memory_space<hbm>> -> memref<1x128xi32, #tpu.memory_space<hbm>>
        %dma_wait3A_142 = arith.constant 78 : i32
        %dma_wait3A_143 = arith.constant 0 : i32
        %dma_wait3A_144 = tpu.memref_slice %arg7[%dma_wait3A_142, %dma_wait3A_143] : memref<79x128xi32, #tpu.memory_space<vmem>> -> memref<1x128xi32, #tpu.memory_space<vmem>>
        %dma_wait3A_145 = arith.constant 0 : i32
        %dma_wait3A_146 = tpu.memref_slice %arg3[%run_scoped3A_122, %add3A_121, %dma_wait3A_145] : memref<2x2500x128xi32, #tpu.memory_space<hbm>> -> memref<1x1x128xi32, #tpu.memory_space<hbm>>
        %dma_wait3A_147 = tpu.memref_squeeze %dma_wait3A_146 : memref<1x1x128xi32, #tpu.memory_space<hbm>> -> memref<1x128xi32, #tpu.memory_space<hbm>>
        tpu.wait_dma2 semaphore(%run_scoped3A_123 : memref<!tpu.dma_semaphore, #tpu.memory_space<semaphore_mem>>) src(%dma_wait3A_147 : memref<1x128xi32, #tpu.memory_space<hbm>>) dst(%dma_wait3A_144 : memref<1x128xi32, #tpu.memory_space<vmem>>)
        tpu.yield
      }) : () -> ()
    } else {
    }
    %barrier3A = arith.constant 0 : index
    tpu.barrier barrier_id(%barrier3A)
    %dma_start3A = arith.constant 0 : i32
    %dma_start3A_23 = arith.constant 0 : i32
    %dma_start3A_24 = tpu.memref_slice %arg6[%dma_start3A, %dma_start3A_23] : memref<79x128xi32, #tpu.memory_space<vmem>> -> memref<1x128xi32, #tpu.memory_space<vmem>>
    %dma_start3A_25 = tpu.memref_squeeze %dma_start3A_24 : memref<1x128xi32, #tpu.memory_space<vmem>> -> memref<128xi32, #tpu.memory_space<vmem>>
    %dma_start3A_26 = arith.constant 0 : i32
    %dma_start3A_27 = arith.constant 0 : i32
    %dma_start3A_28 = tpu.memref_slice %arg16[%dma_start3A_26, %dma_start3A_27] : memref<10240x32xf32, #tpu.memory_space<vmem_shared>> -> memref<10240x32xf32, #tpu.memory_space<vmem_shared>>
    tpu.enqueue_indirect_dma source(%dma_start3A_28 : memref<10240x32xf32, #tpu.memory_space<vmem_shared>>) target(%arg8 : memref<128x32xf32, #tpu.memory_space<vmem>>) offsets(%dma_start3A_25 : memref<128xi32, #tpu.memory_space<vmem>>) semaphore(%arg17 : memref<!tpu.dma_semaphore, #tpu.memory_space<semaphore_mem>>)
    %dma_start3A_29 = arith.constant 1 : i32
    %dma_start3A_30 = arith.constant 0 : i32
    %dma_start3A_31 = tpu.memref_slice %arg6[%dma_start3A_29, %dma_start3A_30] : memref<79x128xi32, #tpu.memory_space<vmem>> -> memref<1x128xi32, #tpu.memory_space<vmem>>
    %dma_start3A_32 = tpu.memref_squeeze %dma_start3A_31 : memref<1x128xi32, #tpu.memory_space<vmem>> -> memref<128xi32, #tpu.memory_space<vmem>>
    %dma_start3A_33 = arith.constant 0 : i32
    %dma_start3A_34 = arith.constant 0 : i32
    %dma_start3A_35 = tpu.memref_slice %arg16[%dma_start3A_33, %dma_start3A_34] : memref<10240x32xf32, #tpu.memory_space<vmem_shared>> -> memref<10240x32xf32, #tpu.memory_space<vmem_shared>>
    tpu.enqueue_indirect_dma source(%dma_start3A_35 : memref<10240x32xf32, #tpu.memory_space<vmem_shared>>) target(%arg9 : memref<128x32xf32, #tpu.memory_space<vmem>>) offsets(%dma_start3A_32 : memref<128xi32, #tpu.memory_space<vmem>>) semaphore(%arg18 : memref<!tpu.dma_semaphore, #tpu.memory_space<semaphore_mem>>)
    %dma_start3A_36 = arith.constant 2 : i32
    %dma_start3A_37 = arith.constant 0 : i32
    %dma_start3A_38 = tpu.memref_slice %arg6[%dma_start3A_36, %dma_start3A_37] : memref<79x128xi32, #tpu.memory_space<vmem>> -> memref<1x128xi32, #tpu.memory_space<vmem>>
    %dma_start3A_39 = tpu.memref_squeeze %dma_start3A_38 : memref<1x128xi32, #tpu.memory_space<vmem>> -> memref<128xi32, #tpu.memory_space<vmem>>
    %dma_start3A_40 = arith.constant 0 : i32
    %dma_start3A_41 = arith.constant 0 : i32
    %dma_start3A_42 = tpu.memref_slice %arg16[%dma_start3A_40, %dma_start3A_41] : memref<10240x32xf32, #tpu.memory_space<vmem_shared>> -> memref<10240x32xf32, #tpu.memory_space<vmem_shared>>
    tpu.enqueue_indirect_dma source(%dma_start3A_42 : memref<10240x32xf32, #tpu.memory_space<vmem_shared>>) target(%arg10 : memref<128x32xf32, #tpu.memory_space<vmem>>) offsets(%dma_start3A_39 : memref<128xi32, #tpu.memory_space<vmem>>) semaphore(%arg19 : memref<!tpu.dma_semaphore, #tpu.memory_space<semaphore_mem>>)
    %dma_start3A_43 = arith.constant 3 : i32
    %dma_start3A_44 = arith.constant 0 : i32
    %dma_start3A_45 = tpu.memref_slice %arg6[%dma_start3A_43, %dma_start3A_44] : memref<79x128xi32, #tpu.memory_space<vmem>> -> memref<1x128xi32, #tpu.memory_space<vmem>>
    %dma_start3A_46 = tpu.memref_squeeze %dma_start3A_45 : memref<1x128xi32, #tpu.memory_space<vmem>> -> memref<128xi32, #tpu.memory_space<vmem>>
    %dma_start3A_47 = arith.constant 0 : i32
    %dma_start3A_48 = arith.constant 0 : i32
    %dma_start3A_49 = tpu.memref_slice %arg16[%dma_start3A_47, %dma_start3A_48] : memref<10240x32xf32, #tpu.memory_space<vmem_shared>> -> memref<10240x32xf32, #tpu.memory_space<vmem_shared>>
    tpu.enqueue_indirect_dma source(%dma_start3A_49 : memref<10240x32xf32, #tpu.memory_space<vmem_shared>>) target(%arg11 : memref<128x32xf32, #tpu.memory_space<vmem>>) offsets(%dma_start3A_46 : memref<128xi32, #tpu.memory_space<vmem>>) semaphore(%arg20 : memref<!tpu.dma_semaphore, #tpu.memory_space<semaphore_mem>>)
    %dma_start3A_50 = arith.constant 4 : i32
    %dma_start3A_51 = arith.constant 0 : i32
    %dma_start3A_52 = tpu.memref_slice %arg6[%dma_start3A_50, %dma_start3A_51] : memref<79x128xi32, #tpu.memory_space<vmem>> -> memref<1x128xi32, #tpu.memory_space<vmem>>
    %dma_start3A_53 = tpu.memref_squeeze %dma_start3A_52 : memref<1x128xi32, #tpu.memory_space<vmem>> -> memref<128xi32, #tpu.memory_space<vmem>>
    %dma_start3A_54 = arith.constant 0 : i32
    %dma_start3A_55 = arith.constant 0 : i32
    %dma_start3A_56 = tpu.memref_slice %arg16[%dma_start3A_54, %dma_start3A_55] : memref<10240x32xf32, #tpu.memory_space<vmem_shared>> -> memref<10240x32xf32, #tpu.memory_space<vmem_shared>>
    tpu.enqueue_indirect_dma source(%dma_start3A_56 : memref<10240x32xf32, #tpu.memory_space<vmem_shared>>) target(%arg12 : memref<128x32xf32, #tpu.memory_space<vmem>>) offsets(%dma_start3A_53 : memref<128xi32, #tpu.memory_space<vmem>>) semaphore(%arg21 : memref<!tpu.dma_semaphore, #tpu.memory_space<semaphore_mem>>)
    %dma_start3A_57 = arith.constant 5 : i32
    %dma_start3A_58 = arith.constant 0 : i32
    %dma_start3A_59 = tpu.memref_slice %arg6[%dma_start3A_57, %dma_start3A_58] : memref<79x128xi32, #tpu.memory_space<vmem>> -> memref<1x128xi32, #tpu.memory_space<vmem>>
    %dma_start3A_60 = tpu.memref_squeeze %dma_start3A_59 : memref<1x128xi32, #tpu.memory_space<vmem>> -> memref<128xi32, #tpu.memory_space<vmem>>
    %dma_start3A_61 = arith.constant 0 : i32
    %dma_start3A_62 = arith.constant 0 : i32
    %dma_start3A_63 = tpu.memref_slice %arg16[%dma_start3A_61, %dma_start3A_62] : memref<10240x32xf32, #tpu.memory_space<vmem_shared>> -> memref<10240x32xf32, #tpu.memory_space<vmem_shared>>
    tpu.enqueue_indirect_dma source(%dma_start3A_63 : memref<10240x32xf32, #tpu.memory_space<vmem_shared>>) target(%arg13 : memref<128x32xf32, #tpu.memory_space<vmem>>) offsets(%dma_start3A_60 : memref<128xi32, #tpu.memory_space<vmem>>) semaphore(%arg22 : memref<!tpu.dma_semaphore, #tpu.memory_space<semaphore_mem>>)
    %sub3A = arith.constant 1 : i32
    %sub3A_64 = arith.subi %select_n3A, %sub3A : i32
    %scan3A = arith.constant 0 : i32
    %scan3A_65 = arith.constant 0 : i32
    %scan3A_66 = arith.constant 13 : i32
    %scan3A_67 = arith.addi %scan3A_65, %scan3A_66 : i32
    %scan3A_68 = arith.constant 1 : i32
    scf.for %scan3A_117 = %scan3A_65 to %scan3A_67 step %scan3A_68  : i32 {
      %mul3A_118 = arith.constant 6 : i32
      %mul3A_119 = arith.muli %mul3A_118, %scan3A_117 : i32
      %dma_wait3A_120 = arith.constant 0 : i32
      %dma_wait3A_121 = arith.constant 0 : i32
      %dma_wait3A_122 = tpu.memref_slice %arg6[%dma_wait3A_120, %dma_wait3A_121] : memref<79x128xi32, #tpu.memory_space<vmem>> -> memref<1x128xi32, #tpu.memory_space<vmem>>
      %dma_wait3A_123 = tpu.memref_squeeze %dma_wait3A_122 : memref<1x128xi32, #tpu.memory_space<vmem>> -> memref<128xi32, #tpu.memory_space<vmem>>
      %dma_wait3A_124 = arith.constant 0 : i32
      %dma_wait3A_125 = arith.constant 0 : i32
      %dma_wait3A_126 = tpu.memref_slice %arg16[%dma_wait3A_124, %dma_wait3A_125] : memref<10240x32xf32, #tpu.memory_space<vmem_shared>> -> memref<10240x32xf32, #tpu.memory_space<vmem_shared>>
      tpu.wait_indirect_dma semaphore(%arg17 : memref<!tpu.dma_semaphore, #tpu.memory_space<semaphore_mem>>) src(%dma_wait3A_126 : memref<10240x32xf32, #tpu.memory_space<vmem_shared>>) dst(%arg8 : memref<128x32xf32, #tpu.memory_space<vmem>>)
      %add3A_127 = arith.constant 0 : i32
      %add3A_128 = arith.addi %mul3A_119, %add3A_127 : i32
      %dma_start3A_129 = arith.constant 0 : i32
      %dma_start3A_130 = tpu.memref_slice %arg7[%add3A_128, %dma_start3A_129] : memref<79x128xi32, #tpu.memory_space<vmem>> -> memref<1x128xi32, #tpu.memory_space<vmem>>
      %dma_start3A_131 = tpu.memref_squeeze %dma_start3A_130 : memref<1x128xi32, #tpu.memory_space<vmem>> -> memref<128xi32, #tpu.memory_space<vmem>>
      %dma_start3A_132 = arith.constant 0 : i32
      %dma_start3A_133 = arith.constant 0 : i32
      %dma_start3A_134 = tpu.memref_slice %arg15[%dma_start3A_132, %dma_start3A_133] : memref<10240x32xf32, #tpu.memory_space<vmem_shared>> -> memref<10240x32xf32, #tpu.memory_space<vmem_shared>>
      tpu.enqueue_indirect_dma source(%arg8 : memref<128x32xf32, #tpu.memory_space<vmem>>) target(%dma_start3A_134 : memref<10240x32xf32, #tpu.memory_space<vmem_shared>>) offsets(%dma_start3A_131 : memref<128xi32, #tpu.memory_space<vmem>>) semaphore(%arg23 : memref<!tpu.dma_semaphore, #tpu.memory_space<semaphore_mem>>) {add = true}
      %dma_wait3A_135 = arith.constant 0 : i32
      %dma_wait3A_136 = arith.constant 0 : i32
      %dma_wait3A_137 = tpu.memref_slice %arg6[%dma_wait3A_135, %dma_wait3A_136] : memref<79x128xi32, #tpu.memory_space<vmem>> -> memref<1x128xi32, #tpu.memory_space<vmem>>
      %dma_wait3A_138 = tpu.memref_squeeze %dma_wait3A_137 : memref<1x128xi32, #tpu.memory_space<vmem>> -> memref<128xi32, #tpu.memory_space<vmem>>
      %dma_wait3A_139 = arith.constant 0 : i32
      %dma_wait3A_140 = arith.constant 0 : i32
      %dma_wait3A_141 = tpu.memref_slice %arg16[%dma_wait3A_139, %dma_wait3A_140] : memref<10240x32xf32, #tpu.memory_space<vmem_shared>> -> memref<10240x32xf32, #tpu.memory_space<vmem_shared>>
      tpu.wait_indirect_dma semaphore(%arg18 : memref<!tpu.dma_semaphore, #tpu.memory_space<semaphore_mem>>) src(%dma_wait3A_141 : memref<10240x32xf32, #tpu.memory_space<vmem_shared>>) dst(%arg9 : memref<128x32xf32, #tpu.memory_space<vmem>>)
      %add3A_142 = arith.constant 1 : i32
      %add3A_143 = arith.addi %mul3A_119, %add3A_142 : i32
      %dma_start3A_144 = arith.constant 0 : i32
      %dma_start3A_145 = tpu.memref_slice %arg7[%add3A_143, %dma_start3A_144] : memref<79x128xi32, #tpu.memory_space<vmem>> -> memref<1x128xi32, #tpu.memory_space<vmem>>
      %dma_start3A_146 = tpu.memref_squeeze %dma_start3A_145 : memref<1x128xi32, #tpu.memory_space<vmem>> -> memref<128xi32, #tpu.memory_space<vmem>>
      %dma_start3A_147 = arith.constant 0 : i32
      %dma_start3A_148 = arith.constant 0 : i32
      %dma_start3A_149 = tpu.memref_slice %arg15[%dma_start3A_147, %dma_start3A_148] : memref<10240x32xf32, #tpu.memory_space<vmem_shared>> -> memref<10240x32xf32, #tpu.memory_space<vmem_shared>>
      tpu.enqueue_indirect_dma source(%arg9 : memref<128x32xf32, #tpu.memory_space<vmem>>) target(%dma_start3A_149 : memref<10240x32xf32, #tpu.memory_space<vmem_shared>>) offsets(%dma_start3A_146 : memref<128xi32, #tpu.memory_space<vmem>>) semaphore(%arg24 : memref<!tpu.dma_semaphore, #tpu.memory_space<semaphore_mem>>) {add = true}
      %dma_wait3A_150 = arith.constant 0 : i32
      %dma_wait3A_151 = arith.constant 0 : i32
      %dma_wait3A_152 = tpu.memref_slice %arg6[%dma_wait3A_150, %dma_wait3A_151] : memref<79x128xi32, #tpu.memory_space<vmem>> -> memref<1x128xi32, #tpu.memory_space<vmem>>
      %dma_wait3A_153 = tpu.memref_squeeze %dma_wait3A_152 : memref<1x128xi32, #tpu.memory_space<vmem>> -> memref<128xi32, #tpu.memory_space<vmem>>
      %dma_wait3A_154 = arith.constant 0 : i32
      %dma_wait3A_155 = arith.constant 0 : i32
      %dma_wait3A_156 = tpu.memref_slice %arg16[%dma_wait3A_154, %dma_wait3A_155] : memref<10240x32xf32, #tpu.memory_space<vmem_shared>> -> memref<10240x32xf32, #tpu.memory_space<vmem_shared>>
      tpu.wait_indirect_dma semaphore(%arg19 : memref<!tpu.dma_semaphore, #tpu.memory_space<semaphore_mem>>) src(%dma_wait3A_156 : memref<10240x32xf32, #tpu.memory_space<vmem_shared>>) dst(%arg10 : memref<128x32xf32, #tpu.memory_space<vmem>>)
      %add3A_157 = arith.constant 2 : i32
      %add3A_158 = arith.addi %mul3A_119, %add3A_157 : i32
      %dma_start3A_159 = arith.constant 0 : i32
      %dma_start3A_160 = tpu.memref_slice %arg7[%add3A_158, %dma_start3A_159] : memref<79x128xi32, #tpu.memory_space<vmem>> -> memref<1x128xi32, #tpu.memory_space<vmem>>
      %dma_start3A_161 = tpu.memref_squeeze %dma_start3A_160 : memref<1x128xi32, #tpu.memory_space<vmem>> -> memref<128xi32, #tpu.memory_space<vmem>>
      %dma_start3A_162 = arith.constant 0 : i32
      %dma_start3A_163 = arith.constant 0 : i32
      %dma_start3A_164 = tpu.memref_slice %arg15[%dma_start3A_162, %dma_start3A_163] : memref<10240x32xf32, #tpu.memory_space<vmem_shared>> -> memref<10240x32xf32, #tpu.memory_space<vmem_shared>>
      tpu.enqueue_indirect_dma source(%arg10 : memref<128x32xf32, #tpu.memory_space<vmem>>) target(%dma_start3A_164 : memref<10240x32xf32, #tpu.memory_space<vmem_shared>>) offsets(%dma_start3A_161 : memref<128xi32, #tpu.memory_space<vmem>>) semaphore(%arg25 : memref<!tpu.dma_semaphore, #tpu.memory_space<semaphore_mem>>) {add = true}
      %dma_wait3A_165 = arith.constant 0 : i32
      %dma_wait3A_166 = arith.constant 0 : i32
      %dma_wait3A_167 = tpu.memref_slice %arg6[%dma_wait3A_165, %dma_wait3A_166] : memref<79x128xi32, #tpu.memory_space<vmem>> -> memref<1x128xi32, #tpu.memory_space<vmem>>
      %dma_wait3A_168 = tpu.memref_squeeze %dma_wait3A_167 : memref<1x128xi32, #tpu.memory_space<vmem>> -> memref<128xi32, #tpu.memory_space<vmem>>
      %dma_wait3A_169 = arith.constant 0 : i32
      %dma_wait3A_170 = arith.constant 0 : i32
      %dma_wait3A_171 = tpu.memref_slice %arg16[%dma_wait3A_169, %dma_wait3A_170] : memref<10240x32xf32, #tpu.memory_space<vmem_shared>> -> memref<10240x32xf32, #tpu.memory_space<vmem_shared>>
      tpu.wait_indirect_dma semaphore(%arg20 : memref<!tpu.dma_semaphore, #tpu.memory_space<semaphore_mem>>) src(%dma_wait3A_171 : memref<10240x32xf32, #tpu.memory_space<vmem_shared>>) dst(%arg11 : memref<128x32xf32, #tpu.memory_space<vmem>>)
      %add3A_172 = arith.constant 3 : i32
      %add3A_173 = arith.addi %mul3A_119, %add3A_172 : i32
      %dma_start3A_174 = arith.constant 0 : i32
      %dma_start3A_175 = tpu.memref_slice %arg7[%add3A_173, %dma_start3A_174] : memref<79x128xi32, #tpu.memory_space<vmem>> -> memref<1x128xi32, #tpu.memory_space<vmem>>
      %dma_start3A_176 = tpu.memref_squeeze %dma_start3A_175 : memref<1x128xi32, #tpu.memory_space<vmem>> -> memref<128xi32, #tpu.memory_space<vmem>>
      %dma_start3A_177 = arith.constant 0 : i32
      %dma_start3A_178 = arith.constant 0 : i32
      %dma_start3A_179 = tpu.memref_slice %arg15[%dma_start3A_177, %dma_start3A_178] : memref<10240x32xf32, #tpu.memory_space<vmem_shared>> -> memref<10240x32xf32, #tpu.memory_space<vmem_shared>>
      tpu.enqueue_indirect_dma source(%arg11 : memref<128x32xf32, #tpu.memory_space<vmem>>) target(%dma_start3A_179 : memref<10240x32xf32, #tpu.memory_space<vmem_shared>>) offsets(%dma_start3A_176 : memref<128xi32, #tpu.memory_space<vmem>>) semaphore(%arg26 : memref<!tpu.dma_semaphore, #tpu.memory_space<semaphore_mem>>) {add = true}
      %dma_wait3A_180 = arith.constant 0 : i32
      %dma_wait3A_181 = arith.constant 0 : i32
      %dma_wait3A_182 = tpu.memref_slice %arg6[%dma_wait3A_180, %dma_wait3A_181] : memref<79x128xi32, #tpu.memory_space<vmem>> -> memref<1x128xi32, #tpu.memory_space<vmem>>
      %dma_wait3A_183 = tpu.memref_squeeze %dma_wait3A_182 : memref<1x128xi32, #tpu.memory_space<vmem>> -> memref<128xi32, #tpu.memory_space<vmem>>
      %dma_wait3A_184 = arith.constant 0 : i32
      %dma_wait3A_185 = arith.constant 0 : i32
      %dma_wait3A_186 = tpu.memref_slice %arg16[%dma_wait3A_184, %dma_wait3A_185] : memref<10240x32xf32, #tpu.memory_space<vmem_shared>> -> memref<10240x32xf32, #tpu.memory_space<vmem_shared>>
      tpu.wait_indirect_dma semaphore(%arg21 : memref<!tpu.dma_semaphore, #tpu.memory_space<semaphore_mem>>) src(%dma_wait3A_186 : memref<10240x32xf32, #tpu.memory_space<vmem_shared>>) dst(%arg12 : memref<128x32xf32, #tpu.memory_space<vmem>>)
      %add3A_187 = arith.constant 4 : i32
      %add3A_188 = arith.addi %mul3A_119, %add3A_187 : i32
      %dma_start3A_189 = arith.constant 0 : i32
      %dma_start3A_190 = tpu.memref_slice %arg7[%add3A_188, %dma_start3A_189] : memref<79x128xi32, #tpu.memory_space<vmem>> -> memref<1x128xi32, #tpu.memory_space<vmem>>
      %dma_start3A_191 = tpu.memref_squeeze %dma_start3A_190 : memref<1x128xi32, #tpu.memory_space<vmem>> -> memref<128xi32, #tpu.memory_space<vmem>>
      %dma_start3A_192 = arith.constant 0 : i32
      %dma_start3A_193 = arith.constant 0 : i32
      %dma_start3A_194 = tpu.memref_slice %arg15[%dma_start3A_192, %dma_start3A_193] : memref<10240x32xf32, #tpu.memory_space<vmem_shared>> -> memref<10240x32xf32, #tpu.memory_space<vmem_shared>>
      tpu.enqueue_indirect_dma source(%arg12 : memref<128x32xf32, #tpu.memory_space<vmem>>) target(%dma_start3A_194 : memref<10240x32xf32, #tpu.memory_space<vmem_shared>>) offsets(%dma_start3A_191 : memref<128xi32, #tpu.memory_space<vmem>>) semaphore(%arg27 : memref<!tpu.dma_semaphore, #tpu.memory_space<semaphore_mem>>) {add = true}
      %dma_wait3A_195 = arith.constant 0 : i32
      %dma_wait3A_196 = arith.constant 0 : i32
      %dma_wait3A_197 = tpu.memref_slice %arg6[%dma_wait3A_195, %dma_wait3A_196] : memref<79x128xi32, #tpu.memory_space<vmem>> -> memref<1x128xi32, #tpu.memory_space<vmem>>
      %dma_wait3A_198 = tpu.memref_squeeze %dma_wait3A_197 : memref<1x128xi32, #tpu.memory_space<vmem>> -> memref<128xi32, #tpu.memory_space<vmem>>
      %dma_wait3A_199 = arith.constant 0 : i32
      %dma_wait3A_200 = arith.constant 0 : i32
      %dma_wait3A_201 = tpu.memref_slice %arg16[%dma_wait3A_199, %dma_wait3A_200] : memref<10240x32xf32, #tpu.memory_space<vmem_shared>> -> memref<10240x32xf32, #tpu.memory_space<vmem_shared>>
      tpu.wait_indirect_dma semaphore(%arg22 : memref<!tpu.dma_semaphore, #tpu.memory_space<semaphore_mem>>) src(%dma_wait3A_201 : memref<10240x32xf32, #tpu.memory_space<vmem_shared>>) dst(%arg13 : memref<128x32xf32, #tpu.memory_space<vmem>>)
      %add3A_202 = arith.constant 5 : i32
      %add3A_203 = arith.addi %mul3A_119, %add3A_202 : i32
      %dma_start3A_204 = arith.constant 0 : i32
      %dma_start3A_205 = tpu.memref_slice %arg7[%add3A_203, %dma_start3A_204] : memref<79x128xi32, #tpu.memory_space<vmem>> -> memref<1x128xi32, #tpu.memory_space<vmem>>
      %dma_start3A_206 = tpu.memref_squeeze %dma_start3A_205 : memref<1x128xi32, #tpu.memory_space<vmem>> -> memref<128xi32, #tpu.memory_space<vmem>>
      %dma_start3A_207 = arith.constant 0 : i32
      %dma_start3A_208 = arith.constant 0 : i32
      %dma_start3A_209 = tpu.memref_slice %arg15[%dma_start3A_207, %dma_start3A_208] : memref<10240x32xf32, #tpu.memory_space<vmem_shared>> -> memref<10240x32xf32, #tpu.memory_space<vmem_shared>>
      tpu.enqueue_indirect_dma source(%arg13 : memref<128x32xf32, #tpu.memory_space<vmem>>) target(%dma_start3A_209 : memref<10240x32xf32, #tpu.memory_space<vmem_shared>>) offsets(%dma_start3A_206 : memref<128xi32, #tpu.memory_space<vmem>>) semaphore(%arg28 : memref<!tpu.dma_semaphore, #tpu.memory_space<semaphore_mem>>) {add = true}
      %dma_wait3A_210 = arith.constant 0 : i32
      %dma_wait3A_211 = tpu.memref_slice %arg7[%add3A_128, %dma_wait3A_210] : memref<79x128xi32, #tpu.memory_space<vmem>> -> memref<1x128xi32, #tpu.memory_space<vmem>>
      %dma_wait3A_212 = tpu.memref_squeeze %dma_wait3A_211 : memref<1x128xi32, #tpu.memory_space<vmem>> -> memref<128xi32, #tpu.memory_space<vmem>>
      %dma_wait3A_213 = arith.constant 0 : i32
      %dma_wait3A_214 = arith.constant 0 : i32
      %dma_wait3A_215 = tpu.memref_slice %arg15[%dma_wait3A_213, %dma_wait3A_214] : memref<10240x32xf32, #tpu.memory_space<vmem_shared>> -> memref<10240x32xf32, #tpu.memory_space<vmem_shared>>
      tpu.wait_indirect_dma semaphore(%arg23 : memref<!tpu.dma_semaphore, #tpu.memory_space<semaphore_mem>>) src(%arg8 : memref<128x32xf32, #tpu.memory_space<vmem>>) dst(%dma_wait3A_215 : memref<10240x32xf32, #tpu.memory_space<vmem_shared>>)
      %add3A_216 = arith.constant 0 : i32
      %add3A_217 = arith.addi %mul3A_119, %add3A_216 : i32
      %add3A_218 = arith.constant 6 : i32
      %add3A_219 = arith.addi %add3A_217, %add3A_218 : i32
      %min3A_220 = arith.minsi %add3A_219, %sub3A_64 : i32
      %dma_start3A_221 = arith.constant 0 : i32
      %dma_start3A_222 = tpu.memref_slice %arg6[%min3A_220, %dma_start3A_221] : memref<79x128xi32, #tpu.memory_space<vmem>> -> memref<1x128xi32, #tpu.memory_space<vmem>>
      %dma_start3A_223 = tpu.memref_squeeze %dma_start3A_222 : memref<1x128xi32, #tpu.memory_space<vmem>> -> memref<128xi32, #tpu.memory_space<vmem>>
      %dma_start3A_224 = arith.constant 0 : i32
      %dma_start3A_225 = arith.constant 0 : i32
      %dma_start3A_226 = tpu.memref_slice %arg16[%dma_start3A_224, %dma_start3A_225] : memref<10240x32xf32, #tpu.memory_space<vmem_shared>> -> memref<10240x32xf32, #tpu.memory_space<vmem_shared>>
      tpu.enqueue_indirect_dma source(%dma_start3A_226 : memref<10240x32xf32, #tpu.memory_space<vmem_shared>>) target(%arg8 : memref<128x32xf32, #tpu.memory_space<vmem>>) offsets(%dma_start3A_223 : memref<128xi32, #tpu.memory_space<vmem>>) semaphore(%arg17 : memref<!tpu.dma_semaphore, #tpu.memory_space<semaphore_mem>>)
      %dma_wait3A_227 = arith.constant 0 : i32
      %dma_wait3A_228 = tpu.memref_slice %arg7[%add3A_143, %dma_wait3A_227] : memref<79x128xi32, #tpu.memory_space<vmem>> -> memref<1x128xi32, #tpu.memory_space<vmem>>
      %dma_wait3A_229 = tpu.memref_squeeze %dma_wait3A_228 : memref<1x128xi32, #tpu.memory_space<vmem>> -> memref<128xi32, #tpu.memory_space<vmem>>
      %dma_wait3A_230 = arith.constant 0 : i32
      %dma_wait3A_231 = arith.constant 0 : i32
      %dma_wait3A_232 = tpu.memref_slice %arg15[%dma_wait3A_230, %dma_wait3A_231] : memref<10240x32xf32, #tpu.memory_space<vmem_shared>> -> memref<10240x32xf32, #tpu.memory_space<vmem_shared>>
      tpu.wait_indirect_dma semaphore(%arg24 : memref<!tpu.dma_semaphore, #tpu.memory_space<semaphore_mem>>) src(%arg9 : memref<128x32xf32, #tpu.memory_space<vmem>>) dst(%dma_wait3A_232 : memref<10240x32xf32, #tpu.memory_space<vmem_shared>>)
      %add3A_233 = arith.constant 1 : i32
      %add3A_234 = arith.addi %mul3A_119, %add3A_233 : i32
      %add3A_235 = arith.constant 6 : i32
      %add3A_236 = arith.addi %add3A_234, %add3A_235 : i32
      %min3A_237 = arith.minsi %add3A_236, %sub3A_64 : i32
      %dma_start3A_238 = arith.constant 0 : i32
      %dma_start3A_239 = tpu.memref_slice %arg6[%min3A_237, %dma_start3A_238] : memref<79x128xi32, #tpu.memory_space<vmem>> -> memref<1x128xi32, #tpu.memory_space<vmem>>
      %dma_start3A_240 = tpu.memref_squeeze %dma_start3A_239 : memref<1x128xi32, #tpu.memory_space<vmem>> -> memref<128xi32, #tpu.memory_space<vmem>>
      %dma_start3A_241 = arith.constant 0 : i32
      %dma_start3A_242 = arith.constant 0 : i32
      %dma_start3A_243 = tpu.memref_slice %arg16[%dma_start3A_241, %dma_start3A_242] : memref<10240x32xf32, #tpu.memory_space<vmem_shared>> -> memref<10240x32xf32, #tpu.memory_space<vmem_shared>>
      tpu.enqueue_indirect_dma source(%dma_start3A_243 : memref<10240x32xf32, #tpu.memory_space<vmem_shared>>) target(%arg9 : memref<128x32xf32, #tpu.memory_space<vmem>>) offsets(%dma_start3A_240 : memref<128xi32, #tpu.memory_space<vmem>>) semaphore(%arg18 : memref<!tpu.dma_semaphore, #tpu.memory_space<semaphore_mem>>)
      %dma_wait3A_244 = arith.constant 0 : i32
      %dma_wait3A_245 = tpu.memref_slice %arg7[%add3A_158, %dma_wait3A_244] : memref<79x128xi32, #tpu.memory_space<vmem>> -> memref<1x128xi32, #tpu.memory_space<vmem>>
      %dma_wait3A_246 = tpu.memref_squeeze %dma_wait3A_245 : memref<1x128xi32, #tpu.memory_space<vmem>> -> memref<128xi32, #tpu.memory_space<vmem>>
      %dma_wait3A_247 = arith.constant 0 : i32
      %dma_wait3A_248 = arith.constant 0 : i32
      %dma_wait3A_249 = tpu.memref_slice %arg15[%dma_wait3A_247, %dma_wait3A_248] : memref<10240x32xf32, #tpu.memory_space<vmem_shared>> -> memref<10240x32xf32, #tpu.memory_space<vmem_shared>>
      tpu.wait_indirect_dma semaphore(%arg25 : memref<!tpu.dma_semaphore, #tpu.memory_space<semaphore_mem>>) src(%arg10 : memref<128x32xf32, #tpu.memory_space<vmem>>) dst(%dma_wait3A_249 : memref<10240x32xf32, #tpu.memory_space<vmem_shared>>)
      %add3A_250 = arith.constant 2 : i32
      %add3A_251 = arith.addi %mul3A_119, %add3A_250 : i32
      %add3A_252 = arith.constant 6 : i32
      %add3A_253 = arith.addi %add3A_251, %add3A_252 : i32
      %min3A_254 = arith.minsi %add3A_253, %sub3A_64 : i32
      %dma_start3A_255 = arith.constant 0 : i32
      %dma_start3A_256 = tpu.memref_slice %arg6[%min3A_254, %dma_start3A_255] : memref<79x128xi32, #tpu.memory_space<vmem>> -> memref<1x128xi32, #tpu.memory_space<vmem>>
      %dma_start3A_257 = tpu.memref_squeeze %dma_start3A_256 : memref<1x128xi32, #tpu.memory_space<vmem>> -> memref<128xi32, #tpu.memory_space<vmem>>
      %dma_start3A_258 = arith.constant 0 : i32
      %dma_start3A_259 = arith.constant 0 : i32
      %dma_start3A_260 = tpu.memref_slice %arg16[%dma_start3A_258, %dma_start3A_259] : memref<10240x32xf32, #tpu.memory_space<vmem_shared>> -> memref<10240x32xf32, #tpu.memory_space<vmem_shared>>
      tpu.enqueue_indirect_dma source(%dma_start3A_260 : memref<10240x32xf32, #tpu.memory_space<vmem_shared>>) target(%arg10 : memref<128x32xf32, #tpu.memory_space<vmem>>) offsets(%dma_start3A_257 : memref<128xi32, #tpu.memory_space<vmem>>) semaphore(%arg19 : memref<!tpu.dma_semaphore, #tpu.memory_space<semaphore_mem>>)
      %dma_wait3A_261 = arith.constant 0 : i32
      %dma_wait3A_262 = tpu.memref_slice %arg7[%add3A_173, %dma_wait3A_261] : memref<79x128xi32, #tpu.memory_space<vmem>> -> memref<1x128xi32, #tpu.memory_space<vmem>>
      %dma_wait3A_263 = tpu.memref_squeeze %dma_wait3A_262 : memref<1x128xi32, #tpu.memory_space<vmem>> -> memref<128xi32, #tpu.memory_space<vmem>>
      %dma_wait3A_264 = arith.constant 0 : i32
      %dma_wait3A_265 = arith.constant 0 : i32
      %dma_wait3A_266 = tpu.memref_slice %arg15[%dma_wait3A_264, %dma_wait3A_265] : memref<10240x32xf32, #tpu.memory_space<vmem_shared>> -> memref<10240x32xf32, #tpu.memory_space<vmem_shared>>
      tpu.wait_indirect_dma semaphore(%arg26 : memref<!tpu.dma_semaphore, #tpu.memory_space<semaphore_mem>>) src(%arg11 : memref<128x32xf32, #tpu.memory_space<vmem>>) dst(%dma_wait3A_266 : memref<10240x32xf32, #tpu.memory_space<vmem_shared>>)
      %add3A_267 = arith.constant 3 : i32
      %add3A_268 = arith.addi %mul3A_119, %add3A_267 : i32
      %add3A_269 = arith.constant 6 : i32
      %add3A_270 = arith.addi %add3A_268, %add3A_269 : i32
      %min3A_271 = arith.minsi %add3A_270, %sub3A_64 : i32
      %dma_start3A_272 = arith.constant 0 : i32
      %dma_start3A_273 = tpu.memref_slice %arg6[%min3A_271, %dma_start3A_272] : memref<79x128xi32, #tpu.memory_space<vmem>> -> memref<1x128xi32, #tpu.memory_space<vmem>>
      %dma_start3A_274 = tpu.memref_squeeze %dma_start3A_273 : memref<1x128xi32, #tpu.memory_space<vmem>> -> memref<128xi32, #tpu.memory_space<vmem>>
      %dma_start3A_275 = arith.constant 0 : i32
      %dma_start3A_276 = arith.constant 0 : i32
      %dma_start3A_277 = tpu.memref_slice %arg16[%dma_start3A_275, %dma_start3A_276] : memref<10240x32xf32, #tpu.memory_space<vmem_shared>> -> memref<10240x32xf32, #tpu.memory_space<vmem_shared>>
      tpu.enqueue_indirect_dma source(%dma_start3A_277 : memref<10240x32xf32, #tpu.memory_space<vmem_shared>>) target(%arg11 : memref<128x32xf32, #tpu.memory_space<vmem>>) offsets(%dma_start3A_274 : memref<128xi32, #tpu.memory_space<vmem>>) semaphore(%arg20 : memref<!tpu.dma_semaphore, #tpu.memory_space<semaphore_mem>>)
      %dma_wait3A_278 = arith.constant 0 : i32
      %dma_wait3A_279 = tpu.memref_slice %arg7[%add3A_188, %dma_wait3A_278] : memref<79x128xi32, #tpu.memory_space<vmem>> -> memref<1x128xi32, #tpu.memory_space<vmem>>
      %dma_wait3A_280 = tpu.memref_squeeze %dma_wait3A_279 : memref<1x128xi32, #tpu.memory_space<vmem>> -> memref<128xi32, #tpu.memory_space<vmem>>
      %dma_wait3A_281 = arith.constant 0 : i32
      %dma_wait3A_282 = arith.constant 0 : i32
      %dma_wait3A_283 = tpu.memref_slice %arg15[%dma_wait3A_281, %dma_wait3A_282] : memref<10240x32xf32, #tpu.memory_space<vmem_shared>> -> memref<10240x32xf32, #tpu.memory_space<vmem_shared>>
      tpu.wait_indirect_dma semaphore(%arg27 : memref<!tpu.dma_semaphore, #tpu.memory_space<semaphore_mem>>) src(%arg12 : memref<128x32xf32, #tpu.memory_space<vmem>>) dst(%dma_wait3A_283 : memref<10240x32xf32, #tpu.memory_space<vmem_shared>>)
      %add3A_284 = arith.constant 4 : i32
      %add3A_285 = arith.addi %mul3A_119, %add3A_284 : i32
      %add3A_286 = arith.constant 6 : i32
      %add3A_287 = arith.addi %add3A_285, %add3A_286 : i32
      %min3A_288 = arith.minsi %add3A_287, %sub3A_64 : i32
      %dma_start3A_289 = arith.constant 0 : i32
      %dma_start3A_290 = tpu.memref_slice %arg6[%min3A_288, %dma_start3A_289] : memref<79x128xi32, #tpu.memory_space<vmem>> -> memref<1x128xi32, #tpu.memory_space<vmem>>
      %dma_start3A_291 = tpu.memref_squeeze %dma_start3A_290 : memref<1x128xi32, #tpu.memory_space<vmem>> -> memref<128xi32, #tpu.memory_space<vmem>>
      %dma_start3A_292 = arith.constant 0 : i32
      %dma_start3A_293 = arith.constant 0 : i32
      %dma_start3A_294 = tpu.memref_slice %arg16[%dma_start3A_292, %dma_start3A_293] : memref<10240x32xf32, #tpu.memory_space<vmem_shared>> -> memref<10240x32xf32, #tpu.memory_space<vmem_shared>>
      tpu.enqueue_indirect_dma source(%dma_start3A_294 : memref<10240x32xf32, #tpu.memory_space<vmem_shared>>) target(%arg12 : memref<128x32xf32, #tpu.memory_space<vmem>>) offsets(%dma_start3A_291 : memref<128xi32, #tpu.memory_space<vmem>>) semaphore(%arg21 : memref<!tpu.dma_semaphore, #tpu.memory_space<semaphore_mem>>)
      %dma_wait3A_295 = arith.constant 0 : i32
      %dma_wait3A_296 = tpu.memref_slice %arg7[%add3A_203, %dma_wait3A_295] : memref<79x128xi32, #tpu.memory_space<vmem>> -> memref<1x128xi32, #tpu.memory_space<vmem>>
      %dma_wait3A_297 = tpu.memref_squeeze %dma_wait3A_296 : memref<1x128xi32, #tpu.memory_space<vmem>> -> memref<128xi32, #tpu.memory_space<vmem>>
      %dma_wait3A_298 = arith.constant 0 : i32
      %dma_wait3A_299 = arith.constant 0 : i32
      %dma_wait3A_300 = tpu.memref_slice %arg15[%dma_wait3A_298, %dma_wait3A_299] : memref<10240x32xf32, #tpu.memory_space<vmem_shared>> -> memref<10240x32xf32, #tpu.memory_space<vmem_shared>>
      tpu.wait_indirect_dma semaphore(%arg28 : memref<!tpu.dma_semaphore, #tpu.memory_space<semaphore_mem>>) src(%arg13 : memref<128x32xf32, #tpu.memory_space<vmem>>) dst(%dma_wait3A_300 : memref<10240x32xf32, #tpu.memory_space<vmem_shared>>)
      %add3A_301 = arith.constant 5 : i32
      %add3A_302 = arith.addi %mul3A_119, %add3A_301 : i32
      %add3A_303 = arith.constant 6 : i32
      %add3A_304 = arith.addi %add3A_302, %add3A_303 : i32
      %min3A_305 = arith.minsi %add3A_304, %sub3A_64 : i32
      %dma_start3A_306 = arith.constant 0 : i32
      %dma_start3A_307 = tpu.memref_slice %arg6[%min3A_305, %dma_start3A_306] : memref<79x128xi32, #tpu.memory_space<vmem>> -> memref<1x128xi32, #tpu.memory_space<vmem>>
      %dma_start3A_308 = tpu.memref_squeeze %dma_start3A_307 : memref<1x128xi32, #tpu.memory_space<vmem>> -> memref<128xi32, #tpu.memory_space<vmem>>
      %dma_start3A_309 = arith.constant 0 : i32
      %dma_start3A_310 = arith.constant 0 : i32
      %dma_start3A_311 = tpu.memref_slice %arg16[%dma_start3A_309, %dma_start3A_310] : memref<10240x32xf32, #tpu.memory_space<vmem_shared>> -> memref<10240x32xf32, #tpu.memory_space<vmem_shared>>
      tpu.enqueue_indirect_dma source(%dma_start3A_311 : memref<10240x32xf32, #tpu.memory_space<vmem_shared>>) target(%arg13 : memref<128x32xf32, #tpu.memory_space<vmem>>) offsets(%dma_start3A_308 : memref<128xi32, #tpu.memory_space<vmem>>) semaphore(%arg22 : memref<!tpu.dma_semaphore, #tpu.memory_space<semaphore_mem>>)
    }
    %scan3A_69 = arith.constant 13 : i32
    %dma_wait3A = arith.constant 0 : i32
    %dma_wait3A_70 = arith.constant 0 : i32
    %dma_wait3A_71 = tpu.memref_slice %arg6[%dma_wait3A, %dma_wait3A_70] : memref<79x128xi32, #tpu.memory_space<vmem>> -> memref<1x128xi32, #tpu.memory_space<vmem>>
    %dma_wait3A_72 = tpu.memref_squeeze %dma_wait3A_71 : memref<1x128xi32, #tpu.memory_space<vmem>> -> memref<128xi32, #tpu.memory_space<vmem>>
    %dma_wait3A_73 = arith.constant 0 : i32
    %dma_wait3A_74 = arith.constant 0 : i32
    %dma_wait3A_75 = tpu.memref_slice %arg16[%dma_wait3A_73, %dma_wait3A_74] : memref<10240x32xf32, #tpu.memory_space<vmem_shared>> -> memref<10240x32xf32, #tpu.memory_space<vmem_shared>>
    tpu.wait_indirect_dma semaphore(%arg17 : memref<!tpu.dma_semaphore, #tpu.memory_space<semaphore_mem>>) src(%dma_wait3A_75 : memref<10240x32xf32, #tpu.memory_space<vmem_shared>>) dst(%arg8 : memref<128x32xf32, #tpu.memory_space<vmem>>)
    %lt3A_76 = arith.constant 4 : i32
    %lt3A_77 = arith.cmpi slt, %add3A, %lt3A_76 : i32
    %convert_element_type3A_78 = arith.extui %lt3A_77 : i1 to i32
    %cond3A_79 = arith.constant 0 : i32
    %cond3A_80 = arith.cmpi ne, %convert_element_type3A_78, %cond3A_79 : i32
    scf.if %cond3A_80 {
      %dma_start3A_117 = arith.constant 78 : i32
      %dma_start3A_118 = arith.constant 0 : i32
      %dma_start3A_119 = tpu.memref_slice %arg7[%dma_start3A_117, %dma_start3A_118] : memref<79x128xi32, #tpu.memory_space<vmem>> -> memref<1x128xi32, #tpu.memory_space<vmem>>
      %dma_start3A_120 = tpu.memref_squeeze %dma_start3A_119 : memref<1x128xi32, #tpu.memory_space<vmem>> -> memref<128xi32, #tpu.memory_space<vmem>>
      %dma_start3A_121 = arith.constant 0 : i32
      %dma_start3A_122 = arith.constant 0 : i32
      %dma_start3A_123 = tpu.memref_slice %arg15[%dma_start3A_121, %dma_start3A_122] : memref<10240x32xf32, #tpu.memory_space<vmem_shared>> -> memref<10240x32xf32, #tpu.memory_space<vmem_shared>>
      tpu.enqueue_indirect_dma source(%arg8 : memref<128x32xf32, #tpu.memory_space<vmem>>) target(%dma_start3A_123 : memref<10240x32xf32, #tpu.memory_space<vmem_shared>>) offsets(%dma_start3A_120 : memref<128xi32, #tpu.memory_space<vmem>>) semaphore(%arg23 : memref<!tpu.dma_semaphore, #tpu.memory_space<semaphore_mem>>) {add = true}
      %dma_wait3A_124 = arith.constant 78 : i32
      %dma_wait3A_125 = arith.constant 0 : i32
      %dma_wait3A_126 = tpu.memref_slice %arg7[%dma_wait3A_124, %dma_wait3A_125] : memref<79x128xi32, #tpu.memory_space<vmem>> -> memref<1x128xi32, #tpu.memory_space<vmem>>
      %dma_wait3A_127 = tpu.memref_squeeze %dma_wait3A_126 : memref<1x128xi32, #tpu.memory_space<vmem>> -> memref<128xi32, #tpu.memory_space<vmem>>
      %dma_wait3A_128 = arith.constant 0 : i32
      %dma_wait3A_129 = arith.constant 0 : i32
      %dma_wait3A_130 = tpu.memref_slice %arg15[%dma_wait3A_128, %dma_wait3A_129] : memref<10240x32xf32, #tpu.memory_space<vmem_shared>> -> memref<10240x32xf32, #tpu.memory_space<vmem_shared>>
      tpu.wait_indirect_dma semaphore(%arg23 : memref<!tpu.dma_semaphore, #tpu.memory_space<semaphore_mem>>) src(%arg8 : memref<128x32xf32, #tpu.memory_space<vmem>>) dst(%dma_wait3A_130 : memref<10240x32xf32, #tpu.memory_space<vmem_shared>>)
    } else {
    }
    %dma_wait3A_81 = arith.constant 0 : i32
    %dma_wait3A_82 = arith.constant 0 : i32
    %dma_wait3A_83 = tpu.memref_slice %arg6[%dma_wait3A_81, %dma_wait3A_82] : memref<79x128xi32, #tpu.memory_space<vmem>> -> memref<1x128xi32, #tpu.memory_space<vmem>>
    %dma_wait3A_84 = tpu.memref_squeeze %dma_wait3A_83 : memref<1x128xi32, #tpu.memory_space<vmem>> -> memref<128xi32, #tpu.memory_space<vmem>>
    %dma_wait3A_85 = arith.constant 0 : i32
    %dma_wait3A_86 = arith.constant 0 : i32
    %dma_wait3A_87 = tpu.memref_slice %arg16[%dma_wait3A_85, %dma_wait3A_86] : memref<10240x32xf32, #tpu.memory_space<vmem_shared>> -> memref<10240x32xf32, #tpu.memory_space<vmem_shared>>
    tpu.wait_indirect_dma semaphore(%arg18 : memref<!tpu.dma_semaphore, #tpu.memory_space<semaphore_mem>>) src(%dma_wait3A_87 : memref<10240x32xf32, #tpu.memory_space<vmem_shared>>) dst(%arg9 : memref<128x32xf32, #tpu.memory_space<vmem>>)
    %dma_wait3A_88 = arith.constant 0 : i32
    %dma_wait3A_89 = arith.constant 0 : i32
    %dma_wait3A_90 = tpu.memref_slice %arg6[%dma_wait3A_88, %dma_wait3A_89] : memref<79x128xi32, #tpu.memory_space<vmem>> -> memref<1x128xi32, #tpu.memory_space<vmem>>
    %dma_wait3A_91 = tpu.memref_squeeze %dma_wait3A_90 : memref<1x128xi32, #tpu.memory_space<vmem>> -> memref<128xi32, #tpu.memory_space<vmem>>
    %dma_wait3A_92 = arith.constant 0 : i32
    %dma_wait3A_93 = arith.constant 0 : i32
    %dma_wait3A_94 = tpu.memref_slice %arg16[%dma_wait3A_92, %dma_wait3A_93] : memref<10240x32xf32, #tpu.memory_space<vmem_shared>> -> memref<10240x32xf32, #tpu.memory_space<vmem_shared>>
    tpu.wait_indirect_dma semaphore(%arg19 : memref<!tpu.dma_semaphore, #tpu.memory_space<semaphore_mem>>) src(%dma_wait3A_94 : memref<10240x32xf32, #tpu.memory_space<vmem_shared>>) dst(%arg10 : memref<128x32xf32, #tpu.memory_space<vmem>>)
    %dma_wait3A_95 = arith.constant 0 : i32
    %dma_wait3A_96 = arith.constant 0 : i32
    %dma_wait3A_97 = tpu.memref_slice %arg6[%dma_wait3A_95, %dma_wait3A_96] : memref<79x128xi32, #tpu.memory_space<vmem>> -> memref<1x128xi32, #tpu.memory_space<vmem>>
    %dma_wait3A_98 = tpu.memref_squeeze %dma_wait3A_97 : memref<1x128xi32, #tpu.memory_space<vmem>> -> memref<128xi32, #tpu.memory_space<vmem>>
    %dma_wait3A_99 = arith.constant 0 : i32
    %dma_wait3A_100 = arith.constant 0 : i32
    %dma_wait3A_101 = tpu.memref_slice %arg16[%dma_wait3A_99, %dma_wait3A_100] : memref<10240x32xf32, #tpu.memory_space<vmem_shared>> -> memref<10240x32xf32, #tpu.memory_space<vmem_shared>>
    tpu.wait_indirect_dma semaphore(%arg20 : memref<!tpu.dma_semaphore, #tpu.memory_space<semaphore_mem>>) src(%dma_wait3A_101 : memref<10240x32xf32, #tpu.memory_space<vmem_shared>>) dst(%arg11 : memref<128x32xf32, #tpu.memory_space<vmem>>)
    %dma_wait3A_102 = arith.constant 0 : i32
    %dma_wait3A_103 = arith.constant 0 : i32
    %dma_wait3A_104 = tpu.memref_slice %arg6[%dma_wait3A_102, %dma_wait3A_103] : memref<79x128xi32, #tpu.memory_space<vmem>> -> memref<1x128xi32, #tpu.memory_space<vmem>>
    %dma_wait3A_105 = tpu.memref_squeeze %dma_wait3A_104 : memref<1x128xi32, #tpu.memory_space<vmem>> -> memref<128xi32, #tpu.memory_space<vmem>>
    %dma_wait3A_106 = arith.constant 0 : i32
    %dma_wait3A_107 = arith.constant 0 : i32
    %dma_wait3A_108 = tpu.memref_slice %arg16[%dma_wait3A_106, %dma_wait3A_107] : memref<10240x32xf32, #tpu.memory_space<vmem_shared>> -> memref<10240x32xf32, #tpu.memory_space<vmem_shared>>
    tpu.wait_indirect_dma semaphore(%arg21 : memref<!tpu.dma_semaphore, #tpu.memory_space<semaphore_mem>>) src(%dma_wait3A_108 : memref<10240x32xf32, #tpu.memory_space<vmem_shared>>) dst(%arg12 : memref<128x32xf32, #tpu.memory_space<vmem>>)
    %dma_wait3A_109 = arith.constant 0 : i32
    %dma_wait3A_110 = arith.constant 0 : i32
    %dma_wait3A_111 = tpu.memref_slice %arg6[%dma_wait3A_109, %dma_wait3A_110] : memref<79x128xi32, #tpu.memory_space<vmem>> -> memref<1x128xi32, #tpu.memory_space<vmem>>
    %dma_wait3A_112 = tpu.memref_squeeze %dma_wait3A_111 : memref<1x128xi32, #tpu.memory_space<vmem>> -> memref<128xi32, #tpu.memory_space<vmem>>
    %dma_wait3A_113 = arith.constant 0 : i32
    %dma_wait3A_114 = arith.constant 0 : i32
    %dma_wait3A_115 = tpu.memref_slice %arg16[%dma_wait3A_113, %dma_wait3A_114] : memref<10240x32xf32, #tpu.memory_space<vmem_shared>> -> memref<10240x32xf32, #tpu.memory_space<vmem_shared>>
    tpu.wait_indirect_dma semaphore(%arg22 : memref<!tpu.dma_semaphore, #tpu.memory_space<semaphore_mem>>) src(%dma_wait3A_115 : memref<10240x32xf32, #tpu.memory_space<vmem_shared>>) dst(%arg13 : memref<128x32xf32, #tpu.memory_space<vmem>>)
    %barrier3A_116 = arith.constant 0 : index
    tpu.barrier barrier_id(%barrier3A_116)
    "tpu.region"() ({
      %run_scoped3A_117 = tpu.sem_alloc : memref<!tpu.dma_semaphore, #tpu.memory_space<semaphore_mem>>
      %dma_start3A_118 = arith.constant 0 : i32
      %dma_start3A_119 = tpu.memref_slice %arg5[%arg0, %mul3A_2, %dma_start3A_118] : memref<2x10240x32xf32, #tpu.memory_space<hbm>> -> memref<1x640x32xf32, #tpu.memory_space<hbm>>
      %dma_start3A_120 = tpu.memref_squeeze %dma_start3A_119 : memref<1x640x32xf32, #tpu.memory_space<hbm>> -> memref<640x32xf32, #tpu.memory_space<hbm>>
      %dma_start3A_121 = arith.constant 0 : i32
      %dma_start3A_122 = tpu.memref_slice %arg15[%mul3A_2, %dma_start3A_121] : memref<10240x32xf32, #tpu.memory_space<vmem_shared>> -> memref<640x32xf32, #tpu.memory_space<vmem_shared>>
      tpu.enqueue_dma source(%dma_start3A_122 : memref<640x32xf32, #tpu.memory_space<vmem_shared>>) target(%dma_start3A_120 : memref<640x32xf32, #tpu.memory_space<hbm>>) target_semaphore(%run_scoped3A_117 : memref<!tpu.dma_semaphore, #tpu.memory_space<semaphore_mem>>)
      %dma_wait3A_123 = arith.constant 0 : i32
      %dma_wait3A_124 = tpu.memref_slice %arg5[%arg0, %mul3A_2, %dma_wait3A_123] : memref<2x10240x32xf32, #tpu.memory_space<hbm>> -> memref<1x640x32xf32, #tpu.memory_space<hbm>>
      %dma_wait3A_125 = tpu.memref_squeeze %dma_wait3A_124 : memref<1x640x32xf32, #tpu.memory_space<hbm>> -> memref<640x32xf32, #tpu.memory_space<hbm>>
      %dma_wait3A_126 = arith.constant 0 : i32
      %dma_wait3A_127 = tpu.memref_slice %arg15[%mul3A_2, %dma_wait3A_126] : memref<10240x32xf32, #tpu.memory_space<vmem_shared>> -> memref<640x32xf32, #tpu.memory_space<vmem_shared>>
      tpu.wait_dma2 semaphore(%run_scoped3A_117 : memref<!tpu.dma_semaphore, #tpu.memory_space<semaphore_mem>>) src(%dma_wait3A_127 : memref<640x32xf32, #tpu.memory_space<vmem_shared>>) dst(%dma_wait3A_125 : memref<640x32xf32, #tpu.memory_space<hbm>>)
      tpu.yield
    }) : () -> ()
    return
  }
}

module attributes {stable_mosaic.version = 14 : i64} {
  func.func @_k1_body(%arg0: i32, %arg1: memref<5000x128xf32, #tpu.memory_space<vmem>>, %arg2: memref<128x32xf32, #tpu.memory_space<vmem>>, %arg3: memref<2x5000x8xf32, #tpu.memory_space<vmem>>, %arg4: memref<5000x32xf32, #tpu.memory_space<vmem>>, %arg5: memref<5000x1xf32, #tpu.memory_space<vmem>>) attributes {dimension_semantics = [#tpu.dimension_semantics<arbitrary>], iteration_bounds = array<i64: 2>, scalar_prefetch = 0 : i64, scratch_operands = 0 : i64, tpu.core_type = #tpu.core_type<tc>, window_params = [{transform_indices = @transform_0, window_bounds = array<i64: 5000, 128>}, {pipeline_mode = #tpu.pipeline_mode<synchronous>, transform_indices = @transform_1, window_bounds = array<i64: 128, 32>}, {transform_indices = @transform_2, window_bounds = array<i64: 2, 5000, 8>}, {transform_indices = @transform_3, window_bounds = array<i64: 5000, 32>}, {transform_indices = @transform_4, window_bounds = array<i64: 5000, 1>}]} {
    %get3A = arith.constant 0 : index
    %get3A_0 = arith.constant 0 : index
    %get3A_1 = arith.constant 0 : index
    %get3A_2 = vector.load %arg3[%get3A, %get3A_0, %get3A_1] : memref<2x5000x8xf32, #tpu.memory_space<vmem>>, vector<1x5000x8xf32>
    %get3A_3 = vector.shape_cast %get3A_2 : vector<1x5000x8xf32> to vector<5000x8xf32>
    %get3A_4 = arith.constant 1 : index
    %get3A_5 = arith.constant 0 : index
    %get3A_6 = arith.constant 0 : index
    %get3A_7 = vector.load %arg3[%get3A_4, %get3A_5, %get3A_6] : memref<2x5000x8xf32, #tpu.memory_space<vmem>>, vector<1x5000x8xf32>
    %get3A_8 = vector.shape_cast %get3A_7 : vector<1x5000x8xf32> to vector<5000x8xf32>
    %add3A = arith.addf %get3A_3, %get3A_8 : vector<5000x8xf32>
    %add3A_9 = arith.constant 1.000000e+00 : f32
    %add3A_10 = vector.broadcast %add3A_9 : f32 to vector<5000x8xf32>
    %add3A_11 = arith.addf %add3A, %add3A_10 : vector<5000x8xf32>
    %slice3A = vector.extract_strided_slice %add3A_11 {offsets = [0, 0], sizes = [5000, 1], strides = [1, 1]} : vector<5000x8xf32> to vector<5000x1xf32>
    %rsqrt3A = math.rsqrt %slice3A : vector<5000x1xf32>
    %get3A_12 = arith.constant 0 : index
    %get3A_13 = arith.constant 0 : index
    %get3A_14 = vector.load %arg1[%get3A_12, %get3A_13] : memref<5000x128xf32, #tpu.memory_space<vmem>>, vector<5000x128xf32>
    %get3A_15 = arith.constant 0 : index
    %get3A_16 = arith.constant 0 : index
    %get3A_17 = vector.load %arg2[%get3A_15, %get3A_16] : memref<128x32xf32, #tpu.memory_space<vmem>>, vector<128x32xf32>
    %dot_general3A = arith.constant dense<0.000000e+00> : vector<5000x32xf32>
    %dot_general3A_18 = tpu.matmul %get3A_14, %get3A_17, %dot_general3A {dimension_numbers = #tpu.dot_dimension_numbers<[1], [0], [0], [1], [0, 0, 1, 1], [], []>, transpose_lhs_hint = false} : vector<5000x128xf32>, vector<128x32xf32>, vector<5000x32xf32> -> vector<5000x32xf32>
    %mul3A = vector.broadcast %rsqrt3A : vector<5000x1xf32> to vector<5000x32xf32>
    %mul3A_19 = arith.mulf %dot_general3A_18, %mul3A : vector<5000x32xf32>
    %swap3A = arith.constant 0 : index
    %swap3A_20 = arith.constant 0 : index
    %swap3A_21 = vector.load %arg4[%swap3A, %swap3A_20] : memref<5000x32xf32, #tpu.memory_space<vmem>>, vector<5000x32xf32>
    tpu.vector_store %arg4[%swap3A, %swap3A_20], %mul3A_19 {strides = array<i32>} : memref<5000x32xf32, #tpu.memory_space<vmem>>, vector<5000x32xf32>,
    %swap3A_22 = arith.constant 0 : index
    %swap3A_23 = arith.constant 0 : index
    %swap3A_24 = vector.load %arg5[%swap3A_22, %swap3A_23] : memref<5000x1xf32, #tpu.memory_space<vmem>>, vector<5000x1xf32>
    tpu.vector_store %arg5[%swap3A_22, %swap3A_23], %rsqrt3A {strides = array<i32>} : memref<5000x1xf32, #tpu.memory_space<vmem>>, vector<5000x1xf32>,
    return
  }
  func.func @transform_0(%arg0: i32) -> (i32, i32) {
    %c0_i32 = arith.constant 0 : i32
    %c0_i32_0 = arith.constant 0 : i32
    return %arg0, %c0_i32 : i32, i32
  }
  func.func @transform_1(%arg0: i32) -> (i32, i32) {
    %c0_i32 = arith.constant 0 : i32
    %c0_i32_0 = arith.constant 0 : i32
    %c0_i32_1 = arith.constant 0 : i32
    return %c0_i32, %c0_i32_0 : i32, i32
  }
  func.func @transform_2(%arg0: i32) -> (i32, i32, i32) {
    %c0_i32 = arith.constant 0 : i32
    %c0_i32_0 = arith.constant 0 : i32
    %c0_i32_1 = arith.constant 0 : i32
    return %c0_i32, %arg0, %c0_i32_0 : i32, i32, i32
  }
  func.func @transform_3(%arg0: i32) -> (i32, i32) {
    %c0_i32 = arith.constant 0 : i32
    %c0_i32_0 = arith.constant 0 : i32
    return %arg0, %c0_i32 : i32, i32
  }
  func.func @transform_4(%arg0: i32) -> (i32, i32) {
    %c0_i32 = arith.constant 0 : i32
    %c0_i32_0 = arith.constant 0 : i32
    return %arg0, %c0_i32 : i32, i32
  }
}

module attributes {stable_mosaic.version = 14 : i64} {
  func.func @_k2_body(%arg0: i32, %arg1: memref<2x5000x32xf32, #tpu.memory_space<vmem>>, %arg2: memref<5000x32xf32, #tpu.memory_space<vmem>>, %arg3: memref<5000x1xf32, #tpu.memory_space<vmem>>, %arg4: memref<1x32xf32, #tpu.memory_space<vmem>>, %arg5: memref<5000x32xf32, #tpu.memory_space<vmem>>) attributes {dimension_semantics = [#tpu.dimension_semantics<arbitrary>], iteration_bounds = array<i64: 2>, scalar_prefetch = 0 : i64, scratch_operands = 0 : i64, tpu.core_type = #tpu.core_type<tc>, window_params = [{transform_indices = @transform_0, window_bounds = array<i64: 2, 5000, 32>}, {transform_indices = @transform_1, window_bounds = array<i64: 5000, 32>}, {transform_indices = @transform_2, window_bounds = array<i64: 5000, 1>}, {pipeline_mode = #tpu.pipeline_mode<synchronous>, transform_indices = @transform_3, window_bounds = array<i64: 1, 32>}, {transform_indices = @transform_4, window_bounds = array<i64: 5000, 32>}]} {
    %get3A = arith.constant 0 : index
    %get3A_0 = arith.constant 0 : index
    %get3A_1 = arith.constant 0 : index
    %get3A_2 = vector.load %arg1[%get3A, %get3A_0, %get3A_1] : memref<2x5000x32xf32, #tpu.memory_space<vmem>>, vector<1x5000x32xf32>
    %get3A_3 = vector.shape_cast %get3A_2 : vector<1x5000x32xf32> to vector<5000x32xf32>
    %get3A_4 = arith.constant 1 : index
    %get3A_5 = arith.constant 0 : index
    %get3A_6 = arith.constant 0 : index
    %get3A_7 = vector.load %arg1[%get3A_4, %get3A_5, %get3A_6] : memref<2x5000x32xf32, #tpu.memory_space<vmem>>, vector<1x5000x32xf32>
    %get3A_8 = vector.shape_cast %get3A_7 : vector<1x5000x32xf32> to vector<5000x32xf32>
    %add3A = arith.addf %get3A_3, %get3A_8 : vector<5000x32xf32>
    %get3A_9 = arith.constant 0 : index
    %get3A_10 = arith.constant 0 : index
    %get3A_11 = vector.load %arg2[%get3A_9, %get3A_10] : memref<5000x32xf32, #tpu.memory_space<vmem>>, vector<5000x32xf32>
    %add3A_12 = arith.addf %add3A, %get3A_11 : vector<5000x32xf32>
    %get3A_13 = arith.constant 0 : index
    %get3A_14 = arith.constant 0 : index
    %get3A_15 = vector.load %arg3[%get3A_13, %get3A_14] : memref<5000x1xf32, #tpu.memory_space<vmem>>, vector<5000x1xf32>
    %mul3A = vector.broadcast %get3A_15 : vector<5000x1xf32> to vector<5000x32xf32>
    %mul3A_16 = arith.mulf %mul3A, %add3A_12 : vector<5000x32xf32>
    %get3A_17 = arith.constant 0 : index
    %get3A_18 = arith.constant 0 : index
    %get3A_19 = vector.load %arg4[%get3A_17, %get3A_18] : memref<1x32xf32, #tpu.memory_space<vmem>>, vector<1x32xf32>
    %add3A_20 = vector.broadcast %get3A_19 : vector<1x32xf32> to vector<5000x32xf32>
    %add3A_21 = arith.addf %mul3A_16, %add3A_20 : vector<5000x32xf32>
    %max3A = arith.constant 0.000000e+00 : f32
    %max3A_22 = vector.broadcast %max3A : f32 to vector<5000x32xf32>
    %max3A_23 = arith.maximumf %add3A_21, %max3A_22 : vector<5000x32xf32>
    %mul3A_24 = vector.broadcast %get3A_15 : vector<5000x1xf32> to vector<5000x32xf32>
    %mul3A_25 = arith.mulf %max3A_23, %mul3A_24 : vector<5000x32xf32>
    %swap3A = arith.constant 0 : index
    %swap3A_26 = arith.constant 0 : index
    %swap3A_27 = vector.load %arg5[%swap3A, %swap3A_26] : memref<5000x32xf32, #tpu.memory_space<vmem>>, vector<5000x32xf32>
    tpu.vector_store %arg5[%swap3A, %swap3A_26], %mul3A_25 {strides = array<i32>} : memref<5000x32xf32, #tpu.memory_space<vmem>>, vector<5000x32xf32>,
    return
  }
  func.func @transform_0(%arg0: i32) -> (i32, i32, i32) {
    %c0_i32 = arith.constant 0 : i32
    %c0_i32_0 = arith.constant 0 : i32
    %c0_i32_1 = arith.constant 0 : i32
    return %c0_i32, %arg0, %c0_i32_0 : i32, i32, i32
  }
  func.func @transform_1(%arg0: i32) -> (i32, i32) {
    %c0_i32 = arith.constant 0 : i32
    %c0_i32_0 = arith.constant 0 : i32
    return %arg0, %c0_i32 : i32, i32
  }
  func.func @transform_2(%arg0: i32) -> (i32, i32) {
    %c0_i32 = arith.constant 0 : i32
    %c0_i32_0 = arith.constant 0 : i32
    return %arg0, %c0_i32 : i32, i32
  }
  func.func @transform_3(%arg0: i32) -> (i32, i32) {
    %c0_i32 = arith.constant 0 : i32
    %c0_i32_0 = arith.constant 0 : i32
    %c0_i32_1 = arith.constant 0 : i32
    return %c0_i32, %c0_i32_0 : i32, i32
  }
  func.func @transform_4(%arg0: i32) -> (i32, i32) {
    %c0_i32 = arith.constant 0 : i32
    %c0_i32_0 = arith.constant 0 : i32
    return %arg0, %c0_i32 : i32, i32
  }
}

module attributes {stable_mosaic.version = 14 : i64} {
  func.func @_k3_body(%arg0: i32, %arg1: memref<2x5000x32xf32, #tpu.memory_space<vmem>>, %arg2: memref<5000x32xf32, #tpu.memory_space<vmem>>, %arg3: memref<5000x1xf32, #tpu.memory_space<vmem>>, %arg4: memref<32x128xf32, #tpu.memory_space<vmem>>, %arg5: memref<1x128xf32, #tpu.memory_space<vmem>>, %arg6: memref<5000x128xf32, #tpu.memory_space<vmem>>) attributes {dimension_semantics = [#tpu.dimension_semantics<arbitrary>], iteration_bounds = array<i64: 2>, scalar_prefetch = 0 : i64, scratch_operands = 0 : i64, tpu.core_type = #tpu.core_type<tc>, window_params = [{transform_indices = @transform_0, window_bounds = array<i64: 2, 5000, 32>}, {transform_indices = @transform_1, window_bounds = array<i64: 5000, 32>}, {transform_indices = @transform_2, window_bounds = array<i64: 5000, 1>}, {pipeline_mode = #tpu.pipeline_mode<synchronous>, transform_indices = @transform_3, window_bounds = array<i64: 32, 128>}, {pipeline_mode = #tpu.pipeline_mode<synchronous>, transform_indices = @transform_4, window_bounds = array<i64: 1, 128>}, {transform_indices = @transform_5, window_bounds = array<i64: 5000, 128>}]} {
    %get3A = arith.constant 0 : index
    %get3A_0 = arith.constant 0 : index
    %get3A_1 = vector.load %arg3[%get3A, %get3A_0] : memref<5000x1xf32, #tpu.memory_space<vmem>>, vector<5000x1xf32>
    %get3A_2 = arith.constant 0 : index
    %get3A_3 = arith.constant 0 : index
    %get3A_4 = arith.constant 0 : index
    %get3A_5 = vector.load %arg1[%get3A_2, %get3A_3, %get3A_4] : memref<2x5000x32xf32, #tpu.memory_space<vmem>>, vector<1x5000x32xf32>
    %get3A_6 = vector.shape_cast %get3A_5 : vector<1x5000x32xf32> to vector<5000x32xf32>
    %get3A_7 = arith.constant 1 : index
    %get3A_8 = arith.constant 0 : index
    %get3A_9 = arith.constant 0 : index
    %get3A_10 = vector.load %arg1[%get3A_7, %get3A_8, %get3A_9] : memref<2x5000x32xf32, #tpu.memory_space<vmem>>, vector<1x5000x32xf32>
    %get3A_11 = vector.shape_cast %get3A_10 : vector<1x5000x32xf32> to vector<5000x32xf32>
    %add3A = arith.addf %get3A_6, %get3A_11 : vector<5000x32xf32>
    %get3A_12 = arith.constant 0 : index
    %get3A_13 = arith.constant 0 : index
    %get3A_14 = vector.load %arg2[%get3A_12, %get3A_13] : memref<5000x32xf32, #tpu.memory_space<vmem>>, vector<5000x32xf32>
    %add3A_15 = arith.addf %add3A, %get3A_14 : vector<5000x32xf32>
    %mul3A = vector.broadcast %get3A_1 : vector<5000x1xf32> to vector<5000x32xf32>
    %mul3A_16 = arith.mulf %mul3A, %add3A_15 : vector<5000x32xf32>
    %get3A_17 = arith.constant 0 : index
    %get3A_18 = arith.constant 0 : index
    %get3A_19 = vector.load %arg4[%get3A_17, %get3A_18] : memref<32x128xf32, #tpu.memory_space<vmem>>, vector<32x128xf32>
    %dot_general3A = arith.constant dense<0.000000e+00> : vector<5000x128xf32>
    %dot_general3A_20 = tpu.matmul %mul3A_16, %get3A_19, %dot_general3A {dimension_numbers = #tpu.dot_dimension_numbers<[1], [0], [0], [1], [0, 0, 1, 1], [], []>, transpose_lhs_hint = false} : vector<5000x32xf32>, vector<32x128xf32>, vector<5000x128xf32> -> vector<5000x128xf32>
    %get3A_21 = arith.constant 0 : index
    %get3A_22 = arith.constant 0 : index
    %get3A_23 = vector.load %arg5[%get3A_21, %get3A_22] : memref<1x128xf32, #tpu.memory_space<vmem>>, vector<1x128xf32>
    %add3A_24 = vector.broadcast %get3A_23 : vector<1x128xf32> to vector<5000x128xf32>
    %add3A_25 = arith.addf %dot_general3A_20, %add3A_24 : vector<5000x128xf32>
    %swap3A = arith.constant 0 : index
    %swap3A_26 = arith.constant 0 : index
    %swap3A_27 = vector.load %arg6[%swap3A, %swap3A_26] : memref<5000x128xf32, #tpu.memory_space<vmem>>, vector<5000x128xf32>
    tpu.vector_store %arg6[%swap3A, %swap3A_26], %add3A_25 {strides = array<i32>} : memref<5000x128xf32, #tpu.memory_space<vmem>>, vector<5000x128xf32>,
    return
  }
  func.func @transform_0(%arg0: i32) -> (i32, i32, i32) {
    %c0_i32 = arith.constant 0 : i32
    %c0_i32_0 = arith.constant 0 : i32
    %c0_i32_1 = arith.constant 0 : i32
    return %c0_i32, %arg0, %c0_i32_0 : i32, i32, i32
  }
  func.func @transform_1(%arg0: i32) -> (i32, i32) {
    %c0_i32 = arith.constant 0 : i32
    %c0_i32_0 = arith.constant 0 : i32
    return %arg0, %c0_i32 : i32, i32
  }
  func.func @transform_2(%arg0: i32) -> (i32, i32) {
    %c0_i32 = arith.constant 0 : i32
    %c0_i32_0 = arith.constant 0 : i32
    return %arg0, %c0_i32 : i32, i32
  }
  func.func @transform_3(%arg0: i32) -> (i32, i32) {
    %c0_i32 = arith.constant 0 : i32
    %c0_i32_0 = arith.constant 0 : i32
    %c0_i32_1 = arith.constant 0 : i32
    return %c0_i32, %c0_i32_0 : i32, i32
  }
  func.func @transform_4(%arg0: i32) -> (i32, i32) {
    %c0_i32 = arith.constant 0 : i32
    %c0_i32_0 = arith.constant 0 : i32
    %c0_i32_1 = arith.constant 0 : i32
    return %c0_i32, %c0_i32_0 : i32, i32
  }
  func.func @transform_5(%arg0: i32) -> (i32, i32) {
    %c0_i32 = arith.constant 0 : i32
    %c0_i32_0 = arith.constant 0 : i32
    return %arg0, %c0_i32 : i32, i32
  }
}

</mosaic_0001>

<sc_bundles>
// kernel: kernel.11.cloned.1.call-start
scs
__scs_entry_jumppad:
0x0: {  	(pc) =	sbr.rel $0x88, $3  }
0x1: {  	(tag) =	ssettag $0x0;
	lr =	simm.s32 $0x1  }
0x2: {  	[smem:$0x3F9B] =	sst lr;
	_ =	strace $0xD0000000  }
0x3: {  	_ = 	snop  }
0x4: {  	_ = 	snop  }
0x5: {  	_ = 	snop  }
0x6: {  	_ = 	snop  }
0x7: {  	_ = 	snop  }
__scs_overlays_trampoline_lowered:
0x8: {  	[smem:$0x3FAA] =	sst s0  }
0x9: {  	[smem:$0x3FAB] =	sst s1  }
0xa: {  	[smem:$0x3FAC] =	sst s2  }
0xb: {  	[smem:$0x3FAD] =	sst s3  }
0xc: {  	[smem:$0x3FAE] =	sst s4  }
0xd: {  	[smem:$0x3FAF] =	sst s5  }
0xe: {  	[smem:$0x3FB0] =	sst s6  }
0xf: {  	[smem:$0x3FB1] =	sst s7  }
0x10: {  	[smem:$0x3FB2] =	sst s8  }
0x11: {  	[smem:$0x3FB3] =	sst s9;
	s0 =	simm.s32 @!p0 $0x0  }
0x12: {  	s1 =	sld [smem:$0x3F99];
	s0 =	simm.s32 @p0 $0x1  }
0x13: {  	[smem:$0x3FB4] =	sst s0;
	s0 =	simm.s32 @!p1 $0x0  }
0x14: {  	s2 =	sld [smem:$0x3F98];
	s0 =	simm.s32 @p1 $0x1  }
0x15: {  	[smem:$0x3FB5] =	sst s0;
	s0 =	simm.s32 @!p2 $0x0  }
0x16: {  	s3 =	sld [smem:$0x3FDB];
	s0 =	simm.s32 @p2 $0x1  }
0x17: {  	s4 =	simm.s32 $0x1BF5;
	[smem:$0x3FB7] =	sst s0  }
0x18: {  	s0 =	sld [smem:$0x3F9A];
	_ =	swait.ge [sflag:s4], $0x0  }
0x19: {  	s7 =	sld [smem:$0x3F9B]  }
0x1a: {  	s8 =	sadd.s32 $0xFFFFE003, lr  }
0x1b: {  	s9 =	sadd.s32 $0xFFFFFEF7, lr;
	s5 =	simm.s32 $0xFFFFFFFF;
	p2 =	slt.u32 s8, $0xFFFFF086  }
0x1c: {  	p1 =	slt.u32 s9, $0xF7A;
	s5 =	simm.s32 @!p2 $0x0  }
0x1d: {  	s5 =	simm.s32 @p1 $0x1;
	p0 =	seq.s32 s7, s2  }
0x1e: {  	s7 =	smul.u32 @!p0 $0xF7A, s2;
	p2 =	seq.s32 @!p0 s5, $0x0  }
0x1f: {  	s9 =	smul.u32 $0xF7A, s1;
	s8 =	simm.s32 @!p0 $0x1BF5;
	p2 =	por !p2, p0  }
0x20: {  	[sflag:s8] =	ssyncset.s32 @!p0 $0xFFFFF086;
	s6 =	sadd.s32 @!p0 s3, s7;
	s7 =	simm.s32 @!p0 $0x108  }
0x21: {  	s3 =	sadd.s32 s3, s9;
	s6 =	sadd.s32 @!p0 $0x88, s6;
	s7 =	simm.s32 @p2 $0x1082  }
0x22: {  	[simem:s7], [sflag:s8] =	dma.local @!p0 [hbm:s6], $0xF7A  }
0x23: {  	s9 =	sor.u32 $0xD0000000, s2;
	s6 =	simm.s32 $0x108;
	_ =	swait.ge @!p0 [sflag:s8], $0x0  }
0x24: {  	s3 =	sadd.s32 $0x88, s3;
	s6 =	simm.s32 @!p1 $0x1082;
	[sflag:s4] =	ssyncset.s32 $0xFFFFF086  }
0x25: {  	[simem:s6], [sflag:s4] =	dma.local [hbm:s3], $0xF7A  }
0x26: {  	[smem:$0x3F9B] =	sst s1;
	(tag) =	ssettag s2;
	_ =	strace s9  }
0x27: {  	s1 =	sld [smem:$0x3FAB]  }
0x28: {  	s2 =	sld [smem:$0x3FAC]  }
0x29: {  	s4 =	sld [smem:$0x3FAE]  }
0x2a: {  	p0 =	seq.s32 s5, $0x0;
	s5 =	sld [smem:$0x3FAF]  }
0x2b: {  	s6 =	sld [smem:$0x3FB0]  }
0x2c: {  	s7 =	sld [smem:$0x3FB1]  }
0x2d: {  	s3 =	simm.s32 $0x108;
	s8 =	sld [smem:$0x3FB2]  }
0x2e: {  	s3 =	simm.s32 @!p0 $0x1082;
	s9 =	sld [smem:$0x3FB3]  }
0x2f: {  	lr =	sadd.s32 s0, s3;
	s0 =	sld [smem:$0x3FAA]  }
0x30: {  	s3 =	sld [smem:$0x3FAD]  }
0x31: {  	[smem:$0x3FB6] =	sst s10  }
0x32: {  	s10 =	sld [smem:$0x3FB4];
	_ =	sdelay $0x3  }
0x33: {  	p0 =	seq.s32 s10, $0x1;
	s10 =	sld [smem:$0x3FB6];
	_ =	sdelay $0x3  }
0x34: {  	[smem:$0x3FB6] =	sst s10  }
0x35: {  	s10 =	sld [smem:$0x3FB5];
	_ =	sdelay $0x3  }
0x36: {  	p1 =	seq.s32 s10, $0x1;
	s10 =	sld [smem:$0x3FB6];
	_ =	sdelay $0x3  }
0x37: {  	[smem:$0x3FB6] =	sst s10  }
0x38: {  	s10 =	sld [smem:$0x3FB7]  }
0x39: {  	_ = 	snop;
	(pc) =	sbr.ind lr, $3  }
0x3a: {  	_ = 	snop  }
0x3b: {  	_ = 	snop  }
0x3c: {  	p2 =	seq.s32 s10, $0x1;
	s10 =	sld [smem:$0x3FB6]  }
0x3d: {  	_ =	shalt  }
0x3e: {  	_ =	shalt  }
0x3f: {  	_ =	shalt  }
0x40: {  	_ =	shalt  }
0x41: {  	_ =	shalt  }
0x42: {  	_ =	shalt  }
0x43: {  	_ =	shalt  }
0x44: {  	_ =	shalt  }
0x45: {  	_ =	shalt  }
0x46: {  	_ =	shalt  }
0x47: {  	_ =	shalt  }
0x48: {  	_ =	shalt  }
0x49: {  	_ =	shalt  }
0x4a: {  	_ =	shalt  }
0x4b: {  	_ =	shalt  }
0x4c: {  	_ =	shalt  }
0x4d: {  	_ =	shalt  }
0x4e: {  	_ =	shalt  }
0x4f: {  	_ =	shalt  }
0x50: {  	_ =	shalt  }
0x51: {  	_ =	shalt  }
0x52: {  	_ =	shalt  }
0x53: {  	_ =	shalt  }
0x54: {  	_ =	shalt  }
0x55: {  	_ =	shalt  }
0x56: {  	_ =	shalt  }
0x57: {  	_ =	shalt  }
0x58: {  	_ =	shalt  }
0x59: {  	_ =	shalt  }
0x5a: {  	_ =	shalt  }
0x5b: {  	_ =	shalt  }
0x5c: {  	_ =	shalt  }
0x5d: {  	_ =	shalt  }
0x5e: {  	_ =	shalt  }
0x5f: {  	_ =	shalt  }
0x60: {  	_ =	shalt  }
0x61: {  	_ =	shalt  }
0x62: {  	_ =	shalt  }
0x63: {  	_ =	shalt  }
0x64: {  	_ =	shalt  }
0x65: {  	_ =	shalt  }
0x66: {  	_ =	shalt  }
0x67: {  	_ =	shalt  }
0x68: {  	_ =	shalt  }
0x69: {  	_ =	shalt  }
0x6a: {  	_ =	shalt  }
0x6b: {  	_ =	shalt  }
0x6c: {  	_ =	shalt  }
0x6d: {  	_ =	shalt  }
0x6e: {  	_ =	shalt  }
0x6f: {  	_ =	shalt  }
0x70: {  	_ =	shalt  }
0x71: {  	_ =	shalt  }
0x72: {  	_ =	shalt  }
0x73: {  	_ =	shalt  }
0x74: {  	_ =	shalt  }
0x75: {  	_ =	shalt  }
0x76: {  	_ =	shalt  }
0x77: {  	_ =	shalt  }
0x78: {  	_ =	shalt  }
0x79: {  	_ =	shalt  }
0x7a: {  	_ =	shalt  }
0x7b: {  	_ =	shalt  }
0x7c: {  	_ =	shalt  }
0x7d: {  	_ =	shalt  }
0x7e: {  	_ =	shalt  }
0x7f: {  	_ =	shalt  }
0x80: {  	_ =	shalt  }
0x81: {  	_ =	shalt  }
0x82: {  	_ =	shalt  }
0x83: {  	_ =	shalt  }
0x84: {  	_ =	shalt  }
0x85: {  	_ =	shalt  }
0x86: {  	_ =	shalt  }
0x87: {  	_ =	shalt  }
.Lfunc_end0:
.L_simem_size_0:
called_computation.1_lowered:
.L_overlay_start_0:
0x88: {  	s2 =	sld [smem:$0x3FD9]  }
0x89: {  	s3 =	sld [smem:$0x3FFE];
	_ =	sdelay $0x1  }
0x8a: {  	s1 =	srdreg.scid  }
0x8b: {  	s0 =	sand.u32 $0x1, s1  }
0x8c: {  	s17 =	sshll.u32 s0, $0xA;
	s2 =	sadd.s32 s3, s2  }
0x8d: {  	s2 =	sadd.s32 s2, s17  }
0x8e: {  	[smem:$0x3FC2] =	sst s2  }
0x8f: {  	_ = 	snop  }
0x90: {  	s2 =	sld [smem:$0x3FD0];
	(tm) =	ssettm $0x1  }
0x91: {  	s18 =	sld [smem:$0x3FFB];
	_ =	sdelay $0x3  }
0x92: {  	_ =	strace s18  }
0x93: {  	s3 =	sld [smem:$0x3FFC];
	_ =	sdelay $0x3  }
0x94: {  	_ =	strace s3  }
0x95: {  	s3 =	sld [smem:$0x3FFD];
	_ =	sdelay $0x3  }
0x96: {  	_ =	strace s3  }
0x97: {  	_ =	strace $0x8FFFFFFF  }
0x98: {  	s19 =	sld [smem:$0x3FDB];
	_ =	sdelay $0x1  }
0x99: {  	s4 =	simm.s32 $_scs_section_size  }
0x9a: {  	s5 =	simm.s32 $_size__tile_overlayer_lowered;
	s6 =	simm.s32 $_tile_overlayer_lowered  }
0x9b: {  	s22 =	simm.s32 $0x1BFF;
	s21 =	sshll.u32 s6, $0x1;
	s3 =	sadd.s32 s4, s19  }
0x9c: {  	s7 =	simm.s32 $0x0;
	s20 =	sshll.u32 s5, $0x1;
	s5 =	sadd.s32 s21, s3  }
0x9d: {  	[timem:s7], [sflag:s22] =	dma.local [hbm:s5], s20  }
0x9e: {  	_ =	swait.ge [sflag:s22], s20  }
0x9f: {  	s4 =	ssub.s32 $0x0, s20;
	[sflag:s22] =	ssyncset.done $0x0  }
0xa0: {  	[sflag:s22] =	ssyncadd.s32 s4;
	_ =	sdelay $0x1  }
0xa1: {  	s23 =	simm.s32 $0x1B8B  }
0xa2: {  	_ =	swait.ge [sflag:s23], $0x1  }
0xa3: {  	[sflag:s23] =	ssyncset.done $0x0  }
0xa4: {  	s25 =	simm.s32 $0x1B8E;
	s24 =	sld [smem:$0x3FFE];
	[sflag:s23] =	ssyncadd.s32 $0xFFFFFFFF  }
0xa5: {  	s26 =	simm.s32 $execute0_lowered;
	[smem:$0x3FD2] =	sst s25  }
0xa6: {  	s5 =	sshll.u32 s26, $0x1;
	_ =	strace $0x80000049;
	[dreg:$0x1] =	wrdreg $0xFFFFFFFF  }
0xa7: {  	s28 =	simm.s32 $_size_execute0_lowered;
	s3 =	sadd.s32 s3, s5;
	[dreg:$0x0] =	wrdreg $0x0  }
0xa8: {  	s5 =	sshll.u32 s28, $0x1;
	[dreg:$0x2] =	wrdreg s3  }
0xa9: {  	[dreg:$0x3] =	wrdreg s5  }
0xaa: {  	[dreg:$0x4] =	wrdreg $0xC0  }
0xab: {  	_ =	task [dreg:s7], $0x5FFFF  }
0xac: {  	[dreg:$0x1] =	wrdreg $0xFFFFFFFF  }
0xad: {  	[dreg:$0x0] =	wrdreg $0x60  }
0xae: {  	[dreg:$0x2] =	wrdreg s24  }
0xaf: {  	[dreg:$0x3] =	wrdreg s2  }
0xb0: {  	[dreg:$0x4] =	wrdreg $0x10F000  }
0xb1: {  	[dreg:$0x5] =	wrdreg $0xBF000  }
0xb2: {  	[dreg:$0x6] =	wrdreg $0x9  }
0xb3: {  	_ =	task.clear_ibuf [dreg:s7], $0x7FFFF;
	_ =	strace $0x90000049  }
0xb4: {  	s29 =	simm.s32 $0x9;
	_ =	strace $0x8000004B  }
0xb5: {  	_ =	swait.ge [sflag:s29], $0x1  }
0xb6: {  	[sflag:s29] =	ssyncadd.s32 $0xFFFFFFFF  }
0xb7: {  	_ =	strace $0x9000004B  }
0xb8: {  	_ =	sfence  }
0xb9: {  	s30 =	sld [smem:$0x0];
	_ =	sdelay $0x2  }
0xba: {  	s31 =	sshll.u32 s1, $0xD;
	s1 =	sshrl.u32 s1, $0x2  }
0xbb: {  	s3 =	sand.u32 $0x4000, s31;
	s1 =	sadd.s32 s1, s30  }
0xbc: {  	s0 =	sor.u32 s3, s0;
	s1 =	sshll.u32 s1, $0x11  }
0xbd: {  	s0 =	sor.u32 s1, s0  }
0xbe: {  	s0 =	sadd.s32 $0x8F2B, s0  }
0xbf: {  	[sflag:s0] =	ssyncadd.remote.s32 $0x1  }
0xc0: {  	_ =	sfence.sel $0xFFFF  }
0xc1: {  	[dreg:$0x0] =	wrdreg $0xFFFFFFFF;
	(pc) =	sbr.abs _section_cstart, $3  }
0xc2: {  	[dreg:$0x1] =	wrdreg $0xFFFFFFFF  }
0xc3: {  	_ =	task.clear_ibuf [dreg:s7], $0x2FFFF;
	_ =	strace $0x9FFFFFFF  }
0xc4: {  	(tm) =	ssettm $0x7FFFFFFF  }
0xc5: {  	_ =	shalt  }
tec
execute0_lowered:
.L_overlay_start_1:
0x0: {  	(tag) =	ssettag $0x1  }
0x1: {  	s0 =	rddreg [dreg:$0x0]  }
0x2: {  	s5 =	rddreg [dreg:$0x1]  }
0x3: {  	s1 =	srdreg.scid;
	s2 =	rddreg [dreg:$0x2]  }
0x4: {  	s13 =	stileid.u32;
	s3 =	rddreg [dreg:$0x3];
	s24 =	simm.s32 $0x0  }
0x5: {  	s28 =	simm.s32 $0x6F00;
	s30 =	simm.s32 $0x7F00;
	s29 =	simm.s32 $0x2  }
0x6: {  	s31 =	simm.s32 $0x3;
	s1 =	sand.u32 $0x1, s1;
	s6 =	smul.u32 $0x5000, s13  }
0x7: {  	[smem:$0x7FF] =	sst s24;
	s12 =	smul.u32 $0x14000, s13;
	s16 =	sshll.u32 s13, $0x6  }
0x8: {  	s4 =	sshll.u32 s1, $0x4;
	_ =	strace $0x8000004A;
	s26 =	ssub.s32 $0x2, s1  }
0x9: {  	s1 =	smul.u32 $0x50000, s1;
	s9 =	sor.u32 s13, s4;
	s10 =	sshrl.u32 s6, $0x3  }
0xa: {  	s4 =	sshrl.u32 s26, $0x1;
	s14 =	sadd.s32 s6, s2;
	s17 =	sshrl.u32 s12, $0x2  }
0xb: {  	s13 =	simm.s32 $0xB;
	s7 =	smul.u32 $0x4E, s9;
	s8 =	smin.u32 s9, $0x4  }
0xc: {  	s25 =	sadd.s32 s10, s0;
	s10 =	ssub.s32 s26, s4;
	s12 =	sadd.s32 s17, s3  }
0xd: {  	s1 =	sadd.s32 s6, s1;
	p0 =	sgt.u32 s9, $0x3;
	s26 =	sshrl.u32 s14, $0x3  }
0xe: {  	s9 =	simm.s32 $0x7;
	s15 =	sadd.s32 $0x15800, s25;
	[dreg:$0x11] =	wrdreg s26  }
0xf: {  	s14 =	simm.s32 $0xC;
	s18 =	sadd.s32 $0x1000, s12;
	[dreg:$0x6] =	wrdreg s15  }
0x10: {  	s19 =	sadd.s32 $0x2000, s12;
	s20 =	sadd.s32 $0x3000, s12;
	[dreg:$0x7] =	wrdreg s18  }
0x11: {  	s21 =	sadd.s32 $0x4000, s12;
	s1 =	sshrl.u32 s1, $0x3;
	[dreg:$0x8] =	wrdreg s19  }
0x12: {  	s26 =	simm.s32 $0x1;
	s12 =	simm.s32 $0xA;
	[dreg:$0x9] =	wrdreg s20  }
0x13: {  	s7 =	sadd.s32 s8, s7;
	s8 =	sadd.s32 s6, s3;
	[dreg:$0xa] =	wrdreg s21  }
0x14: {  	s1 =	sadd.s32 s5, s1;
	s20 =	simm.s32 $0xD;
	s21 =	simm.s32 $0xAF00  }
0x15: {  	s5 =	simm.s32 $0x5;
	s6 =	simm.s32 $0x6;
	s7 =	sshll.u32 s7, $0x4  }
0x16: {  	[dreg:$0xf] =	wrdreg s1;
	s11 =	sadd.s32 s7, s0;
	s0 =	sadd.s32 $0x1F800, s0  }
0x17: {  	s15 =	simm.s32 $0x0;
	[dreg:$0x5] =	wrdreg s0;
	s22 =	sadd.s32 $0x1E00, s11  }
0x18: {  	s1 =	simm.s32 $0x8F00;
	s23 =	sadd.s32 $0xBA40, s11;
	[dreg:$0xb] =	wrdreg s22  }
0x19: {  	s7 =	sor.u32 $0x1C0D, s16;
	s24 =	sadd.s32 $0x22E0, s11;
	[dreg:$0xc] =	wrdreg s23  }
0x1a: {  	s25 =	sadd.s32 $0xBF20, s11;
	s0 =	smax.u32 s10, $0x1;
	[dreg:$0xd] =	wrdreg s24  }
0x1b: {  	s10 =	simm.s32 $0x8;
	s11 =	simm.s32 $0x9;
	[dreg:$0xe] =	wrdreg s25  }
0x1c: {  	[dreg:$0x10] =	wrdreg s0;
	s23 =	simm.s32 $0x80;
	s24 =	simm.s32 $0x4F00  }
0x1d: {  	s25 =	simm.s32 $0x5F00;
	s22 =	simm.s32 $0x9F00;
	s0 =	simm.s32 $0x4  }
.LBB2_1:
0x1e: {  	s4 =	rddreg [dreg:$0x6]  }
0x1f: {  	s16 =	rddreg [dreg:$0x11]  }
0x20: {  	[spmem:s16], [sflag:s7] =	dma.local [hbm:s4], $0xA00  }
0x21: {  	_ =	swait.ge [sflag:s20], $0xA00  }
0x22: {  	[sflag:s20] =	ssyncset.done $0x0  }
0x23: {  	s4 =	simm.s32 $0x0;
	s19 =	rddreg [dreg:$0x5];
	[sflag:s20] =	ssyncadd.s32 $0xFFFFF600  }
0x24: {  	[tilespmem:s21], [sflag:$0xD] =	stream.linear.gather [hbm4b:s19+s4], $0x1000, $0x38;
	[tilespmem:$0x15F00] =	vst v63  }
0x25: {  	_ =	swait.ge [sflag:s20], $0x1000  }
0x26: {  	[sflag:s20] =	ssyncset.done $0x0  }
0x27: {  	[sflag:s20] =	ssyncadd.s32 $0xFFFFF000  }
0x28: {  	[spmem:s8] =	stream.linear.scatter [tilespmem:s21], [sflag:$0xD], $0x1000, $0x38;
	[tilespmem:$0x15F00] =	vst v63  }
0x29: {  	_ =	swait.ge [sflag:s20], $0x1000  }
0x2a: {  	[sflag:s20] =	ssyncset.done $0x0  }
0x2b: {  	s17 =	rddreg [dreg:$0x7];
	[sflag:s20] =	ssyncadd.s32 $0xFFFFF000  }
0x2c: {  	[spmem:s17] =	stream.linear.scatter [tilespmem:s21], [sflag:$0xD], $0x1000, $0x38;
	[tilespmem:$0x15F00] =	vst v63  }
0x2d: {  	_ =	swait.ge [sflag:s20], $0x1000  }
0x2e: {  	[sflag:s20] =	ssyncset.done $0x0  }
0x2f: {  	s18 =	rddreg [dreg:$0x8];
	[sflag:s20] =	ssyncadd.s32 $0xFFFFF000  }
0x30: {  	[spmem:s18] =	stream.linear.scatter [tilespmem:s21], [sflag:$0xD], $0x1000, $0x38;
	[tilespmem:$0x15F00] =	vst v63  }
0x31: {  	_ =	swait.ge [sflag:s20], $0x1000  }
0x32: {  	[sflag:s20] =	ssyncset.done $0x0  }
0x33: {  	s19 =	rddreg [dreg:$0x9];
	[sflag:s20] =	ssyncadd.s32 $0xFFFFF000  }
0x34: {  	[spmem:s19] =	stream.linear.scatter [tilespmem:s21], [sflag:$0xD], $0x1000, $0x38;
	[tilespmem:$0x15F00] =	vst v63  }
0x35: {  	_ =	swait.ge [sflag:s20], $0x1000  }
0x36: {  	[sflag:s20] =	ssyncset.done $0x0  }
0x37: {  	s17 =	rddreg [dreg:$0xa];
	[sflag:s20] =	ssyncadd.s32 $0xFFFFF000  }
0x38: {  	[spmem:s17] =	stream.linear.scatter [tilespmem:s21], [sflag:$0xD], $0x1000, $0x38;
	[tilespmem:$0x15F00] =	vst v63  }
0x39: {  	_ =	swait.ge [sflag:s20], $0x1000  }
0x3a: {  	[sflag:s20] =	ssyncset.done $0x0  }
0x3b: {  	s18 =	rddreg [dreg:$0xb];
	[sflag:s20] =	ssyncadd.s32 $0xFFFFF000  }
0x3c: {  	[tilespmem:s4], [sflag:$0xD] =	stream.linear.gather [hbm4b:s18+s4], $0x2700, $0x38;
	[tilespmem:$0x15F00] =	vst v63  }
0x3d: {  	_ =	swait.ge [sflag:s20], $0x2700  }
0x3e: {  	[sflag:s20] =	ssyncset.done $0x0  }
0x3f: {  	s17 =	simm.s32 $0x2780;
	s19 =	rddreg [dreg:$0xc];
	[sflag:s20] =	ssyncadd.s32 $0xFFFFD900  }
0x40: {  	[tilespmem:s17], [sflag:$0xD] =	stream.linear.gather [hbm4b:s19+s4], $0x2700, $0x38;
	[tilespmem:$0x15F00] =	vst v63  }
0x41: {  	_ =	swait.ge [sflag:s20], $0x2700  }
0x42: {  	s16 =	simm.s32 @!p0 $0x0;
	[sflag:s20] =	ssyncset.done $0x0  }
0x43: {  	s17 =	simm.s32 @!p0 $0x2700;
	s18 =	rddreg [dreg:$0xd];
	[sflag:s20] =	ssyncadd.s32 $0xFFFFD900  }
0x44: {  	[tilespmem:s17], [sflag:$0xD] =	stream.linear.gather @!p0 [hbm4b:s18+s16], $0x80, $0x38;
	[tilespmem:$0x15F00] =	vst v63  }
0x45: {  	s17 =	simm.s32 @!p0 $0xD  }
0x46: {  	_ =	swait.ge @!p0 [sflag:s17], $0x80  }
0x47: {  	[sflag:s17] =	ssyncset.done @!p0 $0x0  }
0x48: {  	s18 =	simm.s32 @!p0 $0x4E80;
	s19 =	rddreg [dreg:$0xe];
	[sflag:s17] =	ssyncadd.s32 @!p0 $0xFFFFFF80  }
0x49: {  	[tilespmem:s18], [sflag:$0xD] =	stream.linear.gather @!p0 [hbm4b:s19+s16], $0x80, $0x38;
	[tilespmem:$0x15F00] =	vst v63  }
0x4a: {  	_ =	swait.ge @!p0 [sflag:s17], $0x80  }
0x4b: {  	[sflag:s17] =	ssyncset.done @!p0 $0x0  }
0x4c: {  	[sflag:s17] =	ssyncadd.s32 @!p0 $0xFFFFFF80  }
0x4d: {  	[bflag:$0x0] =	sbarrier.arrive $0xFFFF  }
0x4e: {  	[tilespmem:s24], [sflag:$0x1] =	stream.indirect.gather [spmem:s2], $0x20, s4, s23, $0xb8;
	[tilespmem:$0x15F00] =	vst v63  }
0x4f: {  	_ = 	snop  }
0x50: {  	[tilespmem:s25], [sflag:$0x2] =	stream.indirect.gather [spmem:s2], $0x20, s23, s23, $0xb8;
	[tilespmem:$0x15F00] =	vst v63  }
0x51: {  	s17 =	simm.s32 $0x100  }
0x52: {  	[tilespmem:s28], [sflag:$0x3] =	stream.indirect.gather [spmem:s2], $0x20, s17, s23, $0xb8;
	[tilespmem:$0x15F00] =	vst v63  }
0x53: {  	s18 =	simm.s32 $0x180  }
0x54: {  	[tilespmem:s30], [sflag:$0x4] =	stream.indirect.gather [spmem:s2], $0x20, s18, s23, $0xb8;
	[tilespmem:$0x15F00] =	vst v63  }
0x55: {  	s19 =	simm.s32 $0x200  }
0x56: {  	[tilespmem:s1], [sflag:$0x5] =	stream.indirect.gather [spmem:s2], $0x20, s19, s23, $0xb8;
	[tilespmem:$0x15F00] =	vst v63  }
0x57: {  	s16 =	simm.s32 $0x280  }
0x58: {  	[tilespmem:s22], [sflag:$0x6] =	stream.indirect.gather [spmem:s2], $0x20, s16, s23, $0xb8;
	[tilespmem:$0x15F00] =	vst v63  }
0x59: {  	_ =	swait.ge [sflag:s26], $0x1000  }
0x5a: {  	[sflag:s26] =	ssyncset.done $0x0  }
0x5b: {  	s17 =	simm.s32 $0x2780;
	[sflag:s26] =	ssyncadd.s32 $0xFFFFF000  }
0x5c: {  	[spmem:s3] =	stream.indirect.scatter.add.f32 [tilespmem:s24], [sflag:$0x7], $0x20, s17, s23, $0xb8;
	[tilespmem:$0x15F00] =	vst v63  }
0x5d: {  	_ =	swait.ge [sflag:s29], $0x1000  }
0x5e: {  	[sflag:s29] =	ssyncset.done $0x0  }
0x5f: {  	s18 =	simm.s32 $0x2800;
	[sflag:s29] =	ssyncadd.s32 $0xFFFFF000  }
0x60: {  	[spmem:s3] =	stream.indirect.scatter.add.f32 [tilespmem:s25], [sflag:$0x8], $0x20, s18, s23, $0xb8;
	[tilespmem:$0x15F00] =	vst v63  }
0x61: {  	_ =	swait.ge [sflag:s31], $0x1000  }
0x62: {  	[sflag:s31] =	ssyncset.done $0x0  }
0x63: {  	s19 =	simm.s32 $0x2880;
	[sflag:s31] =	ssyncadd.s32 $0xFFFFF000  }
0x64: {  	[spmem:s3] =	stream.indirect.scatter.add.f32 [tilespmem:s28], [sflag:$0x9], $0x20, s19, s23, $0xb8;
	[tilespmem:$0x15F00] =	vst v63  }
0x65: {  	_ =	swait.ge [sflag:s0], $0x1000  }
0x66: {  	[sflag:s0] =	ssyncset.done $0x0  }
0x67: {  	s4 =	simm.s32 $0x2900;
	[sflag:s0] =	ssyncadd.s32 $0xFFFFF000  }
0x68: {  	[spmem:s3] =	stream.indirect.scatter.add.f32 [tilespmem:s30], [sflag:$0xA], $0x20, s4, s23, $0xb8;
	[tilespmem:$0x15F00] =	vst v63  }
0x69: {  	_ =	swait.ge [sflag:s5], $0x1000  }
0x6a: {  	[sflag:s5] =	ssyncset.done $0x0  }
0x6b: {  	s17 =	simm.s32 $0x2980;
	[sflag:s5] =	ssyncadd.s32 $0xFFFFF000  }
0x6c: {  	[spmem:s3] =	stream.indirect.scatter.add.f32 [tilespmem:s1], [sflag:$0xB], $0x20, s17, s23, $0xb8;
	[tilespmem:$0x15F00] =	vst v63  }
0x6d: {  	_ =	swait.ge [sflag:s6], $0x1000  }
0x6e: {  	[sflag:s6] =	ssyncset.done $0x0  }
0x6f: {  	s18 =	simm.s32 $0x2A00;
	[sflag:s6] =	ssyncadd.s32 $0xFFFFF000  }
0x70: {  	[spmem:s3] =	stream.indirect.scatter.add.f32 [tilespmem:s22], [sflag:$0xC], $0x20, s18, s23, $0xb8;
	[tilespmem:$0x15F00] =	vst v63  }
0x71: {  	_ =	swait.ge [sflag:s9], $0x1000  }
0x72: {  	[sflag:s9] =	ssyncset.done $0x0  }
0x73: {  	s19 =	simm.s32 $0x300;
	[sflag:s9] =	ssyncadd.s32 $0xFFFFF000  }
0x74: {  	[tilespmem:s24], [sflag:$0x1] =	stream.indirect.gather [spmem:s2], $0x20, s19, s23, $0xb8;
	[tilespmem:$0x15F00] =	vst v63  }
0x75: {  	_ =	swait.ge [sflag:s10], $0x1000  }
0x76: {  	[sflag:s10] =	ssyncset.done $0x0  }
0x77: {  	s4 =	simm.s32 $0x380;
	[sflag:s10] =	ssyncadd.s32 $0xFFFFF000  }
0x78: {  	[tilespmem:s25], [sflag:$0x2] =	stream.indirect.gather [spmem:s2], $0x20, s4, s23, $0xb8;
	[tilespmem:$0x15F00] =	vst v63  }
0x79: {  	_ =	swait.ge [sflag:s11], $0x1000  }
0x7a: {  	[sflag:s11] =	ssyncset.done $0x0  }
0x7b: {  	s17 =	simm.s32 $0x400;
	[sflag:s11] =	ssyncadd.s32 $0xFFFFF000  }
0x7c: {  	[tilespmem:s28], [sflag:$0x3] =	stream.indirect.gather [spmem:s2], $0x20, s17, s23, $0xb8;
	[tilespmem:$0x15F00] =	vst v63  }
0x7d: {  	_ =	swait.ge [sflag:s12], $0x1000  }
0x7e: {  	[sflag:s12] =	ssyncset.done $0x0  }
0x7f: {  	s18 =	simm.s32 $0x480;
	[sflag:s12] =	ssyncadd.s32 $0xFFFFF000  }
0x80: {  	[tilespmem:s30], [sflag:$0x4] =	stream.indirect.gather [spmem:s2], $0x20, s18, s23, $0xb8;
	[tilespmem:$0x15F00] =	vst v63  }
0x81: {  	_ =	swait.ge [sflag:s13], $0x1000  }
0x82: {  	[sflag:s13] =	ssyncset.done $0x0  }
0x83: {  	s19 =	simm.s32 $0x500;
	[sflag:s13] =	ssyncadd.s32 $0xFFFFF000  }
0x84: {  	[tilespmem:s1], [sflag:$0x5] =	stream.indirect.gather [spmem:s2], $0x20, s19, s23, $0xb8;
	[tilespmem:$0x15F00] =	vst v63  }
0x85: {  	s16 =	simm.s32 @!p0 $0x4E;
	_ =	swait.ge [sflag:s14], $0x1000  }
0x86: {  	s16 =	simm.s32 @p0 $0x4D;
	s17 =	simm.s32 $0x11;
	[sflag:s14] =	ssyncset.done $0x0  }
0x87: {  	s18 =	simm.s32 $0xC00;
	s19 =	simm.s32 $0x580;
	[sflag:s14] =	ssyncadd.s32 $0xFFFFF000  }
.LBB2_2:
0x88: {  	[tilespmem:s22], [sflag:$0x6] =	stream.indirect.gather [spmem:s2], $0x20, s19, s23, $0xb8;
	[tilespmem:$0x15F00] =	vst v63  }
0x89: {  	s19 =	smov.u32 s18;
	s18 =	sadd.s32 $0xC00, s18;
	_ =	swait.ge [sflag:s26], $0x1000  }
0x8a: {  	s19 =	sshra.s32 s19, $0x2;
	p1 =	sne.s32 s18, $0x9000;
	[sflag:s26] =	ssyncset.done $0x0  }
0x8b: {  	s4 =	sadd.s32 $0x2780, s19;
	[sflag:s26] =	ssyncadd.s32 $0xFFFFF000  }
0x8c: {  	[spmem:s3] =	stream.indirect.scatter.add.f32 [tilespmem:s24], [sflag:$0x7], $0x20, s4, s23, $0xb8;
	[tilespmem:$0x15F00] =	vst v63  }
0x8d: {  	_ =	swait.ge [sflag:s29], $0x1000  }
0x8e: {  	[sflag:s29] =	ssyncset.done $0x0  }
0x8f: {  	s4 =	sadd.s32 $0x2800, s19;
	[sflag:s29] =	ssyncadd.s32 $0xFFFFF000  }
0x90: {  	[spmem:s3] =	stream.indirect.scatter.add.f32 [tilespmem:s25], [sflag:$0x8], $0x20, s4, s23, $0xb8;
	[tilespmem:$0x15F00] =	vst v63  }
0x91: {  	_ =	swait.ge [sflag:s31], $0x1000  }
0x92: {  	[sflag:s31] =	ssyncset.done $0x0  }
0x93: {  	s4 =	sadd.s32 $0x2880, s19;
	[sflag:s31] =	ssyncadd.s32 $0xFFFFF000  }
0x94: {  	[spmem:s3] =	stream.indirect.scatter.add.f32 [tilespmem:s28], [sflag:$0x9], $0x20, s4, s23, $0xb8;
	[tilespmem:$0x15F00] =	vst v63  }
0x95: {  	_ =	swait.ge [sflag:s0], $0x1000  }
0x96: {  	[sflag:s0] =	ssyncset.done $0x0  }
0x97: {  	s4 =	sadd.s32 $0x2900, s19;
	[sflag:s0] =	ssyncadd.s32 $0xFFFFF000  }
0x98: {  	[spmem:s3] =	stream.indirect.scatter.add.f32 [tilespmem:s30], [sflag:$0xA], $0x20, s4, s23, $0xb8;
	[tilespmem:$0x15F00] =	vst v63  }
0x99: {  	_ =	swait.ge [sflag:s5], $0x1000  }
0x9a: {  	[sflag:s5] =	ssyncset.done $0x0  }
0x9b: {  	s4 =	sadd.s32 $0x2980, s19;
	[sflag:s5] =	ssyncadd.s32 $0xFFFFF000  }
0x9c: {  	[spmem:s3] =	stream.indirect.scatter.add.f32 [tilespmem:s1], [sflag:$0xB], $0x20, s4, s23, $0xb8;
	[tilespmem:$0x15F00] =	vst v63  }
0x9d: {  	_ =	swait.ge [sflag:s6], $0x1000  }
0x9e: {  	[sflag:s6] =	ssyncset.done $0x0  }
0x9f: {  	s4 =	sadd.s32 $0x2A00, s19;
	[sflag:s6] =	ssyncadd.s32 $0xFFFFF000  }
0xa0: {  	[spmem:s3] =	stream.indirect.scatter.add.f32 [tilespmem:s22], [sflag:$0xC], $0x20, s4, s23, $0xb8;
	[tilespmem:$0x15F00] =	vst v63  }
0xa1: {  	_ =	swait.ge [sflag:s9], $0x1000  }
0xa2: {  	[sflag:s9] =	ssyncset.done $0x0  }
0xa3: {  	s4 =	sadd.s32 $0x300, s19;
	[sflag:s9] =	ssyncadd.s32 $0xFFFFF000  }
0xa4: {  	[tilespmem:s24], [sflag:$0x1] =	stream.indirect.gather [spmem:s2], $0x20, s4, s23, $0xb8;
	[tilespmem:$0x15F00] =	vst v63  }
0xa5: {  	_ =	swait.ge [sflag:s10], $0x1000  }
0xa6: {  	[sflag:s10] =	ssyncset.done $0x0  }
0xa7: {  	s4 =	sadd.s32 $0x380, s19;
	[sflag:s10] =	ssyncadd.s32 $0xFFFFF000  }
0xa8: {  	[tilespmem:s25], [sflag:$0x2] =	stream.indirect.gather [spmem:s2], $0x20, s4, s23, $0xb8;
	[tilespmem:$0x15F00] =	vst v63  }
0xa9: {  	_ =	swait.ge [sflag:s11], $0x1000  }
0xaa: {  	[sflag:s11] =	ssyncset.done $0x0  }
0xab: {  	s4 =	sadd.s32 $0x400, s19;
	[sflag:s11] =	ssyncadd.s32 $0xFFFFF000  }
0xac: {  	[tilespmem:s28], [sflag:$0x3] =	stream.indirect.gather [spmem:s2], $0x20, s4, s23, $0xb8;
	[tilespmem:$0x15F00] =	vst v63  }
0xad: {  	_ =	swait.ge [sflag:s12], $0x1000  }
0xae: {  	[sflag:s12] =	ssyncset.done $0x0  }
0xaf: {  	s4 =	sadd.s32 $0x480, s19;
	[sflag:s12] =	ssyncadd.s32 $0xFFFFF000  }
0xb0: {  	[tilespmem:s30], [sflag:$0x4] =	stream.indirect.gather [spmem:s2], $0x20, s4, s23, $0xb8;
	[tilespmem:$0x15F00] =	vst v63  }
0xb1: {  	_ =	swait.ge [sflag:s13], $0x1000  }
0xb2: {  	[sflag:s13] =	ssyncset.done $0x0  }
.Ltmp0:
0xb3: {  	s4 =	sadd.s32 $0x500, s19;
	[sflag:s13] =	ssyncadd.s32 $0xFFFFF000;
	(pc) =	sbr.rel @p1 .LBB2_2-.Ltmp0, $4  }
0xb4: {  	[tilespmem:s1], [sflag:$0x5] =	stream.indirect.gather [spmem:s2], $0x20, s4, s23, $0xb8;
	[tilespmem:$0x15F00] =	vst v63  }
0xb5: {  	_ =	swait.ge [sflag:s14], $0x1000  }
0xb6: {  	[sflag:s14] =	ssyncset.done $0x0  }
0xb7: {  	s17 =	sadd.s32 $0x6, s17;
	s19 =	sadd.s32 $0x580, s19;
	[sflag:s14] =	ssyncadd.s32 $0xFFFFF000  }
0xb8: {  	[tilespmem:s22], [sflag:$0x6] =	stream.indirect.gather [spmem:s2], $0x20, s19, s23, $0xb8;
	[tilespmem:$0x15F00] =	vst v63  }
0xb9: {  	_ =	swait.ge [sflag:s26], $0x1000  }
0xba: {  	s4 =	sshra.s32 s18, $0x2;
	[sflag:s26] =	ssyncset.done $0x0  }
0xbb: {  	s18 =	sadd.s32 $0x2780, s4;
	[sflag:s26] =	ssyncadd.s32 $0xFFFFF000  }
0xbc: {  	[spmem:s3] =	stream.indirect.scatter.add.f32 [tilespmem:s24], [sflag:$0x7], $0x20, s18, s23, $0xb8;
	[tilespmem:$0x15F00] =	vst v63  }
0xbd: {  	_ =	swait.ge [sflag:s29], $0x1000  }
0xbe: {  	[sflag:s29] =	ssyncset.done $0x0  }
0xbf: {  	s19 =	sadd.s32 $0x2800, s4;
	[sflag:s29] =	ssyncadd.s32 $0xFFFFF000  }
0xc0: {  	[spmem:s3] =	stream.indirect.scatter.add.f32 [tilespmem:s25], [sflag:$0x8], $0x20, s19, s23, $0xb8;
	[tilespmem:$0x15F00] =	vst v63  }
0xc1: {  	_ =	swait.ge [sflag:s31], $0x1000  }
0xc2: {  	[sflag:s31] =	ssyncset.done $0x0  }
0xc3: {  	s19 =	sadd.s32 $0x2880, s4;
	[sflag:s31] =	ssyncadd.s32 $0xFFFFF000  }
0xc4: {  	[spmem:s3] =	stream.indirect.scatter.add.f32 [tilespmem:s28], [sflag:$0x9], $0x20, s19, s23, $0xb8;
	[tilespmem:$0x15F00] =	vst v63  }
0xc5: {  	_ =	swait.ge [sflag:s0], $0x1000  }
0xc6: {  	[sflag:s0] =	ssyncset.done $0x0  }
0xc7: {  	s19 =	sadd.s32 $0x2900, s4;
	[sflag:s0] =	ssyncadd.s32 $0xFFFFF000  }
0xc8: {  	[spmem:s3] =	stream.indirect.scatter.add.f32 [tilespmem:s30], [sflag:$0xA], $0x20, s19, s23, $0xb8;
	[tilespmem:$0x15F00] =	vst v63  }
0xc9: {  	_ =	swait.ge [sflag:s5], $0x1000  }
0xca: {  	[sflag:s5] =	ssyncset.done $0x0  }
0xcb: {  	s19 =	sadd.s32 $0x2980, s4;
	[sflag:s5] =	ssyncadd.s32 $0xFFFFF000  }
0xcc: {  	[spmem:s3] =	stream.indirect.scatter.add.f32 [tilespmem:s1], [sflag:$0xB], $0x20, s19, s23, $0xb8;
	[tilespmem:$0x15F00] =	vst v63  }
0xcd: {  	_ =	swait.ge [sflag:s6], $0x1000  }
0xce: {  	[sflag:s6] =	ssyncset.done $0x0  }
0xcf: {  	s4 =	sadd.s32 $0x2A00, s4;
	[sflag:s6] =	ssyncadd.s32 $0xFFFFF000  }
0xd0: {  	[spmem:s3] =	stream.indirect.scatter.add.f32 [tilespmem:s22], [sflag:$0xC], $0x20, s4, s23, $0xb8;
	[tilespmem:$0x15F00] =	vst v63  }
0xd1: {  	_ =	swait.ge [sflag:s9], $0x1000  }
0xd2: {  	[sflag:s9] =	ssyncset.done $0x0  }
0xd3: {  	s18 =	sshll.u32 s16, $0x7;
	[sflag:s9] =	ssyncadd.s32 $0xFFFFF000  }
0xd4: {  	[tilespmem:s24], [sflag:$0x1] =	stream.indirect.gather [spmem:s2], $0x20, s18, s23, $0xb8;
	[tilespmem:$0x15F00] =	vst v63  }
0xd5: {  	_ =	swait.ge [sflag:s10], $0x1000  }
0xd6: {  	[sflag:s10] =	ssyncset.done $0x0  }
0xd7: {  	[sflag:s10] =	ssyncadd.s32 $0xFFFFF000  }
0xd8: {  	[tilespmem:s25], [sflag:$0x2] =	stream.indirect.gather [spmem:s2], $0x20, s18, s23, $0xb8;
	[tilespmem:$0x15F00] =	vst v63  }
0xd9: {  	s19 =	sadd.s32 $0xFFFFFFFD, s17;
	_ =	swait.ge [sflag:s11], $0x1000  }
0xda: {  	s4 =	smin.u32 s19, s16;
	[sflag:s11] =	ssyncset.done $0x0  }
0xdb: {  	s4 =	sshll.u32 s4, $0x7;
	[sflag:s11] =	ssyncadd.s32 $0xFFFFF000  }
0xdc: {  	[tilespmem:s28], [sflag:$0x3] =	stream.indirect.gather [spmem:s2], $0x20, s4, s23, $0xb8;
	[tilespmem:$0x15F00] =	vst v63  }
0xdd: {  	s18 =	sadd.s32 $0xFFFFFFFE, s17;
	_ =	swait.ge [sflag:s12], $0x1000  }
0xde: {  	s4 =	smin.u32 s18, s16;
	[sflag:s12] =	ssyncset.done $0x0  }
0xdf: {  	s4 =	sshll.u32 s4, $0x7;
	[sflag:s12] =	ssyncadd.s32 $0xFFFFF000  }
0xe0: {  	[tilespmem:s30], [sflag:$0x4] =	stream.indirect.gather [spmem:s2], $0x20, s4, s23, $0xb8;
	[tilespmem:$0x15F00] =	vst v63  }
0xe1: {  	s19 =	sadd.s32 $0xFFFFFFFF, s17;
	_ =	swait.ge [sflag:s13], $0x1000  }
0xe2: {  	s4 =	smin.u32 s19, s16;
	[sflag:s13] =	ssyncset.done $0x0  }
0xe3: {  	s4 =	sshll.u32 s4, $0x7;
	[sflag:s13] =	ssyncadd.s32 $0xFFFFF000  }
0xe4: {  	[tilespmem:s1], [sflag:$0x5] =	stream.indirect.gather [spmem:s2], $0x20, s4, s23, $0xb8;
	[tilespmem:$0x15F00] =	vst v63  }
0xe5: {  	_ =	swait.ge [sflag:s14], $0x1000  }
0xe6: {  	s16 =	smin.u32 s17, s16;
	[sflag:s14] =	ssyncset.done $0x0  }
0xe7: {  	s4 =	sshll.u32 s16, $0x7;
	[sflag:s14] =	ssyncadd.s32 $0xFFFFF000  }
0xe8: {  	[tilespmem:s22], [sflag:$0x6] =	stream.indirect.gather [spmem:s2], $0x20, s4, s23, $0xb8;
	[tilespmem:$0x15F00] =	vst v63  }
0xe9: {  	_ =	swait.ge [sflag:s26], $0x1000  }
0xea: {  	s17 =	simm.s32 @!p0 $0x4F00;
	[sflag:s26] =	ssyncset.done $0x0  }
0xeb: {  	s16 =	simm.s32 @!p0 $0x4E80;
	s4 =	simm.s32 @!p0 $0x80;
	[sflag:s26] =	ssyncadd.s32 $0xFFFFF000  }
0xec: {  	[spmem:s3] =	stream.indirect.scatter.add.f32 @!p0 [tilespmem:s17], [sflag:$0x7], $0x20, s16, s4, $0xb8;
	[tilespmem:$0x15F00] =	vst v63  }
0xed: {  	s4 =	simm.s32 @!p0 $0x7  }
0xee: {  	_ =	swait.ge @!p0 [sflag:s4], $0x1000  }
0xef: {  	[sflag:s4] =	ssyncset.done @!p0 $0x0  }
0xf0: {  	[sflag:s4] =	ssyncadd.s32 @!p0 $0xFFFFF000  }
0xf1: {  	_ =	swait.ge [sflag:s29], $0x1000  }
0xf2: {  	[sflag:s29] =	ssyncset.done $0x0  }
0xf3: {  	[sflag:s29] =	ssyncadd.s32 $0xFFFFF000  }
0xf4: {  	_ =	swait.ge [sflag:s31], $0x1000  }
0xf5: {  	[sflag:s31] =	ssyncset.done $0x0  }
0xf6: {  	[sflag:s31] =	ssyncadd.s32 $0xFFFFF000  }
0xf7: {  	_ =	swait.ge [sflag:s0], $0x1000  }
0xf8: {  	[sflag:s0] =	ssyncset.done $0x0  }
0xf9: {  	[sflag:s0] =	ssyncadd.s32 $0xFFFFF000  }
0xfa: {  	_ =	swait.ge [sflag:s5], $0x1000  }
0xfb: {  	[sflag:s5] =	ssyncset.done $0x0  }
0xfc: {  	[sflag:s5] =	ssyncadd.s32 $0xFFFFF000  }
0xfd: {  	_ =	swait.ge [sflag:s6], $0x1000  }
0xfe: {  	[sflag:s6] =	ssyncset.done $0x0  }
0xff: {  	[sflag:s6] =	ssyncadd.s32 $0xFFFFF000  }
0x100: {  	[bflag:$0x0] =	sbarrier.arrive $0xFFFF  }
0x101: {  	s17 =	sshrl.u32 s8, $0x3;
	s18 =	rddreg [dreg:$0xf]  }
0x102: {  	[hbm:s18], [sflag:s7] =	dma.local [spmem:s17], $0xA00  }
0x103: {  	_ =	swait.ge [sflag:s20], $0xA00  }
0x104: {  	s15 =	sadd.s32 $0x1, s15;
	s19 =	rddreg [dreg:$0x10]  }
0x105: {  	p1 =	sne.s32 s15, s19  }
.Ltmp1:
0x106: {  	_ = 	snop;
	(pc) =	sbr.rel @p1 .LBB2_1-.Ltmp1, $3  }
0x107: {  	_ =	sdelay $0x1  }
0x108: {  	[sflag:s20] =	ssyncset.done $0x0  }
0x109: {  	[sflag:s20] =	ssyncadd.s32 $0xFFFFF600  }
0x10a: {  	_ =	sfence.sel $0x180000  }
0x10b: {  	[bflag:$0x0] =	sbarrier.arrive $0xFFFF  }
0x10c: {  	_ =	strace $0x9000004A  }
0x10d: {  	s0 =	stileid.u32;
	[bflag:$0x2] =	sbarrier.arrive $0xFFFF  }
0x10e: {  	p0 =	sne.s32 s0, $0x0;
	s0 =	rddreg [dreg:$0x4]  }
0x10f: {  	s0 =	sadd.s32 @!p0 $0x100000, s0  }
0x110: {  	[sflag:s0] =	ssyncadd.tile.s32 @!p0 $0x1;
	_ =	shalt  }
.Lfunc_end2:
_tile_overlayer_lowered:
.L_overlay_start_2:
0x111: {  	(tag) =	ssettag $0x2  }
0x112: {  	s0 =	rddreg [dreg:$0x0];
	s2 =	stileid.u32  }
0x113: {  	s1 =	rddreg [dreg:$0x1];
	p0 =	sne.s32 s2, $0x0  }
0x114: {  	s3 =	rddreg [dreg:$0x2];
	[bflag:$0x3] =	sbarrier.arrive $0xFFFF;
	s2 =	simm.s32 @!p0 $0x1C0D  }
0x115: {  	[timem:s3], [sflag:s2] =	dma.local @!p0 [hbm:s0], s1  }
0x116: {  	s0 =	simm.s32 @!p0 $0xD  }
0x117: {  	_ =	swait.ge @!p0 [sflag:s0], s1  }
0x118: {  	s1 =	ssub.s32 @!p0 $0x0, s1;
	[sflag:s0] =	ssyncset.done @!p0 $0x0  }
0x119: {  	[sflag:s0] =	ssyncadd.s32 @!p0 s1  }
0x11a: {  	[bflag:$0x3] =	sbarrier.arrive $0xFFFF  }
0x11b: {  	_ =	shalt  }

// kernel: kernel.14.cloned.1.call-start
scs
__scs_entry_jumppad:
0x0: {  	(pc) =	sbr.rel $0x88, $3  }
0x1: {  	(tag) =	ssettag $0x0;
	lr =	simm.s32 $0x1  }
0x2: {  	[smem:$0x3F9B] =	sst lr;
	_ =	strace $0xD0000000  }
0x3: {  	_ = 	snop  }
0x4: {  	_ = 	snop  }
0x5: {  	_ = 	snop  }
0x6: {  	_ = 	snop  }
0x7: {  	_ = 	snop  }
__scs_overlays_trampoline_lowered:
0x8: {  	[smem:$0x3FAA] =	sst s0  }
0x9: {  	[smem:$0x3FAB] =	sst s1  }
0xa: {  	[smem:$0x3FAC] =	sst s2  }
0xb: {  	[smem:$0x3FAD] =	sst s3  }
0xc: {  	[smem:$0x3FAE] =	sst s4  }
0xd: {  	[smem:$0x3FAF] =	sst s5  }
0xe: {  	[smem:$0x3FB0] =	sst s6  }
0xf: {  	[smem:$0x3FB1] =	sst s7  }
0x10: {  	[smem:$0x3FB2] =	sst s8  }
0x11: {  	[smem:$0x3FB3] =	sst s9;
	s0 =	simm.s32 @!p0 $0x0  }
0x12: {  	s1 =	sld [smem:$0x3F99];
	s0 =	simm.s32 @p0 $0x1  }
0x13: {  	[smem:$0x3FB4] =	sst s0;
	s0 =	simm.s32 @!p1 $0x0  }
0x14: {  	s2 =	sld [smem:$0x3F98];
	s0 =	simm.s32 @p1 $0x1  }
0x15: {  	[smem:$0x3FB5] =	sst s0;
	s0 =	simm.s32 @!p2 $0x0  }
0x16: {  	s3 =	sld [smem:$0x3FDB];
	s0 =	simm.s32 @p2 $0x1  }
0x17: {  	s4 =	simm.s32 $0x1BF5;
	[smem:$0x3FB7] =	sst s0  }
0x18: {  	s0 =	sld [smem:$0x3F9A];
	_ =	swait.ge [sflag:s4], $0x0  }
0x19: {  	s7 =	sld [smem:$0x3F9B]  }
0x1a: {  	s8 =	sadd.s32 $0xFFFFE003, lr  }
0x1b: {  	s9 =	sadd.s32 $0xFFFFFEF7, lr;
	s5 =	simm.s32 $0xFFFFFFFF;
	p2 =	slt.u32 s8, $0xFFFFF086  }
0x1c: {  	p1 =	slt.u32 s9, $0xF7A;
	s5 =	simm.s32 @!p2 $0x0  }
0x1d: {  	s5 =	simm.s32 @p1 $0x1;
	p0 =	seq.s32 s7, s2  }
0x1e: {  	s7 =	smul.u32 @!p0 $0xF7A, s2;
	p2 =	seq.s32 @!p0 s5, $0x0  }
0x1f: {  	s9 =	smul.u32 $0xF7A, s1;
	s8 =	simm.s32 @!p0 $0x1BF5;
	p2 =	por !p2, p0  }
0x20: {  	[sflag:s8] =	ssyncset.s32 @!p0 $0xFFFFF086;
	s6 =	sadd.s32 @!p0 s3, s7;
	s7 =	simm.s32 @!p0 $0x108  }
0x21: {  	s3 =	sadd.s32 s3, s9;
	s6 =	sadd.s32 @!p0 $0x88, s6;
	s7 =	simm.s32 @p2 $0x1082  }
0x22: {  	[simem:s7], [sflag:s8] =	dma.local @!p0 [hbm:s6], $0xF7A  }
0x23: {  	s9 =	sor.u32 $0xD0000000, s2;
	s6 =	simm.s32 $0x108;
	_ =	swait.ge @!p0 [sflag:s8], $0x0  }
0x24: {  	s3 =	sadd.s32 $0x88, s3;
	s6 =	simm.s32 @!p1 $0x1082;
	[sflag:s4] =	ssyncset.s32 $0xFFFFF086  }
0x25: {  	[simem:s6], [sflag:s4] =	dma.local [hbm:s3], $0xF7A  }
0x26: {  	[smem:$0x3F9B] =	sst s1;
	(tag) =	ssettag s2;
	_ =	strace s9  }
0x27: {  	s1 =	sld [smem:$0x3FAB]  }
0x28: {  	s2 =	sld [smem:$0x3FAC]  }
0x29: {  	s4 =	sld [smem:$0x3FAE]  }
0x2a: {  	p0 =	seq.s32 s5, $0x0;
	s5 =	sld [smem:$0x3FAF]  }
0x2b: {  	s6 =	sld [smem:$0x3FB0]  }
0x2c: {  	s7 =	sld [smem:$0x3FB1]  }
0x2d: {  	s3 =	simm.s32 $0x108;
	s8 =	sld [smem:$0x3FB2]  }
0x2e: {  	s3 =	simm.s32 @!p0 $0x1082;
	s9 =	sld [smem:$0x3FB3]  }
0x2f: {  	lr =	sadd.s32 s0, s3;
	s0 =	sld [smem:$0x3FAA]  }
0x30: {  	s3 =	sld [smem:$0x3FAD]  }
0x31: {  	[smem:$0x3FB6] =	sst s10  }
0x32: {  	s10 =	sld [smem:$0x3FB4];
	_ =	sdelay $0x3  }
0x33: {  	p0 =	seq.s32 s10, $0x1;
	s10 =	sld [smem:$0x3FB6];
	_ =	sdelay $0x3  }
0x34: {  	[smem:$0x3FB6] =	sst s10  }
0x35: {  	s10 =	sld [smem:$0x3FB5];
	_ =	sdelay $0x3  }
0x36: {  	p1 =	seq.s32 s10, $0x1;
	s10 =	sld [smem:$0x3FB6];
	_ =	sdelay $0x3  }
0x37: {  	[smem:$0x3FB6] =	sst s10  }
0x38: {  	s10 =	sld [smem:$0x3FB7]  }
0x39: {  	_ = 	snop;
	(pc) =	sbr.ind lr, $3  }
0x3a: {  	_ = 	snop  }
0x3b: {  	_ = 	snop  }
0x3c: {  	p2 =	seq.s32 s10, $0x1;
	s10 =	sld [smem:$0x3FB6]  }
0x3d: {  	_ =	shalt  }
0x3e: {  	_ =	shalt  }
0x3f: {  	_ =	shalt  }
0x40: {  	_ =	shalt  }
0x41: {  	_ =	shalt  }
0x42: {  	_ =	shalt  }
0x43: {  	_ =	shalt  }
0x44: {  	_ =	shalt  }
0x45: {  	_ =	shalt  }
0x46: {  	_ =	shalt  }
0x47: {  	_ =	shalt  }
0x48: {  	_ =	shalt  }
0x49: {  	_ =	shalt  }
0x4a: {  	_ =	shalt  }
0x4b: {  	_ =	shalt  }
0x4c: {  	_ =	shalt  }
0x4d: {  	_ =	shalt  }
0x4e: {  	_ =	shalt  }
0x4f: {  	_ =	shalt  }
0x50: {  	_ =	shalt  }
0x51: {  	_ =	shalt  }
0x52: {  	_ =	shalt  }
0x53: {  	_ =	shalt  }
0x54: {  	_ =	shalt  }
0x55: {  	_ =	shalt  }
0x56: {  	_ =	shalt  }
0x57: {  	_ =	shalt  }
0x58: {  	_ =	shalt  }
0x59: {  	_ =	shalt  }
0x5a: {  	_ =	shalt  }
0x5b: {  	_ =	shalt  }
0x5c: {  	_ =	shalt  }
0x5d: {  	_ =	shalt  }
0x5e: {  	_ =	shalt  }
0x5f: {  	_ =	shalt  }
0x60: {  	_ =	shalt  }
0x61: {  	_ =	shalt  }
0x62: {  	_ =	shalt  }
0x63: {  	_ =	shalt  }
0x64: {  	_ =	shalt  }
0x65: {  	_ =	shalt  }
0x66: {  	_ =	shalt  }
0x67: {  	_ =	shalt  }
0x68: {  	_ =	shalt  }
0x69: {  	_ =	shalt  }
0x6a: {  	_ =	shalt  }
0x6b: {  	_ =	shalt  }
0x6c: {  	_ =	shalt  }
0x6d: {  	_ =	shalt  }
0x6e: {  	_ =	shalt  }
0x6f: {  	_ =	shalt  }
0x70: {  	_ =	shalt  }
0x71: {  	_ =	shalt  }
0x72: {  	_ =	shalt  }
0x73: {  	_ =	shalt  }
0x74: {  	_ =	shalt  }
0x75: {  	_ =	shalt  }
0x76: {  	_ =	shalt  }
0x77: {  	_ =	shalt  }
0x78: {  	_ =	shalt  }
0x79: {  	_ =	shalt  }
0x7a: {  	_ =	shalt  }
0x7b: {  	_ =	shalt  }
0x7c: {  	_ =	shalt  }
0x7d: {  	_ =	shalt  }
0x7e: {  	_ =	shalt  }
0x7f: {  	_ =	shalt  }
0x80: {  	_ =	shalt  }
0x81: {  	_ =	shalt  }
0x82: {  	_ =	shalt  }
0x83: {  	_ =	shalt  }
0x84: {  	_ =	shalt  }
0x85: {  	_ =	shalt  }
0x86: {  	_ =	shalt  }
0x87: {  	_ =	shalt  }
.Lfunc_end0:
.L_simem_size_0:
called_computation.2_lowered:
.L_overlay_start_0:
0x88: {  	s2 =	sld [smem:$0x3FD9]  }
0x89: {  	s3 =	sld [smem:$0x3FFE];
	_ =	sdelay $0x1  }
0x8a: {  	s1 =	srdreg.scid  }
0x8b: {  	s0 =	sand.u32 $0x1, s1  }
0x8c: {  	s17 =	sshll.u32 s0, $0xA;
	s2 =	sadd.s32 s3, s2  }
0x8d: {  	s2 =	sadd.s32 s2, s17  }
0x8e: {  	[smem:$0x3FC2] =	sst s2  }
0x8f: {  	_ = 	snop  }
0x90: {  	s2 =	sld [smem:$0x3FD0];
	(tm) =	ssettm $0x1  }
0x91: {  	s18 =	sld [smem:$0x3FFB];
	_ =	sdelay $0x3  }
0x92: {  	_ =	strace s18  }
0x93: {  	s3 =	sld [smem:$0x3FFC];
	_ =	sdelay $0x3  }
0x94: {  	_ =	strace s3  }
0x95: {  	s3 =	sld [smem:$0x3FFD];
	_ =	sdelay $0x3  }
0x96: {  	_ =	strace s3  }
0x97: {  	_ =	strace $0x8FFFFFFF  }
0x98: {  	s19 =	sld [smem:$0x3FDB];
	_ =	sdelay $0x1  }
0x99: {  	s4 =	simm.s32 $_scs_section_size  }
0x9a: {  	s5 =	simm.s32 $_size__tile_overlayer_lowered;
	s6 =	simm.s32 $_tile_overlayer_lowered  }
0x9b: {  	s22 =	simm.s32 $0x1BFF;
	s21 =	sshll.u32 s6, $0x1;
	s3 =	sadd.s32 s4, s19  }
0x9c: {  	s7 =	simm.s32 $0x0;
	s20 =	sshll.u32 s5, $0x1;
	s5 =	sadd.s32 s21, s3  }
0x9d: {  	[timem:s7], [sflag:s22] =	dma.local [hbm:s5], s20  }
0x9e: {  	_ =	swait.ge [sflag:s22], s20  }
0x9f: {  	s4 =	ssub.s32 $0x0, s20;
	[sflag:s22] =	ssyncset.done $0x0  }
0xa0: {  	[sflag:s22] =	ssyncadd.s32 s4;
	_ =	sdelay $0x1  }
0xa1: {  	s23 =	simm.s32 $0x1B8B  }
0xa2: {  	_ =	swait.ge [sflag:s23], $0x1  }
0xa3: {  	[sflag:s23] =	ssyncset.done $0x0  }
0xa4: {  	s25 =	simm.s32 $0x1B8E;
	s24 =	sld [smem:$0x3FFE];
	[sflag:s23] =	ssyncadd.s32 $0xFFFFFFFF  }
0xa5: {  	s26 =	simm.s32 $execute0_lowered;
	[smem:$0x3FD2] =	sst s25  }
0xa6: {  	s5 =	sshll.u32 s26, $0x1;
	_ =	strace $0x8000004C;
	[dreg:$0x1] =	wrdreg $0xFFFFFFFF  }
0xa7: {  	s28 =	simm.s32 $_size_execute0_lowered;
	s3 =	sadd.s32 s3, s5;
	[dreg:$0x0] =	wrdreg $0x0  }
0xa8: {  	s5 =	sshll.u32 s28, $0x1;
	[dreg:$0x2] =	wrdreg s3  }
0xa9: {  	[dreg:$0x3] =	wrdreg s5  }
0xaa: {  	[dreg:$0x4] =	wrdreg $0xC0  }
0xab: {  	_ =	task [dreg:s7], $0x5FFFF  }
0xac: {  	[dreg:$0x1] =	wrdreg $0xFFFFFFFF  }
0xad: {  	[dreg:$0x0] =	wrdreg $0x60  }
0xae: {  	[dreg:$0x2] =	wrdreg s24  }
0xaf: {  	[dreg:$0x3] =	wrdreg s2  }
0xb0: {  	[dreg:$0x4] =	wrdreg $0x10F000  }
0xb1: {  	[dreg:$0x5] =	wrdreg $0xBF000  }
0xb2: {  	[dreg:$0x6] =	wrdreg $0x9  }
0xb3: {  	_ =	task.clear_ibuf [dreg:s7], $0x7FFFF;
	_ =	strace $0x9000004C  }
0xb4: {  	s29 =	simm.s32 $0x9;
	_ =	strace $0x8000004E  }
0xb5: {  	_ =	swait.ge [sflag:s29], $0x1  }
0xb6: {  	[sflag:s29] =	ssyncadd.s32 $0xFFFFFFFF  }
0xb7: {  	_ =	strace $0x9000004E  }
0xb8: {  	_ =	sfence  }
0xb9: {  	s30 =	sld [smem:$0x0];
	_ =	sdelay $0x2  }
0xba: {  	s31 =	sshll.u32 s1, $0xD;
	s1 =	sshrl.u32 s1, $0x2  }
0xbb: {  	s3 =	sand.u32 $0x4000, s31;
	s1 =	sadd.s32 s1, s30  }
0xbc: {  	s0 =	sor.u32 s3, s0;
	s1 =	sshll.u32 s1, $0x11  }
0xbd: {  	s0 =	sor.u32 s1, s0  }
0xbe: {  	s0 =	sadd.s32 $0x8F2B, s0  }
0xbf: {  	[sflag:s0] =	ssyncadd.remote.s32 $0x1  }
0xc0: {  	_ =	sfence.sel $0xFFFF  }
0xc1: {  	[dreg:$0x0] =	wrdreg $0xFFFFFFFF;
	(pc) =	sbr.abs _section_cstart, $3  }
0xc2: {  	[dreg:$0x1] =	wrdreg $0xFFFFFFFF  }
0xc3: {  	_ =	task.clear_ibuf [dreg:s7], $0x2FFFF;
	_ =	strace $0x9FFFFFFF  }
0xc4: {  	(tm) =	ssettm $0x7FFFFFFF  }
0xc5: {  	_ =	shalt  }
tec
execute0_lowered:
.L_overlay_start_1:
0x0: {  	(tag) =	ssettag $0x1  }
0x1: {  	s0 =	rddreg [dreg:$0x0]  }
0x2: {  	s5 =	rddreg [dreg:$0x1]  }
0x3: {  	s1 =	srdreg.scid;
	s2 =	rddreg [dreg:$0x2]  }
0x4: {  	s13 =	stileid.u32;
	s3 =	rddreg [dreg:$0x3];
	s24 =	simm.s32 $0x0  }
0x5: {  	s28 =	simm.s32 $0x6F00;
	s30 =	simm.s32 $0x7F00;
	s29 =	simm.s32 $0x2  }
0x6: {  	s31 =	simm.s32 $0x3;
	s1 =	sand.u32 $0x1, s1;
	s6 =	smul.u32 $0x5000, s13  }
0x7: {  	[smem:$0x7FF] =	sst s24;
	s12 =	smul.u32 $0x14000, s13;
	s16 =	sshll.u32 s13, $0x6  }
0x8: {  	s4 =	sshll.u32 s1, $0x4;
	_ =	strace $0x8000004D;
	s26 =	ssub.s32 $0x2, s1  }
0x9: {  	s1 =	smul.u32 $0x50000, s1;
	s9 =	sor.u32 s13, s4;
	s10 =	sshrl.u32 s6, $0x3  }
0xa: {  	s4 =	sshrl.u32 s26, $0x1;
	s14 =	sadd.s32 s6, s2;
	s17 =	sshrl.u32 s12, $0x2  }
0xb: {  	s13 =	simm.s32 $0xB;
	s7 =	smul.u32 $0x4E, s9;
	s8 =	smin.u32 s9, $0x4  }
0xc: {  	s25 =	sadd.s32 s10, s0;
	s10 =	ssub.s32 s26, s4;
	s12 =	sadd.s32 s17, s3  }
0xd: {  	s1 =	sadd.s32 s6, s1;
	p0 =	sgt.u32 s9, $0x3;
	s26 =	sshrl.u32 s14, $0x3  }
0xe: {  	s9 =	simm.s32 $0x7;
	s15 =	sadd.s32 $0x15800, s25;
	[dreg:$0x11] =	wrdreg s26  }
0xf: {  	s14 =	simm.s32 $0xC;
	s18 =	sadd.s32 $0x1000, s12;
	[dreg:$0x6] =	wrdreg s15  }
0x10: {  	s19 =	sadd.s32 $0x2000, s12;
	s20 =	sadd.s32 $0x3000, s12;
	[dreg:$0x7] =	wrdreg s18  }
0x11: {  	s21 =	sadd.s32 $0x4000, s12;
	s1 =	sshrl.u32 s1, $0x3;
	[dreg:$0x8] =	wrdreg s19  }
0x12: {  	s26 =	simm.s32 $0x1;
	s12 =	simm.s32 $0xA;
	[dreg:$0x9] =	wrdreg s20  }
0x13: {  	s7 =	sadd.s32 s8, s7;
	s8 =	sadd.s32 s6, s3;
	[dreg:$0xa] =	wrdreg s21  }
0x14: {  	s1 =	sadd.s32 s5, s1;
	s20 =	simm.s32 $0xD;
	s21 =	simm.s32 $0xAF00  }
0x15: {  	s5 =	simm.s32 $0x5;
	s6 =	simm.s32 $0x6;
	s7 =	sshll.u32 s7, $0x4  }
0x16: {  	[dreg:$0xf] =	wrdreg s1;
	s11 =	sadd.s32 s7, s0;
	s0 =	sadd.s32 $0x1F800, s0  }
0x17: {  	s15 =	simm.s32 $0x0;
	[dreg:$0x5] =	wrdreg s0;
	s22 =	sadd.s32 $0x1E00, s11  }
0x18: {  	s1 =	simm.s32 $0x8F00;
	s23 =	sadd.s32 $0xBA40, s11;
	[dreg:$0xb] =	wrdreg s22  }
0x19: {  	s7 =	sor.u32 $0x1C0D, s16;
	s24 =	sadd.s32 $0x22E0, s11;
	[dreg:$0xc] =	wrdreg s23  }
0x1a: {  	s25 =	sadd.s32 $0xBF20, s11;
	s0 =	smax.u32 s10, $0x1;
	[dreg:$0xd] =	wrdreg s24  }
0x1b: {  	s10 =	simm.s32 $0x8;
	s11 =	simm.s32 $0x9;
	[dreg:$0xe] =	wrdreg s25  }
0x1c: {  	[dreg:$0x10] =	wrdreg s0;
	s23 =	simm.s32 $0x80;
	s24 =	simm.s32 $0x4F00  }
0x1d: {  	s25 =	simm.s32 $0x5F00;
	s22 =	simm.s32 $0x9F00;
	s0 =	simm.s32 $0x4  }
.LBB2_1:
0x1e: {  	s4 =	rddreg [dreg:$0x6]  }
0x1f: {  	s16 =	rddreg [dreg:$0x11]  }
0x20: {  	[spmem:s16], [sflag:s7] =	dma.local [hbm:s4], $0xA00  }
0x21: {  	_ =	swait.ge [sflag:s20], $0xA00  }
0x22: {  	[sflag:s20] =	ssyncset.done $0x0  }
0x23: {  	s4 =	simm.s32 $0x0;
	s19 =	rddreg [dreg:$0x5];
	[sflag:s20] =	ssyncadd.s32 $0xFFFFF600  }
0x24: {  	[tilespmem:s21], [sflag:$0xD] =	stream.linear.gather [hbm4b:s19+s4], $0x1000, $0x38;
	[tilespmem:$0x15F00] =	vst v63  }
0x25: {  	_ =	swait.ge [sflag:s20], $0x1000  }
0x26: {  	[sflag:s20] =	ssyncset.done $0x0  }
0x27: {  	[sflag:s20] =	ssyncadd.s32 $0xFFFFF000  }
0x28: {  	[spmem:s8] =	stream.linear.scatter [tilespmem:s21], [sflag:$0xD], $0x1000, $0x38;
	[tilespmem:$0x15F00] =	vst v63  }
0x29: {  	_ =	swait.ge [sflag:s20], $0x1000  }
0x2a: {  	[sflag:s20] =	ssyncset.done $0x0  }
0x2b: {  	s17 =	rddreg [dreg:$0x7];
	[sflag:s20] =	ssyncadd.s32 $0xFFFFF000  }
0x2c: {  	[spmem:s17] =	stream.linear.scatter [tilespmem:s21], [sflag:$0xD], $0x1000, $0x38;
	[tilespmem:$0x15F00] =	vst v63  }
0x2d: {  	_ =	swait.ge [sflag:s20], $0x1000  }
0x2e: {  	[sflag:s20] =	ssyncset.done $0x0  }
0x2f: {  	s18 =	rddreg [dreg:$0x8];
	[sflag:s20] =	ssyncadd.s32 $0xFFFFF000  }
0x30: {  	[spmem:s18] =	stream.linear.scatter [tilespmem:s21], [sflag:$0xD], $0x1000, $0x38;
	[tilespmem:$0x15F00] =	vst v63  }
0x31: {  	_ =	swait.ge [sflag:s20], $0x1000  }
0x32: {  	[sflag:s20] =	ssyncset.done $0x0  }
0x33: {  	s19 =	rddreg [dreg:$0x9];
	[sflag:s20] =	ssyncadd.s32 $0xFFFFF000  }
0x34: {  	[spmem:s19] =	stream.linear.scatter [tilespmem:s21], [sflag:$0xD], $0x1000, $0x38;
	[tilespmem:$0x15F00] =	vst v63  }
0x35: {  	_ =	swait.ge [sflag:s20], $0x1000  }
0x36: {  	[sflag:s20] =	ssyncset.done $0x0  }
0x37: {  	s17 =	rddreg [dreg:$0xa];
	[sflag:s20] =	ssyncadd.s32 $0xFFFFF000  }
0x38: {  	[spmem:s17] =	stream.linear.scatter [tilespmem:s21], [sflag:$0xD], $0x1000, $0x38;
	[tilespmem:$0x15F00] =	vst v63  }
0x39: {  	_ =	swait.ge [sflag:s20], $0x1000  }
0x3a: {  	[sflag:s20] =	ssyncset.done $0x0  }
0x3b: {  	s18 =	rddreg [dreg:$0xb];
	[sflag:s20] =	ssyncadd.s32 $0xFFFFF000  }
0x3c: {  	[tilespmem:s4], [sflag:$0xD] =	stream.linear.gather [hbm4b:s18+s4], $0x2700, $0x38;
	[tilespmem:$0x15F00] =	vst v63  }
0x3d: {  	_ =	swait.ge [sflag:s20], $0x2700  }
0x3e: {  	[sflag:s20] =	ssyncset.done $0x0  }
0x3f: {  	s17 =	simm.s32 $0x2780;
	s19 =	rddreg [dreg:$0xc];
	[sflag:s20] =	ssyncadd.s32 $0xFFFFD900  }
0x40: {  	[tilespmem:s17], [sflag:$0xD] =	stream.linear.gather [hbm4b:s19+s4], $0x2700, $0x38;
	[tilespmem:$0x15F00] =	vst v63  }
0x41: {  	_ =	swait.ge [sflag:s20], $0x2700  }
0x42: {  	s16 =	simm.s32 @!p0 $0x0;
	[sflag:s20] =	ssyncset.done $0x0  }
0x43: {  	s17 =	simm.s32 @!p0 $0x2700;
	s18 =	rddreg [dreg:$0xd];
	[sflag:s20] =	ssyncadd.s32 $0xFFFFD900  }
0x44: {  	[tilespmem:s17], [sflag:$0xD] =	stream.linear.gather @!p0 [hbm4b:s18+s16], $0x80, $0x38;
	[tilespmem:$0x15F00] =	vst v63  }
0x45: {  	s17 =	simm.s32 @!p0 $0xD  }
0x46: {  	_ =	swait.ge @!p0 [sflag:s17], $0x80  }
0x47: {  	[sflag:s17] =	ssyncset.done @!p0 $0x0  }
0x48: {  	s18 =	simm.s32 @!p0 $0x4E80;
	s19 =	rddreg [dreg:$0xe];
	[sflag:s17] =	ssyncadd.s32 @!p0 $0xFFFFFF80  }
0x49: {  	[tilespmem:s18], [sflag:$0xD] =	stream.linear.gather @!p0 [hbm4b:s19+s16], $0x80, $0x38;
	[tilespmem:$0x15F00] =	vst v63  }
0x4a: {  	_ =	swait.ge @!p0 [sflag:s17], $0x80  }
0x4b: {  	[sflag:s17] =	ssyncset.done @!p0 $0x0  }
0x4c: {  	[sflag:s17] =	ssyncadd.s32 @!p0 $0xFFFFFF80  }
0x4d: {  	[bflag:$0x0] =	sbarrier.arrive $0xFFFF  }
0x4e: {  	[tilespmem:s24], [sflag:$0x1] =	stream.indirect.gather [spmem:s2], $0x20, s4, s23, $0xb8;
	[tilespmem:$0x15F00] =	vst v63  }
0x4f: {  	_ = 	snop  }
0x50: {  	[tilespmem:s25], [sflag:$0x2] =	stream.indirect.gather [spmem:s2], $0x20, s23, s23, $0xb8;
	[tilespmem:$0x15F00] =	vst v63  }
0x51: {  	s17 =	simm.s32 $0x100  }
0x52: {  	[tilespmem:s28], [sflag:$0x3] =	stream.indirect.gather [spmem:s2], $0x20, s17, s23, $0xb8;
	[tilespmem:$0x15F00] =	vst v63  }
0x53: {  	s18 =	simm.s32 $0x180  }
0x54: {  	[tilespmem:s30], [sflag:$0x4] =	stream.indirect.gather [spmem:s2], $0x20, s18, s23, $0xb8;
	[tilespmem:$0x15F00] =	vst v63  }
0x55: {  	s19 =	simm.s32 $0x200  }
0x56: {  	[tilespmem:s1], [sflag:$0x5] =	stream.indirect.gather [spmem:s2], $0x20, s19, s23, $0xb8;
	[tilespmem:$0x15F00] =	vst v63  }
0x57: {  	s16 =	simm.s32 $0x280  }
0x58: {  	[tilespmem:s22], [sflag:$0x6] =	stream.indirect.gather [spmem:s2], $0x20, s16, s23, $0xb8;
	[tilespmem:$0x15F00] =	vst v63  }
0x59: {  	_ =	swait.ge [sflag:s26], $0x1000  }
0x5a: {  	[sflag:s26] =	ssyncset.done $0x0  }
0x5b: {  	s17 =	simm.s32 $0x2780;
	[sflag:s26] =	ssyncadd.s32 $0xFFFFF000  }
0x5c: {  	[spmem:s3] =	stream.indirect.scatter.add.f32 [tilespmem:s24], [sflag:$0x7], $0x20, s17, s23, $0xb8;
	[tilespmem:$0x15F00] =	vst v63  }
0x5d: {  	_ =	swait.ge [sflag:s29], $0x1000  }
0x5e: {  	[sflag:s29] =	ssyncset.done $0x0  }
0x5f: {  	s18 =	simm.s32 $0x2800;
	[sflag:s29] =	ssyncadd.s32 $0xFFFFF000  }
0x60: {  	[spmem:s3] =	stream.indirect.scatter.add.f32 [tilespmem:s25], [sflag:$0x8], $0x20, s18, s23, $0xb8;
	[tilespmem:$0x15F00] =	vst v63  }
0x61: {  	_ =	swait.ge [sflag:s31], $0x1000  }
0x62: {  	[sflag:s31] =	ssyncset.done $0x0  }
0x63: {  	s19 =	simm.s32 $0x2880;
	[sflag:s31] =	ssyncadd.s32 $0xFFFFF000  }
0x64: {  	[spmem:s3] =	stream.indirect.scatter.add.f32 [tilespmem:s28], [sflag:$0x9], $0x20, s19, s23, $0xb8;
	[tilespmem:$0x15F00] =	vst v63  }
0x65: {  	_ =	swait.ge [sflag:s0], $0x1000  }
0x66: {  	[sflag:s0] =	ssyncset.done $0x0  }
0x67: {  	s4 =	simm.s32 $0x2900;
	[sflag:s0] =	ssyncadd.s32 $0xFFFFF000  }
0x68: {  	[spmem:s3] =	stream.indirect.scatter.add.f32 [tilespmem:s30], [sflag:$0xA], $0x20, s4, s23, $0xb8;
	[tilespmem:$0x15F00] =	vst v63  }
0x69: {  	_ =	swait.ge [sflag:s5], $0x1000  }
0x6a: {  	[sflag:s5] =	ssyncset.done $0x0  }
0x6b: {  	s17 =	simm.s32 $0x2980;
	[sflag:s5] =	ssyncadd.s32 $0xFFFFF000  }
0x6c: {  	[spmem:s3] =	stream.indirect.scatter.add.f32 [tilespmem:s1], [sflag:$0xB], $0x20, s17, s23, $0xb8;
	[tilespmem:$0x15F00] =	vst v63  }
0x6d: {  	_ =	swait.ge [sflag:s6], $0x1000  }
0x6e: {  	[sflag:s6] =	ssyncset.done $0x0  }
0x6f: {  	s18 =	simm.s32 $0x2A00;
	[sflag:s6] =	ssyncadd.s32 $0xFFFFF000  }
0x70: {  	[spmem:s3] =	stream.indirect.scatter.add.f32 [tilespmem:s22], [sflag:$0xC], $0x20, s18, s23, $0xb8;
	[tilespmem:$0x15F00] =	vst v63  }
0x71: {  	_ =	swait.ge [sflag:s9], $0x1000  }
0x72: {  	[sflag:s9] =	ssyncset.done $0x0  }
0x73: {  	s19 =	simm.s32 $0x300;
	[sflag:s9] =	ssyncadd.s32 $0xFFFFF000  }
0x74: {  	[tilespmem:s24], [sflag:$0x1] =	stream.indirect.gather [spmem:s2], $0x20, s19, s23, $0xb8;
	[tilespmem:$0x15F00] =	vst v63  }
0x75: {  	_ =	swait.ge [sflag:s10], $0x1000  }
0x76: {  	[sflag:s10] =	ssyncset.done $0x0  }
0x77: {  	s4 =	simm.s32 $0x380;
	[sflag:s10] =	ssyncadd.s32 $0xFFFFF000  }
0x78: {  	[tilespmem:s25], [sflag:$0x2] =	stream.indirect.gather [spmem:s2], $0x20, s4, s23, $0xb8;
	[tilespmem:$0x15F00] =	vst v63  }
0x79: {  	_ =	swait.ge [sflag:s11], $0x1000  }
0x7a: {  	[sflag:s11] =	ssyncset.done $0x0  }
0x7b: {  	s17 =	simm.s32 $0x400;
	[sflag:s11] =	ssyncadd.s32 $0xFFFFF000  }
0x7c: {  	[tilespmem:s28], [sflag:$0x3] =	stream.indirect.gather [spmem:s2], $0x20, s17, s23, $0xb8;
	[tilespmem:$0x15F00] =	vst v63  }
0x7d: {  	_ =	swait.ge [sflag:s12], $0x1000  }
0x7e: {  	[sflag:s12] =	ssyncset.done $0x0  }
0x7f: {  	s18 =	simm.s32 $0x480;
	[sflag:s12] =	ssyncadd.s32 $0xFFFFF000  }
0x80: {  	[tilespmem:s30], [sflag:$0x4] =	stream.indirect.gather [spmem:s2], $0x20, s18, s23, $0xb8;
	[tilespmem:$0x15F00] =	vst v63  }
0x81: {  	_ =	swait.ge [sflag:s13], $0x1000  }
0x82: {  	[sflag:s13] =	ssyncset.done $0x0  }
0x83: {  	s19 =	simm.s32 $0x500;
	[sflag:s13] =	ssyncadd.s32 $0xFFFFF000  }
0x84: {  	[tilespmem:s1], [sflag:$0x5] =	stream.indirect.gather [spmem:s2], $0x20, s19, s23, $0xb8;
	[tilespmem:$0x15F00] =	vst v63  }
0x85: {  	s16 =	simm.s32 @!p0 $0x4E;
	_ =	swait.ge [sflag:s14], $0x1000  }
0x86: {  	s16 =	simm.s32 @p0 $0x4D;
	s17 =	simm.s32 $0x11;
	[sflag:s14] =	ssyncset.done $0x0  }
0x87: {  	s18 =	simm.s32 $0xC00;
	s19 =	simm.s32 $0x580;
	[sflag:s14] =	ssyncadd.s32 $0xFFFFF000  }
.LBB2_2:
0x88: {  	[tilespmem:s22], [sflag:$0x6] =	stream.indirect.gather [spmem:s2], $0x20, s19, s23, $0xb8;
	[tilespmem:$0x15F00] =	vst v63  }
0x89: {  	s19 =	smov.u32 s18;
	s18 =	sadd.s32 $0xC00, s18;
	_ =	swait.ge [sflag:s26], $0x1000  }
0x8a: {  	s19 =	sshra.s32 s19, $0x2;
	p1 =	sne.s32 s18, $0x9000;
	[sflag:s26] =	ssyncset.done $0x0  }
0x8b: {  	s4 =	sadd.s32 $0x2780, s19;
	[sflag:s26] =	ssyncadd.s32 $0xFFFFF000  }
0x8c: {  	[spmem:s3] =	stream.indirect.scatter.add.f32 [tilespmem:s24], [sflag:$0x7], $0x20, s4, s23, $0xb8;
	[tilespmem:$0x15F00] =	vst v63  }
0x8d: {  	_ =	swait.ge [sflag:s29], $0x1000  }
0x8e: {  	[sflag:s29] =	ssyncset.done $0x0  }
0x8f: {  	s4 =	sadd.s32 $0x2800, s19;
	[sflag:s29] =	ssyncadd.s32 $0xFFFFF000  }
0x90: {  	[spmem:s3] =	stream.indirect.scatter.add.f32 [tilespmem:s25], [sflag:$0x8], $0x20, s4, s23, $0xb8;
	[tilespmem:$0x15F00] =	vst v63  }
0x91: {  	_ =	swait.ge [sflag:s31], $0x1000  }
0x92: {  	[sflag:s31] =	ssyncset.done $0x0  }
0x93: {  	s4 =	sadd.s32 $0x2880, s19;
	[sflag:s31] =	ssyncadd.s32 $0xFFFFF000  }
0x94: {  	[spmem:s3] =	stream.indirect.scatter.add.f32 [tilespmem:s28], [sflag:$0x9], $0x20, s4, s23, $0xb8;
	[tilespmem:$0x15F00] =	vst v63  }
0x95: {  	_ =	swait.ge [sflag:s0], $0x1000  }
0x96: {  	[sflag:s0] =	ssyncset.done $0x0  }
0x97: {  	s4 =	sadd.s32 $0x2900, s19;
	[sflag:s0] =	ssyncadd.s32 $0xFFFFF000  }
0x98: {  	[spmem:s3] =	stream.indirect.scatter.add.f32 [tilespmem:s30], [sflag:$0xA], $0x20, s4, s23, $0xb8;
	[tilespmem:$0x15F00] =	vst v63  }
0x99: {  	_ =	swait.ge [sflag:s5], $0x1000  }
0x9a: {  	[sflag:s5] =	ssyncset.done $0x0  }
0x9b: {  	s4 =	sadd.s32 $0x2980, s19;
	[sflag:s5] =	ssyncadd.s32 $0xFFFFF000  }
0x9c: {  	[spmem:s3] =	stream.indirect.scatter.add.f32 [tilespmem:s1], [sflag:$0xB], $0x20, s4, s23, $0xb8;
	[tilespmem:$0x15F00] =	vst v63  }
0x9d: {  	_ =	swait.ge [sflag:s6], $0x1000  }
0x9e: {  	[sflag:s6] =	ssyncset.done $0x0  }
0x9f: {  	s4 =	sadd.s32 $0x2A00, s19;
	[sflag:s6] =	ssyncadd.s32 $0xFFFFF000  }
0xa0: {  	[spmem:s3] =	stream.indirect.scatter.add.f32 [tilespmem:s22], [sflag:$0xC], $0x20, s4, s23, $0xb8;
	[tilespmem:$0x15F00] =	vst v63  }
0xa1: {  	_ =	swait.ge [sflag:s9], $0x1000  }
0xa2: {  	[sflag:s9] =	ssyncset.done $0x0  }
0xa3: {  	s4 =	sadd.s32 $0x300, s19;
	[sflag:s9] =	ssyncadd.s32 $0xFFFFF000  }
0xa4: {  	[tilespmem:s24], [sflag:$0x1] =	stream.indirect.gather [spmem:s2], $0x20, s4, s23, $0xb8;
	[tilespmem:$0x15F00] =	vst v63  }
0xa5: {  	_ =	swait.ge [sflag:s10], $0x1000  }
0xa6: {  	[sflag:s10] =	ssyncset.done $0x0  }
0xa7: {  	s4 =	sadd.s32 $0x380, s19;
	[sflag:s10] =	ssyncadd.s32 $0xFFFFF000  }
0xa8: {  	[tilespmem:s25], [sflag:$0x2] =	stream.indirect.gather [spmem:s2], $0x20, s4, s23, $0xb8;
	[tilespmem:$0x15F00] =	vst v63  }
0xa9: {  	_ =	swait.ge [sflag:s11], $0x1000  }
0xaa: {  	[sflag:s11] =	ssyncset.done $0x0  }
0xab: {  	s4 =	sadd.s32 $0x400, s19;
	[sflag:s11] =	ssyncadd.s32 $0xFFFFF000  }
0xac: {  	[tilespmem:s28], [sflag:$0x3] =	stream.indirect.gather [spmem:s2], $0x20, s4, s23, $0xb8;
	[tilespmem:$0x15F00] =	vst v63  }
0xad: {  	_ =	swait.ge [sflag:s12], $0x1000  }
0xae: {  	[sflag:s12] =	ssyncset.done $0x0  }
0xaf: {  	s4 =	sadd.s32 $0x480, s19;
	[sflag:s12] =	ssyncadd.s32 $0xFFFFF000  }
0xb0: {  	[tilespmem:s30], [sflag:$0x4] =	stream.indirect.gather [spmem:s2], $0x20, s4, s23, $0xb8;
	[tilespmem:$0x15F00] =	vst v63  }
0xb1: {  	_ =	swait.ge [sflag:s13], $0x1000  }
0xb2: {  	[sflag:s13] =	ssyncset.done $0x0  }
.Ltmp0:
0xb3: {  	s4 =	sadd.s32 $0x500, s19;
	[sflag:s13] =	ssyncadd.s32 $0xFFFFF000;
	(pc) =	sbr.rel @p1 .LBB2_2-.Ltmp0, $4  }
0xb4: {  	[tilespmem:s1], [sflag:$0x5] =	stream.indirect.gather [spmem:s2], $0x20, s4, s23, $0xb8;
	[tilespmem:$0x15F00] =	vst v63  }
0xb5: {  	_ =	swait.ge [sflag:s14], $0x1000  }
0xb6: {  	[sflag:s14] =	ssyncset.done $0x0  }
0xb7: {  	s17 =	sadd.s32 $0x6, s17;
	s19 =	sadd.s32 $0x580, s19;
	[sflag:s14] =	ssyncadd.s32 $0xFFFFF000  }
0xb8: {  	[tilespmem:s22], [sflag:$0x6] =	stream.indirect.gather [spmem:s2], $0x20, s19, s23, $0xb8;
	[tilespmem:$0x15F00] =	vst v63  }
0xb9: {  	_ =	swait.ge [sflag:s26], $0x1000  }
0xba: {  	s4 =	sshra.s32 s18, $0x2;
	[sflag:s26] =	ssyncset.done $0x0  }
0xbb: {  	s18 =	sadd.s32 $0x2780, s4;
	[sflag:s26] =	ssyncadd.s32 $0xFFFFF000  }
0xbc: {  	[spmem:s3] =	stream.indirect.scatter.add.f32 [tilespmem:s24], [sflag:$0x7], $0x20, s18, s23, $0xb8;
	[tilespmem:$0x15F00] =	vst v63  }
0xbd: {  	_ =	swait.ge [sflag:s29], $0x1000  }
0xbe: {  	[sflag:s29] =	ssyncset.done $0x0  }
0xbf: {  	s19 =	sadd.s32 $0x2800, s4;
	[sflag:s29] =	ssyncadd.s32 $0xFFFFF000  }
0xc0: {  	[spmem:s3] =	stream.indirect.scatter.add.f32 [tilespmem:s25], [sflag:$0x8], $0x20, s19, s23, $0xb8;
	[tilespmem:$0x15F00] =	vst v63  }
0xc1: {  	_ =	swait.ge [sflag:s31], $0x1000  }
0xc2: {  	[sflag:s31] =	ssyncset.done $0x0  }
0xc3: {  	s19 =	sadd.s32 $0x2880, s4;
	[sflag:s31] =	ssyncadd.s32 $0xFFFFF000  }
0xc4: {  	[spmem:s3] =	stream.indirect.scatter.add.f32 [tilespmem:s28], [sflag:$0x9], $0x20, s19, s23, $0xb8;
	[tilespmem:$0x15F00] =	vst v63  }
0xc5: {  	_ =	swait.ge [sflag:s0], $0x1000  }
0xc6: {  	[sflag:s0] =	ssyncset.done $0x0  }
0xc7: {  	s19 =	sadd.s32 $0x2900, s4;
	[sflag:s0] =	ssyncadd.s32 $0xFFFFF000  }
0xc8: {  	[spmem:s3] =	stream.indirect.scatter.add.f32 [tilespmem:s30], [sflag:$0xA], $0x20, s19, s23, $0xb8;
	[tilespmem:$0x15F00] =	vst v63  }
0xc9: {  	_ =	swait.ge [sflag:s5], $0x1000  }
0xca: {  	[sflag:s5] =	ssyncset.done $0x0  }
0xcb: {  	s19 =	sadd.s32 $0x2980, s4;
	[sflag:s5] =	ssyncadd.s32 $0xFFFFF000  }
0xcc: {  	[spmem:s3] =	stream.indirect.scatter.add.f32 [tilespmem:s1], [sflag:$0xB], $0x20, s19, s23, $0xb8;
	[tilespmem:$0x15F00] =	vst v63  }
0xcd: {  	_ =	swait.ge [sflag:s6], $0x1000  }
0xce: {  	[sflag:s6] =	ssyncset.done $0x0  }
0xcf: {  	s4 =	sadd.s32 $0x2A00, s4;
	[sflag:s6] =	ssyncadd.s32 $0xFFFFF000  }
0xd0: {  	[spmem:s3] =	stream.indirect.scatter.add.f32 [tilespmem:s22], [sflag:$0xC], $0x20, s4, s23, $0xb8;
	[tilespmem:$0x15F00] =	vst v63  }
0xd1: {  	_ =	swait.ge [sflag:s9], $0x1000  }
0xd2: {  	[sflag:s9] =	ssyncset.done $0x0  }
0xd3: {  	s18 =	sshll.u32 s16, $0x7;
	[sflag:s9] =	ssyncadd.s32 $0xFFFFF000  }
0xd4: {  	[tilespmem:s24], [sflag:$0x1] =	stream.indirect.gather [spmem:s2], $0x20, s18, s23, $0xb8;
	[tilespmem:$0x15F00] =	vst v63  }
0xd5: {  	_ =	swait.ge [sflag:s10], $0x1000  }
0xd6: {  	[sflag:s10] =	ssyncset.done $0x0  }
0xd7: {  	[sflag:s10] =	ssyncadd.s32 $0xFFFFF000  }
0xd8: {  	[tilespmem:s25], [sflag:$0x2] =	stream.indirect.gather [spmem:s2], $0x20, s18, s23, $0xb8;
	[tilespmem:$0x15F00] =	vst v63  }
0xd9: {  	s19 =	sadd.s32 $0xFFFFFFFD, s17;
	_ =	swait.ge [sflag:s11], $0x1000  }
0xda: {  	s4 =	smin.u32 s19, s16;
	[sflag:s11] =	ssyncset.done $0x0  }
0xdb: {  	s4 =	sshll.u32 s4, $0x7;
	[sflag:s11] =	ssyncadd.s32 $0xFFFFF000  }
0xdc: {  	[tilespmem:s28], [sflag:$0x3] =	stream.indirect.gather [spmem:s2], $0x20, s4, s23, $0xb8;
	[tilespmem:$0x15F00] =	vst v63  }
0xdd: {  	s18 =	sadd.s32 $0xFFFFFFFE, s17;
	_ =	swait.ge [sflag:s12], $0x1000  }
0xde: {  	s4 =	smin.u32 s18, s16;
	[sflag:s12] =	ssyncset.done $0x0  }
0xdf: {  	s4 =	sshll.u32 s4, $0x7;
	[sflag:s12] =	ssyncadd.s32 $0xFFFFF000  }
0xe0: {  	[tilespmem:s30], [sflag:$0x4] =	stream.indirect.gather [spmem:s2], $0x20, s4, s23, $0xb8;
	[tilespmem:$0x15F00] =	vst v63  }
0xe1: {  	s19 =	sadd.s32 $0xFFFFFFFF, s17;
	_ =	swait.ge [sflag:s13], $0x1000  }
0xe2: {  	s4 =	smin.u32 s19, s16;
	[sflag:s13] =	ssyncset.done $0x0  }
0xe3: {  	s4 =	sshll.u32 s4, $0x7;
	[sflag:s13] =	ssyncadd.s32 $0xFFFFF000  }
0xe4: {  	[tilespmem:s1], [sflag:$0x5] =	stream.indirect.gather [spmem:s2], $0x20, s4, s23, $0xb8;
	[tilespmem:$0x15F00] =	vst v63  }
0xe5: {  	_ =	swait.ge [sflag:s14], $0x1000  }
0xe6: {  	s16 =	smin.u32 s17, s16;
	[sflag:s14] =	ssyncset.done $0x0  }
0xe7: {  	s4 =	sshll.u32 s16, $0x7;
	[sflag:s14] =	ssyncadd.s32 $0xFFFFF000  }
0xe8: {  	[tilespmem:s22], [sflag:$0x6] =	stream.indirect.gather [spmem:s2], $0x20, s4, s23, $0xb8;
	[tilespmem:$0x15F00] =	vst v63  }
0xe9: {  	_ =	swait.ge [sflag:s26], $0x1000  }
0xea: {  	s17 =	simm.s32 @!p0 $0x4F00;
	[sflag:s26] =	ssyncset.done $0x0  }
0xeb: {  	s16 =	simm.s32 @!p0 $0x4E80;
	s4 =	simm.s32 @!p0 $0x80;
	[sflag:s26] =	ssyncadd.s32 $0xFFFFF000  }
0xec: {  	[spmem:s3] =	stream.indirect.scatter.add.f32 @!p0 [tilespmem:s17], [sflag:$0x7], $0x20, s16, s4, $0xb8;
	[tilespmem:$0x15F00] =	vst v63  }
0xed: {  	s4 =	simm.s32 @!p0 $0x7  }
0xee: {  	_ =	swait.ge @!p0 [sflag:s4], $0x1000  }
0xef: {  	[sflag:s4] =	ssyncset.done @!p0 $0x0  }
0xf0: {  	[sflag:s4] =	ssyncadd.s32 @!p0 $0xFFFFF000  }
0xf1: {  	_ =	swait.ge [sflag:s29], $0x1000  }
0xf2: {  	[sflag:s29] =	ssyncset.done $0x0  }
0xf3: {  	[sflag:s29] =	ssyncadd.s32 $0xFFFFF000  }
0xf4: {  	_ =	swait.ge [sflag:s31], $0x1000  }
0xf5: {  	[sflag:s31] =	ssyncset.done $0x0  }
0xf6: {  	[sflag:s31] =	ssyncadd.s32 $0xFFFFF000  }
0xf7: {  	_ =	swait.ge [sflag:s0], $0x1000  }
0xf8: {  	[sflag:s0] =	ssyncset.done $0x0  }
0xf9: {  	[sflag:s0] =	ssyncadd.s32 $0xFFFFF000  }
0xfa: {  	_ =	swait.ge [sflag:s5], $0x1000  }
0xfb: {  	[sflag:s5] =	ssyncset.done $0x0  }
0xfc: {  	[sflag:s5] =	ssyncadd.s32 $0xFFFFF000  }
0xfd: {  	_ =	swait.ge [sflag:s6], $0x1000  }
0xfe: {  	[sflag:s6] =	ssyncset.done $0x0  }
0xff: {  	[sflag:s6] =	ssyncadd.s32 $0xFFFFF000  }
0x100: {  	[bflag:$0x0] =	sbarrier.arrive $0xFFFF  }
0x101: {  	s17 =	sshrl.u32 s8, $0x3;
	s18 =	rddreg [dreg:$0xf]  }
0x102: {  	[hbm:s18], [sflag:s7] =	dma.local [spmem:s17], $0xA00  }
0x103: {  	_ =	swait.ge [sflag:s20], $0xA00  }
0x104: {  	s15 =	sadd.s32 $0x1, s15;
	s19 =	rddreg [dreg:$0x10]  }
0x105: {  	p1 =	sne.s32 s15, s19  }
.Ltmp1:
0x106: {  	_ = 	snop;
	(pc) =	sbr.rel @p1 .LBB2_1-.Ltmp1, $3  }
0x107: {  	_ =	sdelay $0x1  }
0x108: {  	[sflag:s20] =	ssyncset.done $0x0  }
0x109: {  	[sflag:s20] =	ssyncadd.s32 $0xFFFFF600  }
0x10a: {  	_ =	sfence.sel $0x180000  }
0x10b: {  	[bflag:$0x0] =	sbarrier.arrive $0xFFFF  }
0x10c: {  	_ =	strace $0x9000004D  }
0x10d: {  	s0 =	stileid.u32;
	[bflag:$0x2] =	sbarrier.arrive $0xFFFF  }
0x10e: {  	p0 =	sne.s32 s0, $0x0;
	s0 =	rddreg [dreg:$0x4]  }
0x10f: {  	s0 =	sadd.s32 @!p0 $0x100000, s0  }
0x110: {  	[sflag:s0] =	ssyncadd.tile.s32 @!p0 $0x1;
	_ =	shalt  }
.Lfunc_end2:
_tile_overlayer_lowered:
.L_overlay_start_2:
0x111: {  	(tag) =	ssettag $0x2  }
0x112: {  	s0 =	rddreg [dreg:$0x0];
	s2 =	stileid.u32  }
0x113: {  	s1 =	rddreg [dreg:$0x1];
	p0 =	sne.s32 s2, $0x0  }
0x114: {  	s3 =	rddreg [dreg:$0x2];
	[bflag:$0x3] =	sbarrier.arrive $0xFFFF;
	s2 =	simm.s32 @!p0 $0x1C0D  }
0x115: {  	[timem:s3], [sflag:s2] =	dma.local @!p0 [hbm:s0], s1  }
0x116: {  	s0 =	simm.s32 @!p0 $0xD  }
0x117: {  	_ =	swait.ge @!p0 [sflag:s0], s1  }
0x118: {  	s1 =	ssub.s32 @!p0 $0x0, s1;
	[sflag:s0] =	ssyncset.done @!p0 $0x0  }
0x119: {  	[sflag:s0] =	ssyncadd.s32 @!p0 s1  }
0x11a: {  	[bflag:$0x3] =	sbarrier.arrive $0xFFFF  }
0x11b: {  	_ =	shalt  }

// kernel: kernel.8.cloned.1.call-start
scs
__scs_entry_jumppad:
0x0: {  	(pc) =	sbr.rel $0x88, $3  }
0x1: {  	(tag) =	ssettag $0x0;
	lr =	simm.s32 $0x1  }
0x2: {  	[smem:$0x3F9B] =	sst lr;
	_ =	strace $0xD0000000  }
0x3: {  	_ = 	snop  }
0x4: {  	_ = 	snop  }
0x5: {  	_ = 	snop  }
0x6: {  	_ = 	snop  }
0x7: {  	_ = 	snop  }
__scs_overlays_trampoline_lowered:
0x8: {  	[smem:$0x3FAA] =	sst s0  }
0x9: {  	[smem:$0x3FAB] =	sst s1  }
0xa: {  	[smem:$0x3FAC] =	sst s2  }
0xb: {  	[smem:$0x3FAD] =	sst s3  }
0xc: {  	[smem:$0x3FAE] =	sst s4  }
0xd: {  	[smem:$0x3FAF] =	sst s5  }
0xe: {  	[smem:$0x3FB0] =	sst s6  }
0xf: {  	[smem:$0x3FB1] =	sst s7  }
0x10: {  	[smem:$0x3FB2] =	sst s8  }
0x11: {  	[smem:$0x3FB3] =	sst s9;
	s0 =	simm.s32 @!p0 $0x0  }
0x12: {  	s1 =	sld [smem:$0x3F99];
	s0 =	simm.s32 @p0 $0x1  }
0x13: {  	[smem:$0x3FB4] =	sst s0;
	s0 =	simm.s32 @!p1 $0x0  }
0x14: {  	s2 =	sld [smem:$0x3F98];
	s0 =	simm.s32 @p1 $0x1  }
0x15: {  	[smem:$0x3FB5] =	sst s0;
	s0 =	simm.s32 @!p2 $0x0  }
0x16: {  	s3 =	sld [smem:$0x3FDB];
	s0 =	simm.s32 @p2 $0x1  }
0x17: {  	s4 =	simm.s32 $0x1BF5;
	[smem:$0x3FB7] =	sst s0  }
0x18: {  	s0 =	sld [smem:$0x3F9A];
	_ =	swait.ge [sflag:s4], $0x0  }
0x19: {  	s7 =	sld [smem:$0x3F9B]  }
0x1a: {  	s8 =	sadd.s32 $0xFFFFE003, lr  }
0x1b: {  	s9 =	sadd.s32 $0xFFFFFEF7, lr;
	s5 =	simm.s32 $0xFFFFFFFF;
	p2 =	slt.u32 s8, $0xFFFFF086  }
0x1c: {  	p1 =	slt.u32 s9, $0xF7A;
	s5 =	simm.s32 @!p2 $0x0  }
0x1d: {  	s5 =	simm.s32 @p1 $0x1;
	p0 =	seq.s32 s7, s2  }
0x1e: {  	s7 =	smul.u32 @!p0 $0xF7A, s2;
	p2 =	seq.s32 @!p0 s5, $0x0  }
0x1f: {  	s9 =	smul.u32 $0xF7A, s1;
	s8 =	simm.s32 @!p0 $0x1BF5;
	p2 =	por !p2, p0  }
0x20: {  	[sflag:s8] =	ssyncset.s32 @!p0 $0xFFFFF086;
	s6 =	sadd.s32 @!p0 s3, s7;
	s7 =	simm.s32 @!p0 $0x108  }
0x21: {  	s3 =	sadd.s32 s3, s9;
	s6 =	sadd.s32 @!p0 $0x88, s6;
	s7 =	simm.s32 @p2 $0x1082  }
0x22: {  	[simem:s7], [sflag:s8] =	dma.local @!p0 [hbm:s6], $0xF7A  }
0x23: {  	s9 =	sor.u32 $0xD0000000, s2;
	s6 =	simm.s32 $0x108;
	_ =	swait.ge @!p0 [sflag:s8], $0x0  }
0x24: {  	s3 =	sadd.s32 $0x88, s3;
	s6 =	simm.s32 @!p1 $0x1082;
	[sflag:s4] =	ssyncset.s32 $0xFFFFF086  }
0x25: {  	[simem:s6], [sflag:s4] =	dma.local [hbm:s3], $0xF7A  }
0x26: {  	[smem:$0x3F9B] =	sst s1;
	(tag) =	ssettag s2;
	_ =	strace s9  }
0x27: {  	s1 =	sld [smem:$0x3FAB]  }
0x28: {  	s2 =	sld [smem:$0x3FAC]  }
0x29: {  	s4 =	sld [smem:$0x3FAE]  }
0x2a: {  	p0 =	seq.s32 s5, $0x0;
	s5 =	sld [smem:$0x3FAF]  }
0x2b: {  	s6 =	sld [smem:$0x3FB0]  }
0x2c: {  	s7 =	sld [smem:$0x3FB1]  }
0x2d: {  	s3 =	simm.s32 $0x108;
	s8 =	sld [smem:$0x3FB2]  }
0x2e: {  	s3 =	simm.s32 @!p0 $0x1082;
	s9 =	sld [smem:$0x3FB3]  }
0x2f: {  	lr =	sadd.s32 s0, s3;
	s0 =	sld [smem:$0x3FAA]  }
0x30: {  	s3 =	sld [smem:$0x3FAD]  }
0x31: {  	[smem:$0x3FB6] =	sst s10  }
0x32: {  	s10 =	sld [smem:$0x3FB4];
	_ =	sdelay $0x3  }
0x33: {  	p0 =	seq.s32 s10, $0x1;
	s10 =	sld [smem:$0x3FB6];
	_ =	sdelay $0x3  }
0x34: {  	[smem:$0x3FB6] =	sst s10  }
0x35: {  	s10 =	sld [smem:$0x3FB5];
	_ =	sdelay $0x3  }
0x36: {  	p1 =	seq.s32 s10, $0x1;
	s10 =	sld [smem:$0x3FB6];
	_ =	sdelay $0x3  }
0x37: {  	[smem:$0x3FB6] =	sst s10  }
0x38: {  	s10 =	sld [smem:$0x3FB7]  }
0x39: {  	_ = 	snop;
	(pc) =	sbr.ind lr, $3  }
0x3a: {  	_ = 	snop  }
0x3b: {  	_ = 	snop  }
0x3c: {  	p2 =	seq.s32 s10, $0x1;
	s10 =	sld [smem:$0x3FB6]  }
0x3d: {  	_ =	shalt  }
0x3e: {  	_ =	shalt  }
0x3f: {  	_ =	shalt  }
0x40: {  	_ =	shalt  }
0x41: {  	_ =	shalt  }
0x42: {  	_ =	shalt  }
0x43: {  	_ =	shalt  }
0x44: {  	_ =	shalt  }
0x45: {  	_ =	shalt  }
0x46: {  	_ =	shalt  }
0x47: {  	_ =	shalt  }
0x48: {  	_ =	shalt  }
0x49: {  	_ =	shalt  }
0x4a: {  	_ =	shalt  }
0x4b: {  	_ =	shalt  }
0x4c: {  	_ =	shalt  }
0x4d: {  	_ =	shalt  }
0x4e: {  	_ =	shalt  }
0x4f: {  	_ =	shalt  }
0x50: {  	_ =	shalt  }
0x51: {  	_ =	shalt  }
0x52: {  	_ =	shalt  }
0x53: {  	_ =	shalt  }
0x54: {  	_ =	shalt  }
0x55: {  	_ =	shalt  }
0x56: {  	_ =	shalt  }
0x57: {  	_ =	shalt  }
0x58: {  	_ =	shalt  }
0x59: {  	_ =	shalt  }
0x5a: {  	_ =	shalt  }
0x5b: {  	_ =	shalt  }
0x5c: {  	_ =	shalt  }
0x5d: {  	_ =	shalt  }
0x5e: {  	_ =	shalt  }
0x5f: {  	_ =	shalt  }
0x60: {  	_ =	shalt  }
0x61: {  	_ =	shalt  }
0x62: {  	_ =	shalt  }
0x63: {  	_ =	shalt  }
0x64: {  	_ =	shalt  }
0x65: {  	_ =	shalt  }
0x66: {  	_ =	shalt  }
0x67: {  	_ =	shalt  }
0x68: {  	_ =	shalt  }
0x69: {  	_ =	shalt  }
0x6a: {  	_ =	shalt  }
0x6b: {  	_ =	shalt  }
0x6c: {  	_ =	shalt  }
0x6d: {  	_ =	shalt  }
0x6e: {  	_ =	shalt  }
0x6f: {  	_ =	shalt  }
0x70: {  	_ =	shalt  }
0x71: {  	_ =	shalt  }
0x72: {  	_ =	shalt  }
0x73: {  	_ =	shalt  }
0x74: {  	_ =	shalt  }
0x75: {  	_ =	shalt  }
0x76: {  	_ =	shalt  }
0x77: {  	_ =	shalt  }
0x78: {  	_ =	shalt  }
0x79: {  	_ =	shalt  }
0x7a: {  	_ =	shalt  }
0x7b: {  	_ =	shalt  }
0x7c: {  	_ =	shalt  }
0x7d: {  	_ =	shalt  }
0x7e: {  	_ =	shalt  }
0x7f: {  	_ =	shalt  }
0x80: {  	_ =	shalt  }
0x81: {  	_ =	shalt  }
0x82: {  	_ =	shalt  }
0x83: {  	_ =	shalt  }
0x84: {  	_ =	shalt  }
0x85: {  	_ =	shalt  }
0x86: {  	_ =	shalt  }
0x87: {  	_ =	shalt  }
.Lfunc_end0:
.L_simem_size_0:
called_computation_lowered:
.L_overlay_start_0:
0x88: {  	s2 =	sld [smem:$0x3FD9]  }
0x89: {  	s3 =	sld [smem:$0x3FFE];
	_ =	sdelay $0x1  }
0x8a: {  	s1 =	srdreg.scid  }
0x8b: {  	s0 =	sand.u32 $0x1, s1  }
0x8c: {  	s17 =	sshll.u32 s0, $0xA;
	s2 =	sadd.s32 s3, s2  }
0x8d: {  	s2 =	sadd.s32 s2, s17  }
0x8e: {  	[smem:$0x3FC2] =	sst s2  }
0x8f: {  	_ = 	snop  }
0x90: {  	s2 =	sld [smem:$0x3FD0];
	(tm) =	ssettm $0x1  }
0x91: {  	s18 =	sld [smem:$0x3FFB];
	_ =	sdelay $0x3  }
0x92: {  	_ =	strace s18  }
0x93: {  	s3 =	sld [smem:$0x3FFC];
	_ =	sdelay $0x3  }
0x94: {  	_ =	strace s3  }
0x95: {  	s3 =	sld [smem:$0x3FFD];
	_ =	sdelay $0x3  }
0x96: {  	_ =	strace s3  }
0x97: {  	_ =	strace $0x8FFFFFFF  }
0x98: {  	s19 =	sld [smem:$0x3FDB];
	_ =	sdelay $0x1  }
0x99: {  	s4 =	simm.s32 $_scs_section_size  }
0x9a: {  	s5 =	simm.s32 $_size__tile_overlayer_lowered;
	s6 =	simm.s32 $_tile_overlayer_lowered  }
0x9b: {  	s22 =	simm.s32 $0x1BFF;
	s21 =	sshll.u32 s6, $0x1;
	s3 =	sadd.s32 s4, s19  }
0x9c: {  	s7 =	simm.s32 $0x0;
	s20 =	sshll.u32 s5, $0x1;
	s5 =	sadd.s32 s21, s3  }
0x9d: {  	[timem:s7], [sflag:s22] =	dma.local [hbm:s5], s20  }
0x9e: {  	_ =	swait.ge [sflag:s22], s20  }
0x9f: {  	s4 =	ssub.s32 $0x0, s20;
	[sflag:s22] =	ssyncset.done $0x0  }
0xa0: {  	[sflag:s22] =	ssyncadd.s32 s4;
	_ =	sdelay $0x1  }
0xa1: {  	s23 =	simm.s32 $0x1B8B  }
0xa2: {  	_ =	swait.ge [sflag:s23], $0x1  }
0xa3: {  	[sflag:s23] =	ssyncset.done $0x0  }
0xa4: {  	s25 =	simm.s32 $0x1B8E;
	s24 =	sld [smem:$0x3FFE];
	[sflag:s23] =	ssyncadd.s32 $0xFFFFFFFF  }
0xa5: {  	s26 =	simm.s32 $execute0_lowered;
	[smem:$0x3FD2] =	sst s25  }
0xa6: {  	s5 =	sshll.u32 s26, $0x1;
	_ =	strace $0x80000046;
	[dreg:$0x1] =	wrdreg $0xFFFFFFFF  }
0xa7: {  	s28 =	simm.s32 $_size_execute0_lowered;
	s3 =	sadd.s32 s3, s5;
	[dreg:$0x0] =	wrdreg $0x0  }
0xa8: {  	s5 =	sshll.u32 s28, $0x1;
	[dreg:$0x2] =	wrdreg s3  }
0xa9: {  	[dreg:$0x3] =	wrdreg s5  }
0xaa: {  	[dreg:$0x4] =	wrdreg $0xC0  }
0xab: {  	_ =	task [dreg:s7], $0x5FFFF  }
0xac: {  	[dreg:$0x1] =	wrdreg $0xFFFFFFFF  }
0xad: {  	[dreg:$0x0] =	wrdreg $0x60  }
0xae: {  	[dreg:$0x2] =	wrdreg s24  }
0xaf: {  	[dreg:$0x3] =	wrdreg s2  }
0xb0: {  	[dreg:$0x4] =	wrdreg $0x2F800  }
0xb1: {  	[dreg:$0x5] =	wrdreg $0x9  }
0xb2: {  	_ =	task.clear_ibuf [dreg:s7], $0x6FFFF;
	_ =	strace $0x90000046  }
0xb3: {  	s29 =	simm.s32 $0x9;
	_ =	strace $0x80000048  }
0xb4: {  	_ =	swait.ge [sflag:s29], $0x1  }
0xb5: {  	[sflag:s29] =	ssyncadd.s32 $0xFFFFFFFF  }
0xb6: {  	_ =	strace $0x90000048  }
0xb7: {  	_ =	sfence  }
0xb8: {  	s30 =	sld [smem:$0x0];
	_ =	sdelay $0x2  }
0xb9: {  	s31 =	sshll.u32 s1, $0xD;
	s1 =	sshrl.u32 s1, $0x2  }
0xba: {  	s3 =	sand.u32 $0x4000, s31;
	s1 =	sadd.s32 s1, s30  }
0xbb: {  	s0 =	sor.u32 s3, s0;
	s1 =	sshll.u32 s1, $0x11  }
0xbc: {  	s0 =	sor.u32 s1, s0  }
0xbd: {  	s0 =	sadd.s32 $0x8F2B, s0  }
0xbe: {  	[sflag:s0] =	ssyncadd.remote.s32 $0x1  }
0xbf: {  	_ =	sfence.sel $0xFFFF  }
0xc0: {  	[dreg:$0x0] =	wrdreg $0xFFFFFFFF;
	(pc) =	sbr.abs _section_cstart, $3  }
0xc1: {  	[dreg:$0x1] =	wrdreg $0xFFFFFFFF  }
0xc2: {  	_ =	task.clear_ibuf [dreg:s7], $0x2FFFF;
	_ =	strace $0x9FFFFFFF  }
0xc3: {  	(tm) =	ssettm $0x7FFFFFFF  }
tec
execute0_lowered:
.L_overlay_start_1:
0x0: {  	(tag) =	ssettag $0x1  }
0x1: {  	s5 =	rddreg [dreg:$0x0]  }
0x2: {  	s0 =	srdreg.scid;
	s14 =	rddreg [dreg:$0x1]  }
0x3: {  	s2 =	rddreg [dreg:$0x2];
	s3 =	simm.s32 $0x0;
	s18 =	simm.s32 $0x2B80  }
0x4: {  	s19 =	simm.s32 $0x80;
	s7 =	sand.u32 $0x1, s0;
	s0 =	stileid.u32  }
0x5: {  	s20 =	simm.s32 $0x1;
	s23 =	simm.s32 $0x0;
	s9 =	smul.u32 $0x5000, s0  }
0x6: {  	[smem:$0x7FF] =	sst s3;
	s1 =	sshll.u32 s7, $0x4;
	s12 =	smul.u32 $0x1400, s0  }
0x7: {  	s30 =	ssub.s32 $0x2, s7;
	s17 =	smul.u32 $0x14000, s7;
	s21 =	sshll.u32 s0, $0x6  }
0x8: {  	s16 =	sor.u32 s0, s1;
	s1 =	rddreg [dreg:$0x3];
	_ =	strace $0x80000047  }
0x9: {  	s8 =	sshrl.u32 s30, $0x1;
	s21 =	sor.u32 $0x1C02, s21;
	s4 =	smul.u32 $0x4E, s16  }
0xa: {  	s6 =	smin.u32 s16, $0x4;
	s15 =	ssub.s32 s30, s8;
	p0 =	slt.u32 s16, $0x4  }
0xb: {  	s31 =	sshrl.u32 s9, $0x2;
	s7 =	sadd.s32 s12, s2;
	s17 =	sadd.s32 s12, s17  }
0xc: {  	s11 =	sadd.s32 s31, s2;
	s17 =	sshrl.u32 s17, $0x3;
	s15 =	smax.u32 s15, $0x1  }
0xd: {  	s22 =	sshrl.u32 s7, $0x3;
	s4 =	sadd.s32 s6, s4;
	s6 =	simm.s32 $0x4F  }
0xe: {  	s8 =	sadd.s32 $0x400, s11;
	s9 =	sadd.s32 $0x800, s11;
	s10 =	sadd.s32 $0xC00, s11  }
0xf: {  	s11 =	sadd.s32 $0x1000, s11;
	s14 =	sadd.s32 s14, s17;
	s17 =	simm.s32 $0x2  }
0x10: {  	s4 =	sshll.u32 s4, $0x4;
	s6 =	simm.s32 @!p0 $0x4E;
	p0 =	sgt.u32 s16, $0x3  }
0x11: {  	s16 =	simm.s32 $0x2780;
	s13 =	sadd.s32 s4, s5;
	s4 =	sadd.s32 $0x15A00, s5  }
0x12: {  	s5 =	sadd.s32 $0x15800, s5;
	s12 =	sadd.s32 $0xBA40, s13;
	s13 =	sadd.s32 $0xBF20, s13  }
.LBB2_1:
0x13: {  	[tilespmem:s16], [sflag:$0x2] =	stream.linear.gather [hbm4b:s4+s3], $0x400, $0x38;
	[tilespmem:$0x4380] =	vst v63  }
0x14: {  	_ =	swait.ge [sflag:s17], $0x400  }
0x15: {  	[sflag:s17] =	ssyncset.done $0x0  }
0x16: {  	[sflag:s17] =	ssyncadd.s32 $0xFFFFFC00  }
0x17: {  	[tilespmem:s18], [sflag:$0x2] =	stream.linear.gather [hbm4b:s5+s3], $0x400, $0x38;
	[tilespmem:$0x4380] =	vst v63  }
0x18: {  	_ =	swait.ge [sflag:s17], $0x400  }
0x19: {  	[sflag:s17] =	ssyncset.done $0x0  }
0x1a: {  	[sflag:s17] =	ssyncadd.s32 $0xFFFFFC00  }
0x1b: {  	[spmem:s7] =	stream.linear.scatter [tilespmem:s18], [sflag:$0x2], $0x400, $0x38;
	[tilespmem:$0x4380] =	vst v63  }
0x1c: {  	_ =	swait.ge [sflag:s17], $0x400  }
0x1d: {  	[sflag:s17] =	ssyncset.done $0x0  }
0x1e: {  	[sflag:s17] =	ssyncadd.s32 $0xFFFFFC00  }
0x1f: {  	[spmem:s8] =	stream.linear.scatter [tilespmem:s18], [sflag:$0x2], $0x400, $0x38;
	[tilespmem:$0x4380] =	vst v63  }
0x20: {  	_ =	swait.ge [sflag:s17], $0x400  }
0x21: {  	[sflag:s17] =	ssyncset.done $0x0  }
0x22: {  	[sflag:s17] =	ssyncadd.s32 $0xFFFFFC00  }
0x23: {  	[spmem:s9] =	stream.linear.scatter [tilespmem:s18], [sflag:$0x2], $0x400, $0x38;
	[tilespmem:$0x4380] =	vst v63  }
0x24: {  	_ =	swait.ge [sflag:s17], $0x400  }
0x25: {  	[sflag:s17] =	ssyncset.done $0x0  }
0x26: {  	[sflag:s17] =	ssyncadd.s32 $0xFFFFFC00  }
0x27: {  	[spmem:s10] =	stream.linear.scatter [tilespmem:s18], [sflag:$0x2], $0x400, $0x38;
	[tilespmem:$0x4380] =	vst v63  }
0x28: {  	_ =	swait.ge [sflag:s17], $0x400  }
0x29: {  	[sflag:s17] =	ssyncset.done $0x0  }
0x2a: {  	[sflag:s17] =	ssyncadd.s32 $0xFFFFFC00  }
0x2b: {  	[spmem:s11] =	stream.linear.scatter [tilespmem:s18], [sflag:$0x2], $0x400, $0x38;
	[tilespmem:$0x4380] =	vst v63  }
0x2c: {  	_ =	swait.ge [sflag:s17], $0x400  }
0x2d: {  	[sflag:s17] =	ssyncset.done $0x0  }
0x2e: {  	[sflag:s17] =	ssyncadd.s32 $0xFFFFFC00  }
0x2f: {  	[tilespmem:s3], [sflag:$0x2] =	stream.linear.gather [hbm4b:s12+s3], $0x2700, $0x38;
	[tilespmem:$0x4380] =	vst v63  }
0x30: {  	_ =	swait.ge [sflag:s17], $0x2700  }
0x31: {  	[sflag:s17] =	ssyncset.done $0x0  }
0x32: {  	s24 =	simm.s32 @!p0 $0x0;
	s25 =	simm.s32 @!p0 $0x2700;
	[sflag:s17] =	ssyncadd.s32 $0xFFFFD900  }
0x33: {  	[tilespmem:s25], [sflag:$0x2] =	stream.linear.gather @!p0 [hbm4b:s13+s24], $0x80, $0x38;
	[tilespmem:$0x4380] =	vst v63  }
0x34: {  	p1 =	sne.s32 s6, $0x1;
	s24 =	simm.s32 @!p0 $0x2  }
.Ltmp0:
0x35: {  	_ =	swait.ge @!p0 [sflag:s24], $0x80;
	(pc) =	sbr.rel @!p1 .LBB2_3-.Ltmp0, $4  }
0x36: {  	[sflag:s24] =	ssyncset.done @!p0 $0x0  }
0x37: {  	[sflag:s24] =	ssyncadd.s32 @!p0 $0xFFFFFF80  }
0x38: {  	s25 =	simm.s32 $0x0;
	s24 =	sadd.s32 $0xFFFFFFFF, s6;
	[bflag:$0x0] =	sbarrier.arrive $0xFFFF  }
0x39: {  	[spmem:s2] =	stream.indirect.scatter.add.f32 [tilespmem:s16], [sflag:$0x1], $0x8, s3, s19, $0xb8;
	[tilespmem:$0x4380] =	vst v63  }
.LBB2_2:
0x3a: {  	p2 =	sne.s32 s24, $0x1  }
.Ltmp1:
0x3b: {  	_ = 	snop;
	(pc) =	sbr.rel @p2 .LBB2_2-.Ltmp1, $3  }
0x3c: {  	_ = 	snop  }
0x3d: {  	s24 =	sadd.s32 $0xFFFFFFFF, s24;
	s25 =	sadd.s32 $0x80, s25;
	_ =	sdelay $0x1  }
0x3e: {  	[spmem:s2] =	stream.indirect.scatter.add.f32 [tilespmem:s16], [sflag:$0x1], $0x8, s25, s19, $0xb8;
	[tilespmem:$0x4380] =	vst v63  }
.LBB2_3:
.Ltmp2:
0x3f: {  	(pc) =	sbr.rel @!p1 .LBB2_5-.Ltmp2, $3  }
0x40: {  	_ =	sdelay $0x1  }
0x41: {  	_ =	swait.ge [sflag:s20], $0x400  }
0x42: {  	s24 =	sadd.s32 $0xFFFFFFFF, s6;
	[sflag:s20] =	ssyncset.done $0x0  }
.LBB2_4:
0x43: {  	p1 =	sne.s32 s24, $0x1;
	s24 =	sadd.s32 $0xFFFFFFFF, s24;
	[sflag:s20] =	ssyncadd.s32 $0xFFFFFC00  }
.Ltmp3:
0x44: {  	(pc) =	sbr.rel @p1 .LBB2_4-.Ltmp3, $3  }
0x45: {  	_ =	sdelay $0x1  }
0x46: {  	_ =	swait.ge [sflag:s20], $0x400  }
0x47: {  	[sflag:s20] =	ssyncset.done $0x0  }
.LBB2_5:
0x48: {  	s23 =	sadd.s32 $0x1, s23  }
0x49: {  	[sflag:s20] =	ssyncadd.s32 $0xFFFFFC00;
	p1 =	sne.s32 s23, s15  }
.Ltmp4:
0x4a: {  	[bflag:$0x0] =	sbarrier.arrive $0xFFFF;
	(pc) =	sbr.rel @p1 .LBB2_1-.Ltmp4, $4  }
0x4b: {  	[hbm:s14], [sflag:s21] =	dma.local [spmem:s22], $0x280  }
0x4c: {  	_ =	swait.ge [sflag:s17], $0x280  }
0x4d: {  	[sflag:s17] =	ssyncset.done $0x0  }
0x4e: {  	[sflag:s17] =	ssyncadd.s32 $0xFFFFFD80  }
0x4f: {  	_ =	sfence.sel $0x180000  }
0x50: {  	[bflag:$0x0] =	sbarrier.arrive $0xFFFF  }
0x51: {  	p0 =	sne.s32 s0, $0x0;
	_ =	strace $0x90000047  }
0x52: {  	s0 =	sadd.s32 @!p0 $0x100000, s1;
	[bflag:$0x2] =	sbarrier.arrive $0xFFFF  }
0x53: {  	[sflag:s0] =	ssyncadd.tile.s32 @!p0 $0x1;
	_ =	shalt  }
.Lfunc_end2:
_tile_overlayer_lowered:
.L_overlay_start_2:
0x54: {  	(tag) =	ssettag $0x2  }
0x55: {  	s0 =	rddreg [dreg:$0x0];
	s2 =	stileid.u32  }
0x56: {  	s1 =	rddreg [dreg:$0x1];
	p0 =	sne.s32 s2, $0x0  }
0x57: {  	s3 =	rddreg [dreg:$0x2];
	[bflag:$0x3] =	sbarrier.arrive $0xFFFF;
	s2 =	simm.s32 @!p0 $0x1C02  }
0x58: {  	[timem:s3], [sflag:s2] =	dma.local @!p0 [hbm:s0], s1  }
0x59: {  	s0 =	simm.s32 @!p0 $0x2  }
0x5a: {  	_ =	swait.ge @!p0 [sflag:s0], s1  }
0x5b: {  	s1 =	ssub.s32 @!p0 $0x0, s1;
	[sflag:s0] =	ssyncset.done @!p0 $0x0  }
0x5c: {  	[sflag:s0] =	ssyncadd.s32 @!p0 s1  }
0x5d: {  	[bflag:$0x3] =	sbarrier.arrive $0xFFFF  }
0x5e: {  	_ =	shalt  }

</sc_bundles>
